<compile_context>
chip_gen: v7x
topology: tpu7x:2x2x1
jax: 0.10.2.dev20260603
libtpu: 0.0.44.dev20260713+nightly
codegen_flags: <defaults>
</compile_context>

<pallas_src>
import functools

import jax
import jax.numpy as jnp
from jax import lax
from jax.experimental import pallas as pl
from jax.experimental.pallas import tpu as pltpu
from jax.experimental.pallas import tpu_sc as plsc

_F32 = jnp.float32
_NB = 8


def _shift_down(p, zrow):
    return jnp.concatenate([zrow, p[:-1]], axis=0)


def _shift_up(p, zrow):
    return jnp.concatenate([p[1:], zrow], axis=0)


def _ntdot(a, w):
    return lax.dot_general(a, w, (((1,), (1,)), ((), ())),
                           preferred_element_type=_F32)



def _enc_layer(pls, wcat, relu):
    U, C = pls[0][0].shape
    zrow = jnp.zeros((1, C), _F32)
    blocks = []
    for planes in pls:
        M = len(planes)
        for r in range(M // 2):
            a0 = (planes[2 * r - 1] if r > 0
                  else _shift_down(planes[M - 1], zrow))
            a1 = planes[2 * r]
            a2 = planes[2 * r + 1]
            a3 = (planes[2 * r + 2] if 2 * r + 2 < M
                  else _shift_up(planes[0], zrow))
            blocks.append(jnp.concatenate([a0, a1, a2, a3], axis=1))
    X = jnp.concatenate(blocks, axis=0)
    O = jnp.dot(X, wcat, preferred_element_type=_F32)
    if relu:
        O = jnp.maximum(O, 0.0)
    out, off = [], 0
    for planes in pls:
        half = len(planes) // 2
        out.append([O[(off + i) * U:(off + i + 1) * U] for i in range(half)])
        off += half
    return out


def _enc_body(xv_ref, w1_ref, w2_ref, w3_ref, w4_ref, zt_ref):
    zrow1 = jnp.zeros((1, 1), _F32)
    blocks = []
    for b in range(_NB):
        v = xv_ref[b]
        for r in range(8):
            if r == 0:
                blk = jnp.concatenate(
                    [_shift_down(v[:, 15:16], zrow1), v[:, 0:3]], axis=1)
            elif r == 7:
                blk = jnp.concatenate(
                    [v[:, 13:16], _shift_up(v[:, 0:1], zrow1)], axis=1)
            else:
                blk = v[:, 2 * r - 1:2 * r + 3]
            blocks.append(blk)
    X1 = jnp.concatenate(blocks, axis=0)
    h = jnp.dot(X1, w1_ref[...], preferred_element_type=_F32)
    h = jnp.maximum(h, 0.0)
    pls = [[h[(b * 8 + r) * 65:(b * 8 + r + 1) * 65] for r in range(8)]
           for b in range(_NB)]
    pls = _enc_layer(pls, w2_ref[...], True)
    pls = _enc_layer(pls, w3_ref[...], True)
    pls = _enc_layer(pls, w4_ref[...], False)
    for b in range(_NB):
        zt_ref[b] = pls[b][0].T


def _encoder(xv, w1, w2, w3, w4):
    B = xv.shape[0]
    return pl.pallas_call(
        _enc_body,
        grid=(B // _NB,),
        in_specs=[
            pl.BlockSpec((_NB, 65, 16), lambda b: (b, 0, 0)),
            pl.BlockSpec((4, 32), lambda b: (0, 0)),
            pl.BlockSpec((128, 64), lambda b: (0, 0)),
            pl.BlockSpec((256, 128), lambda b: (0, 0)),
            pl.BlockSpec((512, 128), lambda b: (0, 0)),
        ],
        out_specs=pl.BlockSpec((_NB, 128, 65), lambda b: (b, 0, 0)),
        out_shape=jax.ShapeDtypeStruct((B, 128, 65), _F32),
    )(xv, w1, w2, w3, w4)



def _dec_shifted(planes):
    U, C = planes[0].shape
    M = len(planes)
    zrow = jnp.zeros((1, C), _F32)
    prev = [planes[r - 1] if r > 0 else _shift_down(planes[M - 1], zrow)
            for r in range(M)]
    nxt = [planes[r + 1] if r < M - 1 else _shift_up(planes[0], zrow)
           for r in range(M)]
    xe = [jnp.concatenate([prev[r], planes[r]], axis=1) for r in range(M)]
    xo = [jnp.concatenate([planes[r], nxt[r]], axis=1) for r in range(M)]
    return xe, xo


def _dec_layer(pls, we, wo, relu):
    U = pls[0][0].shape[0]
    xes, xos = [], []
    for planes in pls:
        xe, xo = _dec_shifted(planes)
        xes += xe
        xos += xo
    Ev = jnp.dot(jnp.concatenate(xes, 0), we, preferred_element_type=_F32)
    Od = jnp.dot(jnp.concatenate(xos, 0), wo, preferred_element_type=_F32)
    if relu:
        Ev = jnp.maximum(Ev, 0.0)
        Od = jnp.maximum(Od, 0.0)
    out, off = [], 0
    for planes in pls:
        M = len(planes)
        cur = []
        for r in range(M):
            cur.append(Ev[(off + r) * U:(off + r + 1) * U])
            cur.append(Od[(off + r) * U:(off + r + 1) * U])
        out.append(cur)
        off += M
    return out


def _dec_body(zq_ref, zt_ref, w1e_ref, w1o_ref, w2e_ref, w2o_ref,
              w3e_ref, w3o_ref, w4_ref, o_ref, loss_ref):
    d = zq_ref[...] - zt_ref[...]
    s = jnp.sum(d * d)
    k = pl.program_id(0)

    @pl.when(k == 0)
    def _():
        loss_ref[0, 0] = s

    @pl.when(k > 0)
    def _():
        loss_ref[0, 0] = loss_ref[0, 0] + s

    pls = [[zq_ref[b].T] for b in range(_NB)]
    pls = _dec_layer(pls, w1e_ref[...], w1o_ref[...], True)
    pls = _dec_layer(pls, w2e_ref[...], w2o_ref[...], True)
    pls = _dec_layer(pls, w3e_ref[...], w3o_ref[...], True)
    xcat = []
    for planes in pls:
        xe, xo = _dec_shifted(planes)
        xcat += [jnp.concatenate([xe[r], xo[r]], axis=1) for r in range(8)]
    X4 = jnp.concatenate(xcat, 0)
    R = jnp.dot(X4, w4_ref[...], preferred_element_type=_F32)
    for b in range(_NB):
        o_ref[b] = jnp.concatenate(
            [R[(b * 8 + r) * 65:(b * 8 + r + 1) * 65] for r in range(8)],
            axis=1)


def _decoder(zq3, zT, w1e, w1o, w2e, w2o, w3e, w3o, w4):
    B = zq3.shape[0]
    return pl.pallas_call(
        _dec_body,
        grid=(B // _NB,),
        in_specs=[
            pl.BlockSpec((_NB, 128, 65), lambda b: (b, 0, 0)),
            pl.BlockSpec((_NB, 128, 65), lambda b: (b, 0, 0)),
            pl.BlockSpec((256, 128), lambda b: (0, 0)),
            pl.BlockSpec((256, 128), lambda b: (0, 0)),
            pl.BlockSpec((256, 64), lambda b: (0, 0)),
            pl.BlockSpec((256, 64), lambda b: (0, 0)),
            pl.BlockSpec((128, 32), lambda b: (0, 0)),
            pl.BlockSpec((128, 32), lambda b: (0, 0)),
            pl.BlockSpec((128, 2), lambda b: (0, 0)),
        ],
        out_specs=[
            pl.BlockSpec((_NB, 65, 16), lambda b: (b, 0, 0)),
            pl.BlockSpec((1, 1), lambda b: (0, 0), memory_space=pltpu.SMEM),
        ],
        out_shape=[
            jax.ShapeDtypeStruct((B, 65, 16), _F32),
            jax.ShapeDtypeStruct((1, 1), _F32),
        ],
    )(zq3, zT, w1e, w1o, w2e, w2o, w3e, w3o, w4)



def _dist_body(z_ref, e_ref, idx_ref, perp_ref, acc_ref, z2d_ref):
    k = pl.program_id(0)

    @pl.when(k == 0)
    def _():
        z2d_ref[...] = z_ref[...].reshape(z2d_ref.shape)

    z = z2d_ref[...]
    e = e_ref[...]
    zz = jnp.sum(z * z, axis=1, keepdims=True)
    ee = jnp.sum(e * e, axis=1, keepdims=True).T
    dot = lax.dot_general(z, e, (((1,), (1,)), ((), ())),
                          preferred_element_type=_F32)
    NBK = e.shape[0]
    acc_ref[:, pl.ds(k * NBK, NBK)] = (zz + ee) - 2.0 * dot

    @pl.when(k == pl.num_programs(0) - 1)
    def _():
        acc = acc_ref[...]
        minval = jnp.min(acc, axis=1, keepdims=True)
        colids = lax.broadcasted_iota(jnp.int32, acc.shape, 1)
        big = jnp.int32(2 ** 30)
        idx = jnp.min(jnp.where(acc == minval, colids, big),
                      axis=1, keepdims=True)
        idx_ref[...] = jnp.broadcast_to(idx, idx_ref.shape)
        onehot = (colids == idx).astype(_F32)
        e_mean = jnp.sum(onehot, axis=0, keepdims=True) / acc.shape[0]
        perp = jnp.exp(-jnp.sum(e_mean * jnp.log(e_mean + 1e-10)))
        perp_ref[0, 0] = perp


def _vq_argmin(zT, E):
    B = zT.shape[0]
    K, D = E.shape
    NBK = 256
    grid = K // NBK
    idx2d, perp = pl.pallas_call(
        _dist_body,
        grid=(grid,),
        in_specs=[
            pl.BlockSpec((B, 128, 65), lambda i: (0, 0, 0)),
            pl.BlockSpec((NBK, D), lambda i: (i, 0)),
        ],
        out_specs=[
            pl.BlockSpec((B, 128), lambda i: (0, 0)),
            pl.BlockSpec((1, 1), lambda i: (0, 0), memory_space=pltpu.SMEM),
        ],
        out_shape=[
            jax.ShapeDtypeStruct((B, 128), jnp.int32),
            jax.ShapeDtypeStruct((1, 1), _F32),
        ],
        scratch_shapes=[pltpu.VMEM((B, K), _F32), pltpu.VMEM((B, D), _F32)],
    )(zT, E)
    return idx2d[:, 0], perp[0, 0]



def _sc_gather(E, idx):
    B = idx.shape[0]
    D = E.shape[1]
    rows_per_w = 16
    col_splits = 5
    DW = D // col_splits
    mesh = plsc.VectorSubcoreMesh(core_axis_name="c", subcore_axis_name="s")

    @functools.partial(
        pl.kernel,
        mesh=mesh,
        out_type=jax.ShapeDtypeStruct((B, D), _F32),
        scratch_types=[
            pltpu.VMEM((rows_per_w,), jnp.int32),
            pltpu.VMEM((rows_per_w, DW), _F32),
            pltpu.SemaphoreType.DMA,
        ],
    )
    def gather_kernel(idx_hbm, table_hbm, out_hbm, idx_v, rows_v, sem):
        wid = lax.axis_index("s") * 2 + lax.axis_index("c")
        n_workers = (B // rows_per_w) * col_splits

        @pl.when(wid < n_workers)
        def _():
            wr = wid // col_splits
            h = wid % col_splits
            base = wr * rows_per_w
            col = h * DW
            pltpu.sync_copy(idx_hbm.at[pl.ds(base, rows_per_w)], idx_v)
            pltpu.async_copy(table_hbm.at[idx_v, pl.ds(col, DW)], rows_v,
                             sem).wait()
            pltpu.sync_copy(
                rows_v, out_hbm.at[pl.ds(base, rows_per_w), pl.ds(col, DW)])

    return gather_kernel(idx, E)



def _heads_body(zt_ref, wm_ref, bm_ref, wa1_ref, ba1_ref,
                wa2_ref, ba2_ref, wa3_ref, ba3_ref, mt_ref, adv_ref):
    zz = zt_ref[...]
    B = zz.shape[0]
    zm = zz[:, :64, :].reshape(B, 4160)
    za = zz[:, 64:, :].reshape(B, 4160)
    mt_ref[...] = (jnp.dot(zm, wm_ref[...],
                           preferred_element_type=_F32) + bm_ref[...])
    a = jnp.dot(za, wa1_ref[...], preferred_element_type=_F32)
    a = jnp.maximum(a + ba1_ref[...], 0.0)
    a = jnp.dot(a, wa2_ref[...], preferred_element_type=_F32)
    a = jnp.maximum(a + ba2_ref[...], 0.0)
    a = jnp.dot(a, wa3_ref[...], preferred_element_type=_F32)
    adv_ref[...] = a + ba3_ref[...]


def _heads(zT, wm, bm2, wa1, ba12, wa2, ba22, wa3, ba32):
    B = zT.shape[0]
    NC = wm.shape[1]
    full = lambda a: pl.BlockSpec(a.shape, lambda: tuple([0] * a.ndim))
    args = (zT, wm, bm2, wa1, ba12, wa2, ba22, wa3, ba32)
    return pl.pallas_call(
        _heads_body,
        in_specs=[full(a) for a in args],
        out_specs=[pl.BlockSpec((B, NC), lambda: (0, 0))] * 2,
        out_shape=[jax.ShapeDtypeStruct((B, NC), _F32)] * 2,
    )(*args)



def kernel(x, We1, We2, We3, We4, E, Wm, bm, Wa1, ba1, Wa2, ba2, Wa3, ba3,
           Wd1, Wd2, Wd3, Wd4):
    B, T = x.shape

    xv = x.reshape(B, 65, 16)
    enc_w = lambda w: w.transpose(2, 1, 0).reshape(-1, w.shape[0])
    zT = _encoder(xv, enc_w(We1), enc_w(We2), enc_w(We3), enc_w(We4))

    idx, perplexity = _vq_argmin(zT, E)
    zq_flat = _sc_gather(E, idx)

    r2 = lambda v: v.reshape(1, -1)
    multitask, adversary = _heads(
        zT, Wm, r2(bm), Wa1, r2(ba1), Wa2, r2(ba2), Wa3, r2(ba3))

    def dec_w(w):
        wt = w.transpose(2, 1, 0)
        return (jnp.concatenate([wt[0], wt[2]], axis=0),
                jnp.concatenate([wt[1], wt[3]], axis=0))

    w1e, w1o = dec_w(Wd1)
    w2e, w2o = dec_w(Wd2)
    w3e, w3o = dec_w(Wd3)
    wt4 = Wd4.transpose(2, 1, 0)
    z32 = jnp.zeros((64, 1), _F32)
    w4 = jnp.concatenate([
        jnp.concatenate([jnp.concatenate([wt4[0], wt4[2]], 0), z32], 1),
        jnp.concatenate([z32, jnp.concatenate([wt4[1], wt4[3]], 0)], 1),
    ], axis=0)

    xh, loss = _decoder(zq_flat.reshape(B, 128, 65), zT,
                        w1e, w1o, w2e, w2o, w3e, w3o, w4)
    x_hat = xh.reshape(B, 1, 1040)
    embedding_loss = loss[0, 0] * (1.25 / (B * 8320))

    return (embedding_loss, x_hat, multitask, adversary, perplexity)

# --- scband reference (transcript-rebuilt; emitter-appended) ---
"""Pipeline reference for scband-model-19241453486459 (READ-ONLY COPY).

The authoritative reference and input builder live on the scoring server;
editing this copy changes nothing except your own understanding.
"""

import jax, jax.numpy as jnp
import numpy as np


def conv(x, w, stride=2):
    return jax.lax.conv_general_dilated(x, w, (stride,), ((1, 1),), dimension_numbers=('NCH', 'OIH', 'NCH'))


def deconv(x, w):
    # equivalent of ConvTranspose1d(k=4, s=2, p=1): lhs_dilation=2, pad=(k-1-p)=2
    return jax.lax.conv_general_dilated(x, w, (1,), ((2, 2),), lhs_dilation=(2,), dimension_numbers=('NCH', 'OIH', 'NCH'))


def setup_inputs(seed: int = 0) -> dict:
    key = jax.random.key(seed)
    ks = jax.random.split(key, 16)
    B, T, K, D, NC = 64, 1040, 1024, 128 * 65, 10

    def rn(k, shape, scale):
        return jax.random.normal(k, shape, dtype=jnp.float32) * scale

    inp = {
        'x': jax.random.normal(ks[0], (B, T), dtype=jnp.float32),
        # encoder conv weights [O, I, K]
        'We1': rn(ks[1], (32, 1, 4), 0.3),
        'We2': rn(ks[2], (64, 32, 4), 0.08),
        'We3': rn(ks[3], (128, 64, 4), 0.06),
        'We4': rn(ks[4], (128, 128, 4), 0.04),
        # VQ codebook [K, 8320]
        'E': rn(ks[5], (K, D), 0.05),
        # multitask linear 4160 -> NC
        'Wm': rn(ks[6], (4160, NC), 0.02),
        'bm': jnp.zeros((NC,), jnp.float32),
        # adversary MLP 4160 -> 256 -> 128 -> NC
        'Wa1': rn(ks[7], (4160, 256), 0.02),
        'ba1': jnp.zeros((256,), jnp.float32),
        'Wa2': rn(ks[8], (256, 128), 0.06),
        'ba2': jnp.zeros((128,), jnp.float32),
        'Wa3': rn(ks[9], (128, NC), 0.09),
        'ba3': jnp.zeros((NC,), jnp.float32),
        # decoder deconv weights [O, I, K]
        'Wd1': rn(ks[10], (128, 128, 4), 0.04),
        'Wd2': rn(ks[11], (64, 128, 4), 0.04),
        'Wd3': rn(ks[12], (32, 64, 4), 0.06),
        'Wd4': rn(ks[13], (1, 32, 4), 0.12),
    }
    return inp


def reference(x, We1, We2, We3, We4, E, Wm, bm, Wa1, ba1, Wa2, ba2, Wa3, ba3, Wd1, Wd2, Wd3, Wd4):
    beta = 0.25
    # x.unsqueeze_(1)
    x1 = x[:, None, :]
    # Encoder: 4 strided convs 1040 -> 520 -> 260 -> 130 -> 65
    h = jax.nn.relu(conv(x1, We1))
    h = jax.nn.relu(conv(h, We2))
    h = jax.nn.relu(conv(h, We3))
    z_e = conv(h, We4)  # [B, 128, 65]
    B = z_e.shape[0]
    # VectorQuantizer over flattened latent (e_dim = 128*65 = 8320)
    z_flat = z_e.reshape(B, -1)
    d = (jnp.sum(z_flat ** 2, axis=1, keepdims=True)
         + jnp.sum(E ** 2, axis=1)[None, :]
         - 2.0 * z_flat @ E.T)
    idx = jnp.argmin(d, axis=1)
    z_q_flat = jnp.take(E, idx, axis=0)
    commit = jnp.mean((jax.lax.stop_gradient(z_q_flat) - z_flat) ** 2)
    codebook_loss = jnp.mean((z_q_flat - jax.lax.stop_gradient(z_flat)) ** 2)
    embedding_loss = codebook_loss + beta * commit
    # straight-through estimator
    z_q_st = z_flat + jax.lax.stop_gradient(z_q_flat - z_flat)
    one_hot = jax.nn.one_hot(idx, E.shape[0], dtype=jnp.float32)
    e_mean = jnp.mean(one_hot, axis=0)
    perplexity = jnp.exp(-jnp.sum(e_mean * jnp.log(e_mean + 1e-10)))
    z_q = z_q_st.reshape(B, 128, 65)
    # Multitask head on z_e[:, :64, :]
    multitask = z_e[:, :64, :].reshape(B, -1) @ Wm + bm
    # Adversary head on z_e[:, 64:, :]
    a = jax.nn.relu(z_e[:, 64:, :].reshape(B, -1) @ Wa1 + ba1)
    a = jax.nn.relu(a @ Wa2 + ba2)
    adversary = a @ Wa3 + ba3
    # Decoder: 4 transposed convs 65 -> 130 -> 260 -> 520 -> 1040
    g = jax.nn.relu(deconv(z_q, Wd1))
    g = jax.nn.relu(deconv(g, Wd2))
    g = jax.nn.relu(deconv(g, Wd3))
    x_hat = deconv(g, Wd4)  # [B, 1, 1040]
    return (embedding_loss, x_hat, multitask, adversary, perplexity)

if __name__ == "__main__":
    import jax
    _d = setup_inputs()
    print(jax.jit(kernel)(*tuple(_d.values())))

</pallas_src>

<mosaic_0001>
#map = affine_map<(d0, d1) -> (0)>
#map1 = affine_map<(d0, d1) -> (0, 0)>
module attributes {stable_mosaic.version = 14 : i64} {
  func.func @gather_kernel(%arg0: i32, %arg1: i32, %arg2: memref<64xi32, #tpu.memory_space<hbm>>, %arg3: memref<1024x8320xf32, #tpu.memory_space<hbm>>, %arg4: memref<64x8320xf32, #tpu.memory_space<hbm>>, %arg5: memref<16xi32, #tpu.memory_space<vmem>>, %arg6: memref<16x1664xf32, #tpu.memory_space<vmem>>, %arg7: memref<!tpu.dma_semaphore, #tpu.memory_space<semaphore_mem>>) attributes {dimension_semantics = [#tpu.dimension_semantics<core_parallel>, #tpu.dimension_semantics<subcore_parallel>], iteration_bounds = array<i64: 2, 16>, scalar_prefetch = 0 : i64, scratch_operands = 3 : i64, tpu.core_type = #tpu.core_type<sc_vector_subcore>, window_params = [{transform_indices = #map}, {transform_indices = #map1}, {transform_indices = #map1}]} {
    %mul3A = arith.constant 2 : i32
    %mul3A_0 = arith.muli %arg1, %mul3A : i32
    %add3A = arith.addi %mul3A_0, %arg0 : i32
    %lt3A = arith.constant 20 : i32
    %lt3A_1 = arith.cmpi slt, %add3A, %lt3A : i32
    %convert_element_type3A = arith.extui %lt3A_1 : i1 to i32
    %cond3A = arith.constant 0 : i32
    %cond3A_2 = arith.cmpi ne, %convert_element_type3A, %cond3A : i32
    scf.if %cond3A_2 {
      %jit3A = arith.constant 5 : i32
      %div3A = arith.divsi %add3A, %jit3A : i32
      %sign3A = arith.constant 0 : i32
      %sign3A_3 = arith.cmpi sgt, %add3A, %sign3A : i32
      %sign3A_4 = arith.extui %sign3A_3 : i1 to i32
      %sign3A_5 = arith.constant 0 : i32
      %sign3A_6 = arith.cmpi slt, %add3A, %sign3A_5 : i32
      %sign3A_7 = arith.extui %sign3A_6 : i1 to i32
      %sign3A_8 = arith.subi %sign3A_4, %sign3A_7 : i32
      %sign3A_9 = arith.constant 0 : i32
      %sign3A_10 = arith.cmpi sgt, %jit3A, %sign3A_9 : i32
      %sign3A_11 = arith.extui %sign3A_10 : i1 to i32
      %sign3A_12 = arith.constant 0 : i32
      %sign3A_13 = arith.cmpi slt, %jit3A, %sign3A_12 : i32
      %sign3A_14 = arith.extui %sign3A_13 : i1 to i32
      %sign3A_15 = arith.subi %sign3A_11, %sign3A_14 : i32
      %ne3A = arith.cmpi ne, %sign3A_8, %sign3A_15 : i32
      %rem3A = arith.remsi %add3A, %jit3A : i32
      %ne3A_16 = arith.constant 0 : i32
      %ne3A_17 = arith.cmpi ne, %rem3A, %ne3A_16 : i32
      %and3A = arith.andi %ne3A, %ne3A_17 : i1
      %sub3A = arith.constant 1 : i32
      %sub3A_18 = arith.subi %div3A, %sub3A : i32
      %select_n3A = arith.select %and3A, %sub3A_18, %div3A : i32
      %jit3A_19 = arith.constant 5 : i32
      %eq3A = arith.constant 0 : i32
      %eq3A_20 = arith.cmpi eq, %jit3A_19, %eq3A : i32
      %jit3A_21 = arith.constant 1 : i32
      %select_n3A_22 = arith.select %eq3A_20, %jit3A_21, %jit3A_19 : i32
      %rem3A_23 = arith.remsi %add3A, %select_n3A_22 : i32
      %ne3A_24 = arith.constant 0 : i32
      %ne3A_25 = arith.cmpi ne, %rem3A_23, %ne3A_24 : i32
      %lt3A_26 = arith.constant 0 : i32
      %lt3A_27 = arith.cmpi slt, %rem3A_23, %lt3A_26 : i32
      %lt3A_28 = arith.constant 0 : i32
      %lt3A_29 = arith.cmpi slt, %select_n3A_22, %lt3A_28 : i32
      %ne3A_30 = arith.xori %lt3A_27, %lt3A_29 : i1
      %and3A_31 = arith.andi %ne3A_30, %ne3A_25 : i1
      %add3A_32 = arith.addi %rem3A_23, %select_n3A_22 : i32
      %select_n3A_33 = arith.select %and3A_31, %add3A_32, %rem3A_23 : i32
      %mul3A_34 = arith.constant 16 : i32
      %mul3A_35 = arith.muli %select_n3A, %mul3A_34 : i32
      %mul3A_36 = arith.constant 1664 : i32
      %mul3A_37 = arith.muli %select_n3A_33, %mul3A_36 : i32
      "tpu.region"() ({
        %run_scoped3A = tpu.sem_alloc : memref<!tpu.dma_semaphore, #tpu.memory_space<semaphore_mem>>
        %dma_start3A_40 = tpu.memref_slice %arg2[%mul3A_35] : memref<64xi32, #tpu.memory_space<hbm>> -> memref<16xi32, #tpu.memory_space<hbm>>
        %dma_start3A_41 = tpu.memref_slice %arg2[%mul3A_35] : memref<64xi32, #tpu.memory_space<hbm>> -> memref<16xi32, #tpu.memory_space<hbm>>
        tpu.enqueue_dma source(%dma_start3A_41 : memref<16xi32, #tpu.memory_space<hbm>>) target(%arg5 : memref<16xi32, #tpu.memory_space<vmem>>) target_semaphore(%run_scoped3A : memref<!tpu.dma_semaphore, #tpu.memory_space<semaphore_mem>>)
        %dma_wait3A_42 = tpu.memref_slice %arg2[%mul3A_35] : memref<64xi32, #tpu.memory_space<hbm>> -> memref<16xi32, #tpu.memory_space<hbm>>
        %dma_wait3A_43 = tpu.memref_slice %arg2[%mul3A_35] : memref<64xi32, #tpu.memory_space<hbm>> -> memref<16xi32, #tpu.memory_space<hbm>>
        tpu.wait_dma2 semaphore(%run_scoped3A : memref<!tpu.dma_semaphore, #tpu.memory_space<semaphore_mem>>) src(%dma_wait3A_43 : memref<16xi32, #tpu.memory_space<hbm>>) dst(%arg5 : memref<16xi32, #tpu.memory_space<vmem>>)
        tpu.yield
      }) : () -> ()
      %dma_start3A = arith.constant 0 : i32
      %dma_start3A_38 = tpu.memref_slice %arg3[%dma_start3A, %mul3A_37] : memref<1024x8320xf32, #tpu.memory_space<hbm>> -> memref<1024x1664xf32, #tpu.memory_space<hbm>>
      tpu.enqueue_indirect_dma source(%dma_start3A_38 : memref<1024x1664xf32, #tpu.memory_space<hbm>>) target(%arg6 : memref<16x1664xf32, #tpu.memory_space<vmem>>) offsets(%arg5 : memref<16xi32, #tpu.memory_space<vmem>>) semaphore(%arg7 : memref<!tpu.dma_semaphore, #tpu.memory_space<semaphore_mem>>)
      %dma_wait3A = arith.constant 0 : i32
      %dma_wait3A_39 = tpu.memref_slice %arg3[%dma_wait3A, %mul3A_37] : memref<1024x8320xf32, #tpu.memory_space<hbm>> -> memref<1024x1664xf32, #tpu.memory_space<hbm>>
      tpu.wait_indirect_dma semaphore(%arg7 : memref<!tpu.dma_semaphore, #tpu.memory_space<semaphore_mem>>) src(%dma_wait3A_39 : memref<1024x1664xf32, #tpu.memory_space<hbm>>) dst(%arg6 : memref<16x1664xf32, #tpu.memory_space<vmem>>)
      "tpu.region"() ({
        %run_scoped3A = tpu.sem_alloc : memref<!tpu.dma_semaphore, #tpu.memory_space<semaphore_mem>>
        %dma_start3A_40 = tpu.memref_slice %arg4[%mul3A_35, %mul3A_37] : memref<64x8320xf32, #tpu.memory_space<hbm>> -> memref<16x1664xf32, #tpu.memory_space<hbm>>
        %dma_start3A_41 = tpu.memref_slice %arg4[%mul3A_35, %mul3A_37] : memref<64x8320xf32, #tpu.memory_space<hbm>> -> memref<16x1664xf32, #tpu.memory_space<hbm>>
        tpu.enqueue_dma source(%arg6 : memref<16x1664xf32, #tpu.memory_space<vmem>>) target(%dma_start3A_41 : memref<16x1664xf32, #tpu.memory_space<hbm>>) target_semaphore(%run_scoped3A : memref<!tpu.dma_semaphore, #tpu.memory_space<semaphore_mem>>)
        %dma_wait3A_42 = tpu.memref_slice %arg4[%mul3A_35, %mul3A_37] : memref<64x8320xf32, #tpu.memory_space<hbm>> -> memref<16x1664xf32, #tpu.memory_space<hbm>>
        %dma_wait3A_43 = tpu.memref_slice %arg4[%mul3A_35, %mul3A_37] : memref<64x8320xf32, #tpu.memory_space<hbm>> -> memref<16x1664xf32, #tpu.memory_space<hbm>>
        tpu.wait_dma2 semaphore(%run_scoped3A : memref<!tpu.dma_semaphore, #tpu.memory_space<semaphore_mem>>) src(%arg6 : memref<16x1664xf32, #tpu.memory_space<vmem>>) dst(%dma_wait3A_43 : memref<16x1664xf32, #tpu.memory_space<hbm>>)
        tpu.yield
      }) : () -> ()
    } else {
    }
    return
  }
}

module attributes {stable_mosaic.version = 14 : i64} {
  func.func @_dist_body(%arg0: i32, %arg1: memref<64x128x65xf32, #tpu.memory_space<vmem>>, %arg2: memref<256x8320xf32, #tpu.memory_space<vmem>>, %arg3: memref<64x128xi32, #tpu.memory_space<vmem>>, %arg4: memref<1x1xf32, #tpu.memory_space<smem>>, %arg5: memref<64x1024xf32, #tpu.memory_space<vmem>>, %arg6: memref<64x8320xf32, #tpu.memory_space<vmem>>) attributes {dimension_semantics = [#tpu.dimension_semantics<arbitrary>], iteration_bounds = array<i64: 4>, scalar_prefetch = 0 : i64, scratch_operands = 2 : i64, tpu.core_type = #tpu.core_type<tc>, window_params = [{pipeline_mode = #tpu.pipeline_mode<synchronous>, transform_indices = @transform_0, window_bounds = array<i64: 64, 128, 65>}, {transform_indices = @transform_1, window_bounds = array<i64: 256, 8320>}, {pipeline_mode = #tpu.pipeline_mode<synchronous>, transform_indices = @transform_2, window_bounds = array<i64: 64, 128>}, {transform_indices = @transform_3, window_bounds = array<i64: 1, 1>}]} {
    %eq3A = arith.constant 0 : i32
    %eq3A_0 = arith.cmpi eq, %arg0, %eq3A : i32
    %convert_element_type3A = arith.extui %eq3A_0 : i1 to i32
    %cond3A = arith.constant 0 : i32
    %cond3A_1 = arith.cmpi ne, %convert_element_type3A, %cond3A : i32
    scf.if %cond3A_1 {
      %get3A_27 = arith.constant 0 : index
      %get3A_28 = arith.constant 0 : index
      %get3A_29 = arith.constant 0 : index
      %get3A_30 = vector.load %arg1[%get3A_27, %get3A_28, %get3A_29] : memref<64x128x65xf32, #tpu.memory_space<vmem>>, vector<64x128x65xf32>
      %reshape3A = vector.shape_cast %get3A_30 : vector<64x128x65xf32> to vector<64x8320xf32>
      %swap3A_31 = arith.constant 0 : index
      %swap3A_32 = arith.constant 0 : index
      %swap3A_33 = vector.load %arg6[%swap3A_31, %swap3A_32] : memref<64x8320xf32, #tpu.memory_space<vmem>>, vector<64x8320xf32>
      tpu.vector_store %arg6[%swap3A_31, %swap3A_32], %reshape3A {strides = array<i32>} : memref<64x8320xf32, #tpu.memory_space<vmem>>, vector<64x8320xf32>,
    } else {
    }
    %get3A = arith.constant 0 : index
    %get3A_2 = arith.constant 0 : index
    %get3A_3 = vector.load %arg6[%get3A, %get3A_2] : memref<64x8320xf32, #tpu.memory_space<vmem>>, vector<64x8320xf32>
    %get3A_4 = arith.constant 0 : index
    %get3A_5 = arith.constant 0 : index
    %get3A_6 = vector.load %arg2[%get3A_4, %get3A_5] : memref<256x8320xf32, #tpu.memory_space<vmem>>, vector<256x8320xf32>
    %mul3A = arith.mulf %get3A_3, %get3A_3 : vector<64x8320xf32>
    %reduce_sum3A = arith.constant dense<0.000000e+00> : vector<64xf32>
    %reduce_sum3A_7 = vector.multi_reduction <add>, %mul3A, %reduce_sum3A [1] : vector<64x8320xf32> to vector<64xf32>
    %broadcast_in_dim3A = vector.shape_cast %reduce_sum3A_7 : vector<64xf32> to vector<64x1xf32>
    %mul3A_8 = arith.mulf %get3A_6, %get3A_6 : vector<256x8320xf32>
    %reduce_sum3A_9 = arith.constant dense<0.000000e+00> : vector<256xf32>
    %reduce_sum3A_10 = vector.multi_reduction <add>, %mul3A_8, %reduce_sum3A_9 [1] : vector<256x8320xf32> to vector<256xf32>
    %broadcast_in_dim3A_11 = vector.shape_cast %reduce_sum3A_10 : vector<256xf32> to vector<256x1xf32>
    %transpose3A = tpu.transpose %broadcast_in_dim3A_11, [1, 0] : vector<256x1xf32> -> vector<1x256xf32>
    %dot_general3A = arith.constant dense<0.000000e+00> : vector<64x256xf32>
    %dot_general3A_12 = tpu.matmul %get3A_3, %get3A_6, %dot_general3A {dimension_numbers = #tpu.dot_dimension_numbers<[1], [1], [0], [0], [0, 0, 1, 0], [], []>, transpose_lhs_hint = false} : vector<64x8320xf32>, vector<256x8320xf32>, vector<64x256xf32> -> vector<64x256xf32>
    %add3A = vector.broadcast %broadcast_in_dim3A : vector<64x1xf32> to vector<64x256xf32>
    %add3A_13 = vector.broadcast %transpose3A : vector<1x256xf32> to vector<64x256xf32>
    %add3A_14 = arith.addf %add3A, %add3A_13 : vector<64x256xf32>
    %mul3A_15 = arith.constant 2.000000e+00 : f32
    %mul3A_16 = vector.broadcast %mul3A_15 : f32 to vector<64x256xf32>
    %mul3A_17 = arith.mulf %mul3A_16, %dot_general3A_12 : vector<64x256xf32>
    %sub3A = arith.subf %add3A_14, %mul3A_17 : vector<64x256xf32>
    %mul3A_18 = arith.constant 256 : i32
    %mul3A_19 = arith.muli %arg0, %mul3A_18 : i32
    %swap3A = arith.constant 0 : index
    %swap3A_20 = arith.index_cast %mul3A_19 : i32 to index
    %swap3A_21 = vector.load %arg5[%swap3A, %swap3A_20] : memref<64x1024xf32, #tpu.memory_space<vmem>>, vector<64x256xf32>
    tpu.vector_store %arg5[%swap3A, %swap3A_20], %sub3A {strides = array<i32>} : memref<64x1024xf32, #tpu.memory_space<vmem>>, vector<64x256xf32>,
    %eq3A_22 = arith.constant 3 : i32
    %eq3A_23 = arith.cmpi eq, %arg0, %eq3A_22 : i32
    %convert_element_type3A_24 = arith.extui %eq3A_23 : i1 to i32
    %cond3A_25 = arith.constant 0 : i32
    %cond3A_26 = arith.cmpi ne, %convert_element_type3A_24, %cond3A_25 : i32
    scf.if %cond3A_26 {
      %get3A_27 = arith.constant 0 : index
      %get3A_28 = arith.constant 0 : index
      %get3A_29 = vector.load %arg5[%get3A_27, %get3A_28] : memref<64x1024xf32, #tpu.memory_space<vmem>>, vector<64x1024xf32>
      %reduce_min3A = arith.constant dense<0x7F800000> : vector<64xf32>
      %reduce_min3A_30 = vector.multi_reduction <minimumf>, %get3A_29, %reduce_min3A [1] : vector<64x1024xf32> to vector<64xf32>
      %broadcast_in_dim3A_31 = vector.shape_cast %reduce_min3A_30 : vector<64xf32> to vector<64x1xf32>
      %iota3A = tpu.iota {dimensions = array<i32: 1>} : vector<64x1024xi32>
      %eq3A_32 = vector.broadcast %broadcast_in_dim3A_31 : vector<64x1xf32> to vector<64x1024xf32>
      %eq3A_33 = arith.cmpf oeq, %get3A_29, %eq3A_32 : vector<64x1024xf32>
      %jit3A = arith.constant 1073741824 : i32
      %broadcast_in_dim3A_34 = vector.broadcast %jit3A : i32 to vector<64x1024xi32>
      %select_n3A = arith.select %eq3A_33, %iota3A, %broadcast_in_dim3A_34 : vector<64x1024xi1>, vector<64x1024xi32>
      %reduce_min3A_35 = arith.constant dense<2147483647> : vector<64xi32>
      %reduce_min3A_36 = vector.multi_reduction <minsi>, %select_n3A, %reduce_min3A_35 [1] : vector<64x1024xi32> to vector<64xi32>
      %broadcast_in_dim3A_37 = vector.shape_cast %reduce_min3A_36 : vector<64xi32> to vector<64x1xi32>
      %broadcast_in_dim3A_38 = vector.shape_cast %broadcast_in_dim3A_37 : vector<64x1xi32> to vector<64x1xi32>
      %broadcast_in_dim3A_39 = vector.broadcast %broadcast_in_dim3A_38 : vector<64x1xi32> to vector<64x128xi32>
      %swap3A_40 = arith.constant 0 : index
      %swap3A_41 = arith.constant 0 : index
      %swap3A_42 = vector.load %arg3[%swap3A_40, %swap3A_41] : memref<64x128xi32, #tpu.memory_space<vmem>>, vector<64x128xi32>
      tpu.vector_store %arg3[%swap3A_40, %swap3A_41], %broadcast_in_dim3A_39 {strides = array<i32>} : memref<64x128xi32, #tpu.memory_space<vmem>>, vector<64x128xi32>,
      %eq3A_43 = vector.broadcast %broadcast_in_dim3A_37 : vector<64x1xi32> to vector<64x1024xi32>
      %eq3A_44 = arith.cmpi eq, %iota3A, %eq3A_43 : vector<64x1024xi32>
      %convert_element_type3A_45 = arith.extui %eq3A_44 : vector<64x1024xi1> to vector<64x1024xi32>
      %convert_element_type3A_46 = arith.sitofp %convert_element_type3A_45 : vector<64x1024xi32> to vector<64x1024xf32>
      %reduce_sum3A_47 = arith.constant dense<0.000000e+00> : vector<1024xf32>
      %reduce_sum3A_48 = vector.multi_reduction <add>, %convert_element_type3A_46, %reduce_sum3A_47 [0] : vector<64x1024xf32> to vector<1024xf32>
      %broadcast_in_dim3A_49 = vector.shape_cast %reduce_sum3A_48 : vector<1024xf32> to vector<1x1024xf32>
      %div3A = arith.constant 6.400000e+01 : f32
      %div3A_50 = vector.broadcast %div3A : f32 to vector<1x1024xf32>
      %div3A_51 = arith.divf %broadcast_in_dim3A_49, %div3A_50 : vector<1x1024xf32>
      %add3A_52 = arith.constant 1.000000e-10 : f32
      %add3A_53 = vector.broadcast %add3A_52 : f32 to vector<1x1024xf32>
      %add3A_54 = arith.addf %div3A_51, %add3A_53 : vector<1x1024xf32>
      %log3A = math.log %add3A_54 : vector<1x1024xf32>
      %mul3A_55 = arith.mulf %div3A_51, %log3A : vector<1x1024xf32>
      %reduce_sum3A_56 = vector.shape_cast %mul3A_55 : vector<1x1024xf32> to vector<1x1x1024xf32>
      %reduce_sum3A_57 = arith.constant dense<0.000000e+00> : vector<1xf32>
      %reduce_sum3A_58 = vector.multi_reduction <add>, %reduce_sum3A_56, %reduce_sum3A_57 [1, 2] : vector<1x1x1024xf32> to vector<1xf32>
      %reduce_sum3A_59 = vector.shape_cast %reduce_sum3A_58 : vector<1xf32> to vector<1x1x1xf32>
      %reduce_sum3A_60 = vector.extract %reduce_sum3A_59[0, 0, 0] : f32 from vector<1x1x1xf32>
      %neg3A = arith.constant 0.000000e+00 : f32
      %neg3A_61 = arith.subf %neg3A, %reduce_sum3A_60 : f32
      %exp3A = math.exp %neg3A_61 : f32
      %swap3A_62 = arith.constant 0 : index
      %swap3A_63 = arith.constant 0 : index
      %swap3A_64 = memref.load %arg4[%swap3A_62, %swap3A_63] : memref<1x1xf32, #tpu.memory_space<smem>>
      memref.store %exp3A, %arg4[%swap3A_62, %swap3A_63] : memref<1x1xf32, #tpu.memory_space<smem>>
    } else {
    }
    return
  }
  func.func @transform_0(%arg0: i32) -> (i32, i32, i32) {
    %c0_i32 = arith.constant 0 : i32
    %c0_i32_0 = arith.constant 0 : i32
    %c0_i32_1 = arith.constant 0 : i32
    %c0_i32_2 = arith.constant 0 : i32
    return %c0_i32, %c0_i32_0, %c0_i32_1 : i32, i32, i32
  }
  func.func @transform_1(%arg0: i32) -> (i32, i32) {
    %c0_i32 = arith.constant 0 : i32
    %c0_i32_0 = arith.constant 0 : i32
    return %arg0, %c0_i32 : i32, i32
  }
  func.func @transform_2(%arg0: i32) -> (i32, i32) {
    %c0_i32 = arith.constant 0 : i32
    %c0_i32_0 = arith.constant 0 : i32
    %c0_i32_1 = arith.constant 0 : i32
    return %c0_i32, %c0_i32_0 : i32, i32
  }
  func.func @transform_3(%arg0: i32) -> (i32, i32) {
    %c0_i32 = arith.constant 0 : i32
    %c0_i32_0 = arith.constant 0 : i32
    %c0_i32_1 = arith.constant 0 : i32
    return %c0_i32, %c0_i32_0 : i32, i32
  }
}

module attributes {stable_mosaic.version = 14 : i64} {
  func.func @_enc_body(%arg0: i32, %arg1: memref<8x65x16xf32, #tpu.memory_space<vmem>>, %arg2: memref<4x32xf32, #tpu.memory_space<vmem>>, %arg3: memref<128x64xf32, #tpu.memory_space<vmem>>, %arg4: memref<256x128xf32, #tpu.memory_space<vmem>>, %arg5: memref<512x128xf32, #tpu.memory_space<vmem>>, %arg6: memref<8x128x65xf32, #tpu.memory_space<vmem>>) attributes {dimension_semantics = [#tpu.dimension_semantics<arbitrary>], iteration_bounds = array<i64: 8>, scalar_prefetch = 0 : i64, scratch_operands = 0 : i64, tpu.core_type = #tpu.core_type<tc>, window_params = [{transform_indices = @transform_0, window_bounds = array<i64: 8, 65, 16>}, {pipeline_mode = #tpu.pipeline_mode<synchronous>, transform_indices = @transform_1, window_bounds = array<i64: 4, 32>}, {pipeline_mode = #tpu.pipeline_mode<synchronous>, transform_indices = @transform_2, window_bounds = array<i64: 128, 64>}, {pipeline_mode = #tpu.pipeline_mode<synchronous>, transform_indices = @transform_3, window_bounds = array<i64: 256, 128>}, {pipeline_mode = #tpu.pipeline_mode<synchronous>, transform_indices = @transform_4, window_bounds = array<i64: 512, 128>}, {transform_indices = @transform_5, window_bounds = array<i64: 8, 128, 65>}]} {
    %broadcast_in_dim3A = arith.constant 0.000000e+00 : f32
    %broadcast_in_dim3A_0 = vector.broadcast %broadcast_in_dim3A : f32 to vector<1x1xf32>
    %get3A = arith.constant 0 : index
    %get3A_1 = arith.constant 0 : index
    %get3A_2 = arith.constant 0 : index
    %get3A_3 = vector.load %arg1[%get3A, %get3A_1, %get3A_2] : memref<8x65x16xf32, #tpu.memory_space<vmem>>, vector<1x65x16xf32>
    %get3A_4 = vector.shape_cast %get3A_3 : vector<1x65x16xf32> to vector<65x16xf32>
    %slice3A = vector.extract_strided_slice %get3A_4 {offsets = [0, 15], sizes = [65, 1], strides = [1, 1]} : vector<65x16xf32> to vector<65x1xf32>
    %slice3A_5 = vector.extract_strided_slice %slice3A {offsets = [0, 0], sizes = [64, 1], strides = [1, 1]} : vector<65x1xf32> to vector<64x1xf32>
    %concatenate3A = tpu.concatenate %broadcast_in_dim3A_0, %slice3A_5 in 0 : vector<1x1xf32>, vector<64x1xf32> -> vector<65x1xf32>
    %slice3A_6 = vector.extract_strided_slice %get3A_4 {offsets = [0, 0], sizes = [65, 3], strides = [1, 1]} : vector<65x16xf32> to vector<65x3xf32>
    %concatenate3A_7 = tpu.concatenate %concatenate3A, %slice3A_6 in 1 : vector<65x1xf32>, vector<65x3xf32> -> vector<65x4xf32>
    %slice3A_8 = vector.extract_strided_slice %get3A_4 {offsets = [0, 1], sizes = [65, 4], strides = [1, 1]} : vector<65x16xf32> to vector<65x4xf32>
    %slice3A_9 = vector.extract_strided_slice %get3A_4 {offsets = [0, 3], sizes = [65, 4], strides = [1, 1]} : vector<65x16xf32> to vector<65x4xf32>
    %slice3A_10 = vector.extract_strided_slice %get3A_4 {offsets = [0, 5], sizes = [65, 4], strides = [1, 1]} : vector<65x16xf32> to vector<65x4xf32>
    %slice3A_11 = vector.extract_strided_slice %get3A_4 {offsets = [0, 7], sizes = [65, 4], strides = [1, 1]} : vector<65x16xf32> to vector<65x4xf32>
    %slice3A_12 = vector.extract_strided_slice %get3A_4 {offsets = [0, 9], sizes = [65, 4], strides = [1, 1]} : vector<65x16xf32> to vector<65x4xf32>
    %slice3A_13 = vector.extract_strided_slice %get3A_4 {offsets = [0, 11], sizes = [65, 4], strides = [1, 1]} : vector<65x16xf32> to vector<65x4xf32>
    %slice3A_14 = vector.extract_strided_slice %get3A_4 {offsets = [0, 13], sizes = [65, 3], strides = [1, 1]} : vector<65x16xf32> to vector<65x3xf32>
    %slice3A_15 = vector.extract_strided_slice %get3A_4 {offsets = [0, 0], sizes = [65, 1], strides = [1, 1]} : vector<65x16xf32> to vector<65x1xf32>
    %slice3A_16 = vector.extract_strided_slice %slice3A_15 {offsets = [1, 0], sizes = [64, 1], strides = [1, 1]} : vector<65x1xf32> to vector<64x1xf32>
    %concatenate3A_17 = tpu.concatenate %slice3A_16, %broadcast_in_dim3A_0 in 0 : vector<64x1xf32>, vector<1x1xf32> -> vector<65x1xf32>
    %concatenate3A_18 = tpu.concatenate %slice3A_14, %concatenate3A_17 in 1 : vector<65x3xf32>, vector<65x1xf32> -> vector<65x4xf32>
    %get3A_19 = arith.constant 1 : index
    %get3A_20 = arith.constant 0 : index
    %get3A_21 = arith.constant 0 : index
    %get3A_22 = vector.load %arg1[%get3A_19, %get3A_20, %get3A_21] : memref<8x65x16xf32, #tpu.memory_space<vmem>>, vector<1x65x16xf32>
    %get3A_23 = vector.shape_cast %get3A_22 : vector<1x65x16xf32> to vector<65x16xf32>
    %slice3A_24 = vector.extract_strided_slice %get3A_23 {offsets = [0, 15], sizes = [65, 1], strides = [1, 1]} : vector<65x16xf32> to vector<65x1xf32>
    %slice3A_25 = vector.extract_strided_slice %slice3A_24 {offsets = [0, 0], sizes = [64, 1], strides = [1, 1]} : vector<65x1xf32> to vector<64x1xf32>
    %concatenate3A_26 = tpu.concatenate %broadcast_in_dim3A_0, %slice3A_25 in 0 : vector<1x1xf32>, vector<64x1xf32> -> vector<65x1xf32>
    %slice3A_27 = vector.extract_strided_slice %get3A_23 {offsets = [0, 0], sizes = [65, 3], strides = [1, 1]} : vector<65x16xf32> to vector<65x3xf32>
    %concatenate3A_28 = tpu.concatenate %concatenate3A_26, %slice3A_27 in 1 : vector<65x1xf32>, vector<65x3xf32> -> vector<65x4xf32>
    %slice3A_29 = vector.extract_strided_slice %get3A_23 {offsets = [0, 1], sizes = [65, 4], strides = [1, 1]} : vector<65x16xf32> to vector<65x4xf32>
    %slice3A_30 = vector.extract_strided_slice %get3A_23 {offsets = [0, 3], sizes = [65, 4], strides = [1, 1]} : vector<65x16xf32> to vector<65x4xf32>
    %slice3A_31 = vector.extract_strided_slice %get3A_23 {offsets = [0, 5], sizes = [65, 4], strides = [1, 1]} : vector<65x16xf32> to vector<65x4xf32>
    %slice3A_32 = vector.extract_strided_slice %get3A_23 {offsets = [0, 7], sizes = [65, 4], strides = [1, 1]} : vector<65x16xf32> to vector<65x4xf32>
    %slice3A_33 = vector.extract_strided_slice %get3A_23 {offsets = [0, 9], sizes = [65, 4], strides = [1, 1]} : vector<65x16xf32> to vector<65x4xf32>
    %slice3A_34 = vector.extract_strided_slice %get3A_23 {offsets = [0, 11], sizes = [65, 4], strides = [1, 1]} : vector<65x16xf32> to vector<65x4xf32>
    %slice3A_35 = vector.extract_strided_slice %get3A_23 {offsets = [0, 13], sizes = [65, 3], strides = [1, 1]} : vector<65x16xf32> to vector<65x3xf32>
    %slice3A_36 = vector.extract_strided_slice %get3A_23 {offsets = [0, 0], sizes = [65, 1], strides = [1, 1]} : vector<65x16xf32> to vector<65x1xf32>
    %slice3A_37 = vector.extract_strided_slice %slice3A_36 {offsets = [1, 0], sizes = [64, 1], strides = [1, 1]} : vector<65x1xf32> to vector<64x1xf32>
    %concatenate3A_38 = tpu.concatenate %slice3A_37, %broadcast_in_dim3A_0 in 0 : vector<64x1xf32>, vector<1x1xf32> -> vector<65x1xf32>
    %concatenate3A_39 = tpu.concatenate %slice3A_35, %concatenate3A_38 in 1 : vector<65x3xf32>, vector<65x1xf32> -> vector<65x4xf32>
    %get3A_40 = arith.constant 2 : index
    %get3A_41 = arith.constant 0 : index
    %get3A_42 = arith.constant 0 : index
    %get3A_43 = vector.load %arg1[%get3A_40, %get3A_41, %get3A_42] : memref<8x65x16xf32, #tpu.memory_space<vmem>>, vector<1x65x16xf32>
    %get3A_44 = vector.shape_cast %get3A_43 : vector<1x65x16xf32> to vector<65x16xf32>
    %slice3A_45 = vector.extract_strided_slice %get3A_44 {offsets = [0, 15], sizes = [65, 1], strides = [1, 1]} : vector<65x16xf32> to vector<65x1xf32>
    %slice3A_46 = vector.extract_strided_slice %slice3A_45 {offsets = [0, 0], sizes = [64, 1], strides = [1, 1]} : vector<65x1xf32> to vector<64x1xf32>
    %concatenate3A_47 = tpu.concatenate %broadcast_in_dim3A_0, %slice3A_46 in 0 : vector<1x1xf32>, vector<64x1xf32> -> vector<65x1xf32>
    %slice3A_48 = vector.extract_strided_slice %get3A_44 {offsets = [0, 0], sizes = [65, 3], strides = [1, 1]} : vector<65x16xf32> to vector<65x3xf32>
    %concatenate3A_49 = tpu.concatenate %concatenate3A_47, %slice3A_48 in 1 : vector<65x1xf32>, vector<65x3xf32> -> vector<65x4xf32>
    %slice3A_50 = vector.extract_strided_slice %get3A_44 {offsets = [0, 1], sizes = [65, 4], strides = [1, 1]} : vector<65x16xf32> to vector<65x4xf32>
    %slice3A_51 = vector.extract_strided_slice %get3A_44 {offsets = [0, 3], sizes = [65, 4], strides = [1, 1]} : vector<65x16xf32> to vector<65x4xf32>
    %slice3A_52 = vector.extract_strided_slice %get3A_44 {offsets = [0, 5], sizes = [65, 4], strides = [1, 1]} : vector<65x16xf32> to vector<65x4xf32>
    %slice3A_53 = vector.extract_strided_slice %get3A_44 {offsets = [0, 7], sizes = [65, 4], strides = [1, 1]} : vector<65x16xf32> to vector<65x4xf32>
    %slice3A_54 = vector.extract_strided_slice %get3A_44 {offsets = [0, 9], sizes = [65, 4], strides = [1, 1]} : vector<65x16xf32> to vector<65x4xf32>
    %slice3A_55 = vector.extract_strided_slice %get3A_44 {offsets = [0, 11], sizes = [65, 4], strides = [1, 1]} : vector<65x16xf32> to vector<65x4xf32>
    %slice3A_56 = vector.extract_strided_slice %get3A_44 {offsets = [0, 13], sizes = [65, 3], strides = [1, 1]} : vector<65x16xf32> to vector<65x3xf32>
    %slice3A_57 = vector.extract_strided_slice %get3A_44 {offsets = [0, 0], sizes = [65, 1], strides = [1, 1]} : vector<65x16xf32> to vector<65x1xf32>
    %slice3A_58 = vector.extract_strided_slice %slice3A_57 {offsets = [1, 0], sizes = [64, 1], strides = [1, 1]} : vector<65x1xf32> to vector<64x1xf32>
    %concatenate3A_59 = tpu.concatenate %slice3A_58, %broadcast_in_dim3A_0 in 0 : vector<64x1xf32>, vector<1x1xf32> -> vector<65x1xf32>
    %concatenate3A_60 = tpu.concatenate %slice3A_56, %concatenate3A_59 in 1 : vector<65x3xf32>, vector<65x1xf32> -> vector<65x4xf32>
    %get3A_61 = arith.constant 3 : index
    %get3A_62 = arith.constant 0 : index
    %get3A_63 = arith.constant 0 : index
    %get3A_64 = vector.load %arg1[%get3A_61, %get3A_62, %get3A_63] : memref<8x65x16xf32, #tpu.memory_space<vmem>>, vector<1x65x16xf32>
    %get3A_65 = vector.shape_cast %get3A_64 : vector<1x65x16xf32> to vector<65x16xf32>
    %slice3A_66 = vector.extract_strided_slice %get3A_65 {offsets = [0, 15], sizes = [65, 1], strides = [1, 1]} : vector<65x16xf32> to vector<65x1xf32>
    %slice3A_67 = vector.extract_strided_slice %slice3A_66 {offsets = [0, 0], sizes = [64, 1], strides = [1, 1]} : vector<65x1xf32> to vector<64x1xf32>
    %concatenate3A_68 = tpu.concatenate %broadcast_in_dim3A_0, %slice3A_67 in 0 : vector<1x1xf32>, vector<64x1xf32> -> vector<65x1xf32>
    %slice3A_69 = vector.extract_strided_slice %get3A_65 {offsets = [0, 0], sizes = [65, 3], strides = [1, 1]} : vector<65x16xf32> to vector<65x3xf32>
    %concatenate3A_70 = tpu.concatenate %concatenate3A_68, %slice3A_69 in 1 : vector<65x1xf32>, vector<65x3xf32> -> vector<65x4xf32>
    %slice3A_71 = vector.extract_strided_slice %get3A_65 {offsets = [0, 1], sizes = [65, 4], strides = [1, 1]} : vector<65x16xf32> to vector<65x4xf32>
    %slice3A_72 = vector.extract_strided_slice %get3A_65 {offsets = [0, 3], sizes = [65, 4], strides = [1, 1]} : vector<65x16xf32> to vector<65x4xf32>
    %slice3A_73 = vector.extract_strided_slice %get3A_65 {offsets = [0, 5], sizes = [65, 4], strides = [1, 1]} : vector<65x16xf32> to vector<65x4xf32>
    %slice3A_74 = vector.extract_strided_slice %get3A_65 {offsets = [0, 7], sizes = [65, 4], strides = [1, 1]} : vector<65x16xf32> to vector<65x4xf32>
    %slice3A_75 = vector.extract_strided_slice %get3A_65 {offsets = [0, 9], sizes = [65, 4], strides = [1, 1]} : vector<65x16xf32> to vector<65x4xf32>
    %slice3A_76 = vector.extract_strided_slice %get3A_65 {offsets = [0, 11], sizes = [65, 4], strides = [1, 1]} : vector<65x16xf32> to vector<65x4xf32>
    %slice3A_77 = vector.extract_strided_slice %get3A_65 {offsets = [0, 13], sizes = [65, 3], strides = [1, 1]} : vector<65x16xf32> to vector<65x3xf32>
    %slice3A_78 = vector.extract_strided_slice %get3A_65 {offsets = [0, 0], sizes = [65, 1], strides = [1, 1]} : vector<65x16xf32> to vector<65x1xf32>
    %slice3A_79 = vector.extract_strided_slice %slice3A_78 {offsets = [1, 0], sizes = [64, 1], strides = [1, 1]} : vector<65x1xf32> to vector<64x1xf32>
    %concatenate3A_80 = tpu.concatenate %slice3A_79, %broadcast_in_dim3A_0 in 0 : vector<64x1xf32>, vector<1x1xf32> -> vector<65x1xf32>
    %concatenate3A_81 = tpu.concatenate %slice3A_77, %concatenate3A_80 in 1 : vector<65x3xf32>, vector<65x1xf32> -> vector<65x4xf32>
    %get3A_82 = arith.constant 4 : index
    %get3A_83 = arith.constant 0 : index
    %get3A_84 = arith.constant 0 : index
    %get3A_85 = vector.load %arg1[%get3A_82, %get3A_83, %get3A_84] : memref<8x65x16xf32, #tpu.memory_space<vmem>>, vector<1x65x16xf32>
    %get3A_86 = vector.shape_cast %get3A_85 : vector<1x65x16xf32> to vector<65x16xf32>
    %slice3A_87 = vector.extract_strided_slice %get3A_86 {offsets = [0, 15], sizes = [65, 1], strides = [1, 1]} : vector<65x16xf32> to vector<65x1xf32>
    %slice3A_88 = vector.extract_strided_slice %slice3A_87 {offsets = [0, 0], sizes = [64, 1], strides = [1, 1]} : vector<65x1xf32> to vector<64x1xf32>
    %concatenate3A_89 = tpu.concatenate %broadcast_in_dim3A_0, %slice3A_88 in 0 : vector<1x1xf32>, vector<64x1xf32> -> vector<65x1xf32>
    %slice3A_90 = vector.extract_strided_slice %get3A_86 {offsets = [0, 0], sizes = [65, 3], strides = [1, 1]} : vector<65x16xf32> to vector<65x3xf32>
    %concatenate3A_91 = tpu.concatenate %concatenate3A_89, %slice3A_90 in 1 : vector<65x1xf32>, vector<65x3xf32> -> vector<65x4xf32>
    %slice3A_92 = vector.extract_strided_slice %get3A_86 {offsets = [0, 1], sizes = [65, 4], strides = [1, 1]} : vector<65x16xf32> to vector<65x4xf32>
    %slice3A_93 = vector.extract_strided_slice %get3A_86 {offsets = [0, 3], sizes = [65, 4], strides = [1, 1]} : vector<65x16xf32> to vector<65x4xf32>
    %slice3A_94 = vector.extract_strided_slice %get3A_86 {offsets = [0, 5], sizes = [65, 4], strides = [1, 1]} : vector<65x16xf32> to vector<65x4xf32>
    %slice3A_95 = vector.extract_strided_slice %get3A_86 {offsets = [0, 7], sizes = [65, 4], strides = [1, 1]} : vector<65x16xf32> to vector<65x4xf32>
    %slice3A_96 = vector.extract_strided_slice %get3A_86 {offsets = [0, 9], sizes = [65, 4], strides = [1, 1]} : vector<65x16xf32> to vector<65x4xf32>
    %slice3A_97 = vector.extract_strided_slice %get3A_86 {offsets = [0, 11], sizes = [65, 4], strides = [1, 1]} : vector<65x16xf32> to vector<65x4xf32>
    %slice3A_98 = vector.extract_strided_slice %get3A_86 {offsets = [0, 13], sizes = [65, 3], strides = [1, 1]} : vector<65x16xf32> to vector<65x3xf32>
    %slice3A_99 = vector.extract_strided_slice %get3A_86 {offsets = [0, 0], sizes = [65, 1], strides = [1, 1]} : vector<65x16xf32> to vector<65x1xf32>
    %slice3A_100 = vector.extract_strided_slice %slice3A_99 {offsets = [1, 0], sizes = [64, 1], strides = [1, 1]} : vector<65x1xf32> to vector<64x1xf32>
    %concatenate3A_101 = tpu.concatenate %slice3A_100, %broadcast_in_dim3A_0 in 0 : vector<64x1xf32>, vector<1x1xf32> -> vector<65x1xf32>
    %concatenate3A_102 = tpu.concatenate %slice3A_98, %concatenate3A_101 in 1 : vector<65x3xf32>, vector<65x1xf32> -> vector<65x4xf32>
    %get3A_103 = arith.constant 5 : index
    %get3A_104 = arith.constant 0 : index
    %get3A_105 = arith.constant 0 : index
    %get3A_106 = vector.load %arg1[%get3A_103, %get3A_104, %get3A_105] : memref<8x65x16xf32, #tpu.memory_space<vmem>>, vector<1x65x16xf32>
    %get3A_107 = vector.shape_cast %get3A_106 : vector<1x65x16xf32> to vector<65x16xf32>
    %slice3A_108 = vector.extract_strided_slice %get3A_107 {offsets = [0, 15], sizes = [65, 1], strides = [1, 1]} : vector<65x16xf32> to vector<65x1xf32>
    %slice3A_109 = vector.extract_strided_slice %slice3A_108 {offsets = [0, 0], sizes = [64, 1], strides = [1, 1]} : vector<65x1xf32> to vector<64x1xf32>
    %concatenate3A_110 = tpu.concatenate %broadcast_in_dim3A_0, %slice3A_109 in 0 : vector<1x1xf32>, vector<64x1xf32> -> vector<65x1xf32>
    %slice3A_111 = vector.extract_strided_slice %get3A_107 {offsets = [0, 0], sizes = [65, 3], strides = [1, 1]} : vector<65x16xf32> to vector<65x3xf32>
    %concatenate3A_112 = tpu.concatenate %concatenate3A_110, %slice3A_111 in 1 : vector<65x1xf32>, vector<65x3xf32> -> vector<65x4xf32>
    %slice3A_113 = vector.extract_strided_slice %get3A_107 {offsets = [0, 1], sizes = [65, 4], strides = [1, 1]} : vector<65x16xf32> to vector<65x4xf32>
    %slice3A_114 = vector.extract_strided_slice %get3A_107 {offsets = [0, 3], sizes = [65, 4], strides = [1, 1]} : vector<65x16xf32> to vector<65x4xf32>
    %slice3A_115 = vector.extract_strided_slice %get3A_107 {offsets = [0, 5], sizes = [65, 4], strides = [1, 1]} : vector<65x16xf32> to vector<65x4xf32>
    %slice3A_116 = vector.extract_strided_slice %get3A_107 {offsets = [0, 7], sizes = [65, 4], strides = [1, 1]} : vector<65x16xf32> to vector<65x4xf32>
    %slice3A_117 = vector.extract_strided_slice %get3A_107 {offsets = [0, 9], sizes = [65, 4], strides = [1, 1]} : vector<65x16xf32> to vector<65x4xf32>
    %slice3A_118 = vector.extract_strided_slice %get3A_107 {offsets = [0, 11], sizes = [65, 4], strides = [1, 1]} : vector<65x16xf32> to vector<65x4xf32>
    %slice3A_119 = vector.extract_strided_slice %get3A_107 {offsets = [0, 13], sizes = [65, 3], strides = [1, 1]} : vector<65x16xf32> to vector<65x3xf32>
    %slice3A_120 = vector.extract_strided_slice %get3A_107 {offsets = [0, 0], sizes = [65, 1], strides = [1, 1]} : vector<65x16xf32> to vector<65x1xf32>
    %slice3A_121 = vector.extract_strided_slice %slice3A_120 {offsets = [1, 0], sizes = [64, 1], strides = [1, 1]} : vector<65x1xf32> to vector<64x1xf32>
    %concatenate3A_122 = tpu.concatenate %slice3A_121, %broadcast_in_dim3A_0 in 0 : vector<64x1xf32>, vector<1x1xf32> -> vector<65x1xf32>
    %concatenate3A_123 = tpu.concatenate %slice3A_119, %concatenate3A_122 in 1 : vector<65x3xf32>, vector<65x1xf32> -> vector<65x4xf32>
    %get3A_124 = arith.constant 6 : index
    %get3A_125 = arith.constant 0 : index
    %get3A_126 = arith.constant 0 : index
    %get3A_127 = vector.load %arg1[%get3A_124, %get3A_125, %get3A_126] : memref<8x65x16xf32, #tpu.memory_space<vmem>>, vector<1x65x16xf32>
    %get3A_128 = vector.shape_cast %get3A_127 : vector<1x65x16xf32> to vector<65x16xf32>
    %slice3A_129 = vector.extract_strided_slice %get3A_128 {offsets = [0, 15], sizes = [65, 1], strides = [1, 1]} : vector<65x16xf32> to vector<65x1xf32>
    %slice3A_130 = vector.extract_strided_slice %slice3A_129 {offsets = [0, 0], sizes = [64, 1], strides = [1, 1]} : vector<65x1xf32> to vector<64x1xf32>
    %concatenate3A_131 = tpu.concatenate %broadcast_in_dim3A_0, %slice3A_130 in 0 : vector<1x1xf32>, vector<64x1xf32> -> vector<65x1xf32>
    %slice3A_132 = vector.extract_strided_slice %get3A_128 {offsets = [0, 0], sizes = [65, 3], strides = [1, 1]} : vector<65x16xf32> to vector<65x3xf32>
    %concatenate3A_133 = tpu.concatenate %concatenate3A_131, %slice3A_132 in 1 : vector<65x1xf32>, vector<65x3xf32> -> vector<65x4xf32>
    %slice3A_134 = vector.extract_strided_slice %get3A_128 {offsets = [0, 1], sizes = [65, 4], strides = [1, 1]} : vector<65x16xf32> to vector<65x4xf32>
    %slice3A_135 = vector.extract_strided_slice %get3A_128 {offsets = [0, 3], sizes = [65, 4], strides = [1, 1]} : vector<65x16xf32> to vector<65x4xf32>
    %slice3A_136 = vector.extract_strided_slice %get3A_128 {offsets = [0, 5], sizes = [65, 4], strides = [1, 1]} : vector<65x16xf32> to vector<65x4xf32>
    %slice3A_137 = vector.extract_strided_slice %get3A_128 {offsets = [0, 7], sizes = [65, 4], strides = [1, 1]} : vector<65x16xf32> to vector<65x4xf32>
    %slice3A_138 = vector.extract_strided_slice %get3A_128 {offsets = [0, 9], sizes = [65, 4], strides = [1, 1]} : vector<65x16xf32> to vector<65x4xf32>
    %slice3A_139 = vector.extract_strided_slice %get3A_128 {offsets = [0, 11], sizes = [65, 4], strides = [1, 1]} : vector<65x16xf32> to vector<65x4xf32>
    %slice3A_140 = vector.extract_strided_slice %get3A_128 {offsets = [0, 13], sizes = [65, 3], strides = [1, 1]} : vector<65x16xf32> to vector<65x3xf32>
    %slice3A_141 = vector.extract_strided_slice %get3A_128 {offsets = [0, 0], sizes = [65, 1], strides = [1, 1]} : vector<65x16xf32> to vector<65x1xf32>
    %slice3A_142 = vector.extract_strided_slice %slice3A_141 {offsets = [1, 0], sizes = [64, 1], strides = [1, 1]} : vector<65x1xf32> to vector<64x1xf32>
    %concatenate3A_143 = tpu.concatenate %slice3A_142, %broadcast_in_dim3A_0 in 0 : vector<64x1xf32>, vector<1x1xf32> -> vector<65x1xf32>
    %concatenate3A_144 = tpu.concatenate %slice3A_140, %concatenate3A_143 in 1 : vector<65x3xf32>, vector<65x1xf32> -> vector<65x4xf32>
    %get3A_145 = arith.constant 7 : index
    %get3A_146 = arith.constant 0 : index
    %get3A_147 = arith.constant 0 : index
    %get3A_148 = vector.load %arg1[%get3A_145, %get3A_146, %get3A_147] : memref<8x65x16xf32, #tpu.memory_space<vmem>>, vector<1x65x16xf32>
    %get3A_149 = vector.shape_cast %get3A_148 : vector<1x65x16xf32> to vector<65x16xf32>
    %slice3A_150 = vector.extract_strided_slice %get3A_149 {offsets = [0, 15], sizes = [65, 1], strides = [1, 1]} : vector<65x16xf32> to vector<65x1xf32>
    %slice3A_151 = vector.extract_strided_slice %slice3A_150 {offsets = [0, 0], sizes = [64, 1], strides = [1, 1]} : vector<65x1xf32> to vector<64x1xf32>
    %concatenate3A_152 = tpu.concatenate %broadcast_in_dim3A_0, %slice3A_151 in 0 : vector<1x1xf32>, vector<64x1xf32> -> vector<65x1xf32>
    %slice3A_153 = vector.extract_strided_slice %get3A_149 {offsets = [0, 0], sizes = [65, 3], strides = [1, 1]} : vector<65x16xf32> to vector<65x3xf32>
    %concatenate3A_154 = tpu.concatenate %concatenate3A_152, %slice3A_153 in 1 : vector<65x1xf32>, vector<65x3xf32> -> vector<65x4xf32>
    %slice3A_155 = vector.extract_strided_slice %get3A_149 {offsets = [0, 1], sizes = [65, 4], strides = [1, 1]} : vector<65x16xf32> to vector<65x4xf32>
    %slice3A_156 = vector.extract_strided_slice %get3A_149 {offsets = [0, 3], sizes = [65, 4], strides = [1, 1]} : vector<65x16xf32> to vector<65x4xf32>
    %slice3A_157 = vector.extract_strided_slice %get3A_149 {offsets = [0, 5], sizes = [65, 4], strides = [1, 1]} : vector<65x16xf32> to vector<65x4xf32>
    %slice3A_158 = vector.extract_strided_slice %get3A_149 {offsets = [0, 7], sizes = [65, 4], strides = [1, 1]} : vector<65x16xf32> to vector<65x4xf32>
    %slice3A_159 = vector.extract_strided_slice %get3A_149 {offsets = [0, 9], sizes = [65, 4], strides = [1, 1]} : vector<65x16xf32> to vector<65x4xf32>
    %slice3A_160 = vector.extract_strided_slice %get3A_149 {offsets = [0, 11], sizes = [65, 4], strides = [1, 1]} : vector<65x16xf32> to vector<65x4xf32>
    %slice3A_161 = vector.extract_strided_slice %get3A_149 {offsets = [0, 13], sizes = [65, 3], strides = [1, 1]} : vector<65x16xf32> to vector<65x3xf32>
    %slice3A_162 = vector.extract_strided_slice %get3A_149 {offsets = [0, 0], sizes = [65, 1], strides = [1, 1]} : vector<65x16xf32> to vector<65x1xf32>
    %slice3A_163 = vector.extract_strided_slice %slice3A_162 {offsets = [1, 0], sizes = [64, 1], strides = [1, 1]} : vector<65x1xf32> to vector<64x1xf32>
    %concatenate3A_164 = tpu.concatenate %slice3A_163, %broadcast_in_dim3A_0 in 0 : vector<64x1xf32>, vector<1x1xf32> -> vector<65x1xf32>
    %concatenate3A_165 = tpu.concatenate %slice3A_161, %concatenate3A_164 in 1 : vector<65x3xf32>, vector<65x1xf32> -> vector<65x4xf32>
    %concatenate3A_166 = tpu.concatenate %concatenate3A_7, %slice3A_8, %slice3A_9, %slice3A_10, %slice3A_11, %slice3A_12, %slice3A_13, %concatenate3A_18, %concatenate3A_28, %slice3A_29, %slice3A_30, %slice3A_31, %slice3A_32, %slice3A_33, %slice3A_34, %concatenate3A_39, %concatenate3A_49, %slice3A_50, %slice3A_51, %slice3A_52, %slice3A_53, %slice3A_54, %slice3A_55, %concatenate3A_60, %concatenate3A_70, %slice3A_71, %slice3A_72, %slice3A_73, %slice3A_74, %slice3A_75, %slice3A_76, %concatenate3A_81, %concatenate3A_91, %slice3A_92, %slice3A_93, %slice3A_94, %slice3A_95, %slice3A_96, %slice3A_97, %concatenate3A_102, %concatenate3A_112, %slice3A_113, %slice3A_114, %slice3A_115, %slice3A_116, %slice3A_117, %slice3A_118, %concatenate3A_123, %concatenate3A_133, %slice3A_134, %slice3A_135, %slice3A_136, %slice3A_137, %slice3A_138, %slice3A_139, %concatenate3A_144, %concatenate3A_154, %slice3A_155, %slice3A_156, %slice3A_157, %slice3A_158, %slice3A_159, %slice3A_160, %concatenate3A_165 in 0 : vector<65x4xf32>, vector<65x4xf32>, vector<65x4xf32>, vector<65x4xf32>, vector<65x4xf32>, vector<65x4xf32>, vector<65x4xf32>, vector<65x4xf32>, vector<65x4xf32>, vector<65x4xf32>, vector<65x4xf32>, vector<65x4xf32>, vector<65x4xf32>, vector<65x4xf32>, vector<65x4xf32>, vector<65x4xf32>, vector<65x4xf32>, vector<65x4xf32>, vector<65x4xf32>, vector<65x4xf32>, vector<65x4xf32>, vector<65x4xf32>, vector<65x4xf32>, vector<65x4xf32>, vector<65x4xf32>, vector<65x4xf32>, vector<65x4xf32>, vector<65x4xf32>, vector<65x4xf32>, vector<65x4xf32>, vector<65x4xf32>, vector<65x4xf32>, vector<65x4xf32>, vector<65x4xf32>, vector<65x4xf32>, vector<65x4xf32>, vector<65x4xf32>, vector<65x4xf32>, vector<65x4xf32>, vector<65x4xf32>, vector<65x4xf32>, vector<65x4xf32>, vector<65x4xf32>, vector<65x4xf32>, vector<65x4xf32>, vector<65x4xf32>, vector<65x4xf32>, vector<65x4xf32>, vector<65x4xf32>, vector<65x4xf32>, vector<65x4xf32>, vector<65x4xf32>, vector<65x4xf32>, vector<65x4xf32>, vector<65x4xf32>, vector<65x4xf32>, vector<65x4xf32>, vector<65x4xf32>, vector<65x4xf32>, vector<65x4xf32>, vector<65x4xf32>, vector<65x4xf32>, vector<65x4xf32>, vector<65x4xf32> -> vector<4160x4xf32>
    %get3A_167 = arith.constant 0 : index
    %get3A_168 = arith.constant 0 : index
    %get3A_169 = vector.load %arg2[%get3A_167, %get3A_168] : memref<4x32xf32, #tpu.memory_space<vmem>>, vector<4x32xf32>
    %dot_general3A = arith.constant dense<0.000000e+00> : vector<4160x32xf32>
    %dot_general3A_170 = tpu.matmul %concatenate3A_166, %get3A_169, %dot_general3A {dimension_numbers = #tpu.dot_dimension_numbers<[1], [0], [0], [1], [0, 0, 1, 1], [], []>, transpose_lhs_hint = false} : vector<4160x4xf32>, vector<4x32xf32>, vector<4160x32xf32> -> vector<4160x32xf32>
    %max3A = arith.constant 0.000000e+00 : f32
    %max3A_171 = vector.broadcast %max3A : f32 to vector<4160x32xf32>
    %max3A_172 = arith.maximumf %dot_general3A_170, %max3A_171 : vector<4160x32xf32>
    %slice3A_173 = vector.extract_strided_slice %max3A_172 {offsets = [0, 0], sizes = [65, 32], strides = [1, 1]} : vector<4160x32xf32> to vector<65x32xf32>
    %slice3A_174 = vector.extract_strided_slice %max3A_172 {offsets = [65, 0], sizes = [65, 32], strides = [1, 1]} : vector<4160x32xf32> to vector<65x32xf32>
    %slice3A_175 = vector.extract_strided_slice %max3A_172 {offsets = [130, 0], sizes = [65, 32], strides = [1, 1]} : vector<4160x32xf32> to vector<65x32xf32>
    %slice3A_176 = vector.extract_strided_slice %max3A_172 {offsets = [195, 0], sizes = [65, 32], strides = [1, 1]} : vector<4160x32xf32> to vector<65x32xf32>
    %slice3A_177 = vector.extract_strided_slice %max3A_172 {offsets = [260, 0], sizes = [65, 32], strides = [1, 1]} : vector<4160x32xf32> to vector<65x32xf32>
    %slice3A_178 = vector.extract_strided_slice %max3A_172 {offsets = [325, 0], sizes = [65, 32], strides = [1, 1]} : vector<4160x32xf32> to vector<65x32xf32>
    %slice3A_179 = vector.extract_strided_slice %max3A_172 {offsets = [390, 0], sizes = [65, 32], strides = [1, 1]} : vector<4160x32xf32> to vector<65x32xf32>
    %slice3A_180 = vector.extract_strided_slice %max3A_172 {offsets = [455, 0], sizes = [65, 32], strides = [1, 1]} : vector<4160x32xf32> to vector<65x32xf32>
    %slice3A_181 = vector.extract_strided_slice %max3A_172 {offsets = [520, 0], sizes = [65, 32], strides = [1, 1]} : vector<4160x32xf32> to vector<65x32xf32>
    %slice3A_182 = vector.extract_strided_slice %max3A_172 {offsets = [585, 0], sizes = [65, 32], strides = [1, 1]} : vector<4160x32xf32> to vector<65x32xf32>
    %slice3A_183 = vector.extract_strided_slice %max3A_172 {offsets = [650, 0], sizes = [65, 32], strides = [1, 1]} : vector<4160x32xf32> to vector<65x32xf32>
    %slice3A_184 = vector.extract_strided_slice %max3A_172 {offsets = [715, 0], sizes = [65, 32], strides = [1, 1]} : vector<4160x32xf32> to vector<65x32xf32>
    %slice3A_185 = vector.extract_strided_slice %max3A_172 {offsets = [780, 0], sizes = [65, 32], strides = [1, 1]} : vector<4160x32xf32> to vector<65x32xf32>
    %slice3A_186 = vector.extract_strided_slice %max3A_172 {offsets = [845, 0], sizes = [65, 32], strides = [1, 1]} : vector<4160x32xf32> to vector<65x32xf32>
    %slice3A_187 = vector.extract_strided_slice %max3A_172 {offsets = [910, 0], sizes = [65, 32], strides = [1, 1]} : vector<4160x32xf32> to vector<65x32xf32>
    %slice3A_188 = vector.extract_strided_slice %max3A_172 {offsets = [975, 0], sizes = [65, 32], strides = [1, 1]} : vector<4160x32xf32> to vector<65x32xf32>
    %slice3A_189 = vector.extract_strided_slice %max3A_172 {offsets = [1040, 0], sizes = [65, 32], strides = [1, 1]} : vector<4160x32xf32> to vector<65x32xf32>
    %slice3A_190 = vector.extract_strided_slice %max3A_172 {offsets = [1105, 0], sizes = [65, 32], strides = [1, 1]} : vector<4160x32xf32> to vector<65x32xf32>
    %slice3A_191 = vector.extract_strided_slice %max3A_172 {offsets = [1170, 0], sizes = [65, 32], strides = [1, 1]} : vector<4160x32xf32> to vector<65x32xf32>
    %slice3A_192 = vector.extract_strided_slice %max3A_172 {offsets = [1235, 0], sizes = [65, 32], strides = [1, 1]} : vector<4160x32xf32> to vector<65x32xf32>
    %slice3A_193 = vector.extract_strided_slice %max3A_172 {offsets = [1300, 0], sizes = [65, 32], strides = [1, 1]} : vector<4160x32xf32> to vector<65x32xf32>
    %slice3A_194 = vector.extract_strided_slice %max3A_172 {offsets = [1365, 0], sizes = [65, 32], strides = [1, 1]} : vector<4160x32xf32> to vector<65x32xf32>
    %slice3A_195 = vector.extract_strided_slice %max3A_172 {offsets = [1430, 0], sizes = [65, 32], strides = [1, 1]} : vector<4160x32xf32> to vector<65x32xf32>
    %slice3A_196 = vector.extract_strided_slice %max3A_172 {offsets = [1495, 0], sizes = [65, 32], strides = [1, 1]} : vector<4160x32xf32> to vector<65x32xf32>
    %slice3A_197 = vector.extract_strided_slice %max3A_172 {offsets = [1560, 0], sizes = [65, 32], strides = [1, 1]} : vector<4160x32xf32> to vector<65x32xf32>
    %slice3A_198 = vector.extract_strided_slice %max3A_172 {offsets = [1625, 0], sizes = [65, 32], strides = [1, 1]} : vector<4160x32xf32> to vector<65x32xf32>
    %slice3A_199 = vector.extract_strided_slice %max3A_172 {offsets = [1690, 0], sizes = [65, 32], strides = [1, 1]} : vector<4160x32xf32> to vector<65x32xf32>
    %slice3A_200 = vector.extract_strided_slice %max3A_172 {offsets = [1755, 0], sizes = [65, 32], strides = [1, 1]} : vector<4160x32xf32> to vector<65x32xf32>
    %slice3A_201 = vector.extract_strided_slice %max3A_172 {offsets = [1820, 0], sizes = [65, 32], strides = [1, 1]} : vector<4160x32xf32> to vector<65x32xf32>
    %slice3A_202 = vector.extract_strided_slice %max3A_172 {offsets = [1885, 0], sizes = [65, 32], strides = [1, 1]} : vector<4160x32xf32> to vector<65x32xf32>
    %slice3A_203 = vector.extract_strided_slice %max3A_172 {offsets = [1950, 0], sizes = [65, 32], strides = [1, 1]} : vector<4160x32xf32> to vector<65x32xf32>
    %slice3A_204 = vector.extract_strided_slice %max3A_172 {offsets = [2015, 0], sizes = [65, 32], strides = [1, 1]} : vector<4160x32xf32> to vector<65x32xf32>
    %slice3A_205 = vector.extract_strided_slice %max3A_172 {offsets = [2080, 0], sizes = [65, 32], strides = [1, 1]} : vector<4160x32xf32> to vector<65x32xf32>
    %slice3A_206 = vector.extract_strided_slice %max3A_172 {offsets = [2145, 0], sizes = [65, 32], strides = [1, 1]} : vector<4160x32xf32> to vector<65x32xf32>
    %slice3A_207 = vector.extract_strided_slice %max3A_172 {offsets = [2210, 0], sizes = [65, 32], strides = [1, 1]} : vector<4160x32xf32> to vector<65x32xf32>
    %slice3A_208 = vector.extract_strided_slice %max3A_172 {offsets = [2275, 0], sizes = [65, 32], strides = [1, 1]} : vector<4160x32xf32> to vector<65x32xf32>
    %slice3A_209 = vector.extract_strided_slice %max3A_172 {offsets = [2340, 0], sizes = [65, 32], strides = [1, 1]} : vector<4160x32xf32> to vector<65x32xf32>
    %slice3A_210 = vector.extract_strided_slice %max3A_172 {offsets = [2405, 0], sizes = [65, 32], strides = [1, 1]} : vector<4160x32xf32> to vector<65x32xf32>
    %slice3A_211 = vector.extract_strided_slice %max3A_172 {offsets = [2470, 0], sizes = [65, 32], strides = [1, 1]} : vector<4160x32xf32> to vector<65x32xf32>
    %slice3A_212 = vector.extract_strided_slice %max3A_172 {offsets = [2535, 0], sizes = [65, 32], strides = [1, 1]} : vector<4160x32xf32> to vector<65x32xf32>
    %slice3A_213 = vector.extract_strided_slice %max3A_172 {offsets = [2600, 0], sizes = [65, 32], strides = [1, 1]} : vector<4160x32xf32> to vector<65x32xf32>
    %slice3A_214 = vector.extract_strided_slice %max3A_172 {offsets = [2665, 0], sizes = [65, 32], strides = [1, 1]} : vector<4160x32xf32> to vector<65x32xf32>
    %slice3A_215 = vector.extract_strided_slice %max3A_172 {offsets = [2730, 0], sizes = [65, 32], strides = [1, 1]} : vector<4160x32xf32> to vector<65x32xf32>
    %slice3A_216 = vector.extract_strided_slice %max3A_172 {offsets = [2795, 0], sizes = [65, 32], strides = [1, 1]} : vector<4160x32xf32> to vector<65x32xf32>
    %slice3A_217 = vector.extract_strided_slice %max3A_172 {offsets = [2860, 0], sizes = [65, 32], strides = [1, 1]} : vector<4160x32xf32> to vector<65x32xf32>
    %slice3A_218 = vector.extract_strided_slice %max3A_172 {offsets = [2925, 0], sizes = [65, 32], strides = [1, 1]} : vector<4160x32xf32> to vector<65x32xf32>
    %slice3A_219 = vector.extract_strided_slice %max3A_172 {offsets = [2990, 0], sizes = [65, 32], strides = [1, 1]} : vector<4160x32xf32> to vector<65x32xf32>
    %slice3A_220 = vector.extract_strided_slice %max3A_172 {offsets = [3055, 0], sizes = [65, 32], strides = [1, 1]} : vector<4160x32xf32> to vector<65x32xf32>
    %slice3A_221 = vector.extract_strided_slice %max3A_172 {offsets = [3120, 0], sizes = [65, 32], strides = [1, 1]} : vector<4160x32xf32> to vector<65x32xf32>
    %slice3A_222 = vector.extract_strided_slice %max3A_172 {offsets = [3185, 0], sizes = [65, 32], strides = [1, 1]} : vector<4160x32xf32> to vector<65x32xf32>
    %slice3A_223 = vector.extract_strided_slice %max3A_172 {offsets = [3250, 0], sizes = [65, 32], strides = [1, 1]} : vector<4160x32xf32> to vector<65x32xf32>
    %slice3A_224 = vector.extract_strided_slice %max3A_172 {offsets = [3315, 0], sizes = [65, 32], strides = [1, 1]} : vector<4160x32xf32> to vector<65x32xf32>
    %slice3A_225 = vector.extract_strided_slice %max3A_172 {offsets = [3380, 0], sizes = [65, 32], strides = [1, 1]} : vector<4160x32xf32> to vector<65x32xf32>
    %slice3A_226 = vector.extract_strided_slice %max3A_172 {offsets = [3445, 0], sizes = [65, 32], strides = [1, 1]} : vector<4160x32xf32> to vector<65x32xf32>
    %slice3A_227 = vector.extract_strided_slice %max3A_172 {offsets = [3510, 0], sizes = [65, 32], strides = [1, 1]} : vector<4160x32xf32> to vector<65x32xf32>
    %slice3A_228 = vector.extract_strided_slice %max3A_172 {offsets = [3575, 0], sizes = [65, 32], strides = [1, 1]} : vector<4160x32xf32> to vector<65x32xf32>
    %slice3A_229 = vector.extract_strided_slice %max3A_172 {offsets = [3640, 0], sizes = [65, 32], strides = [1, 1]} : vector<4160x32xf32> to vector<65x32xf32>
    %slice3A_230 = vector.extract_strided_slice %max3A_172 {offsets = [3705, 0], sizes = [65, 32], strides = [1, 1]} : vector<4160x32xf32> to vector<65x32xf32>
    %slice3A_231 = vector.extract_strided_slice %max3A_172 {offsets = [3770, 0], sizes = [65, 32], strides = [1, 1]} : vector<4160x32xf32> to vector<65x32xf32>
    %slice3A_232 = vector.extract_strided_slice %max3A_172 {offsets = [3835, 0], sizes = [65, 32], strides = [1, 1]} : vector<4160x32xf32> to vector<65x32xf32>
    %slice3A_233 = vector.extract_strided_slice %max3A_172 {offsets = [3900, 0], sizes = [65, 32], strides = [1, 1]} : vector<4160x32xf32> to vector<65x32xf32>
    %slice3A_234 = vector.extract_strided_slice %max3A_172 {offsets = [3965, 0], sizes = [65, 32], strides = [1, 1]} : vector<4160x32xf32> to vector<65x32xf32>
    %slice3A_235 = vector.extract_strided_slice %max3A_172 {offsets = [4030, 0], sizes = [65, 32], strides = [1, 1]} : vector<4160x32xf32> to vector<65x32xf32>
    %slice3A_236 = vector.extract_strided_slice %max3A_172 {offsets = [4095, 0], sizes = [65, 32], strides = [1, 1]} : vector<4160x32xf32> to vector<65x32xf32>
    %get3A_237 = arith.constant 0 : index
    %get3A_238 = arith.constant 0 : index
    %get3A_239 = vector.load %arg3[%get3A_237, %get3A_238] : memref<128x64xf32, #tpu.memory_space<vmem>>, vector<128x64xf32>
    %broadcast_in_dim3A_240 = arith.constant 0.000000e+00 : f32
    %broadcast_in_dim3A_241 = vector.broadcast %broadcast_in_dim3A_240 : f32 to vector<1x32xf32>
    %slice3A_242 = vector.extract_strided_slice %slice3A_180 {offsets = [0, 0], sizes = [64, 32], strides = [1, 1]} : vector<65x32xf32> to vector<64x32xf32>
    %concatenate3A_243 = tpu.concatenate %broadcast_in_dim3A_241, %slice3A_242 in 0 : vector<1x32xf32>, vector<64x32xf32> -> vector<65x32xf32>
    %concatenate3A_244 = tpu.concatenate %concatenate3A_243, %slice3A_173, %slice3A_174, %slice3A_175 in 1 : vector<65x32xf32>, vector<65x32xf32>, vector<65x32xf32>, vector<65x32xf32> -> vector<65x128xf32>
    %concatenate3A_245 = tpu.concatenate %slice3A_174, %slice3A_175, %slice3A_176, %slice3A_177 in 1 : vector<65x32xf32>, vector<65x32xf32>, vector<65x32xf32>, vector<65x32xf32> -> vector<65x128xf32>
    %concatenate3A_246 = tpu.concatenate %slice3A_176, %slice3A_177, %slice3A_178, %slice3A_179 in 1 : vector<65x32xf32>, vector<65x32xf32>, vector<65x32xf32>, vector<65x32xf32> -> vector<65x128xf32>
    %slice3A_247 = vector.extract_strided_slice %slice3A_173 {offsets = [1, 0], sizes = [64, 32], strides = [1, 1]} : vector<65x32xf32> to vector<64x32xf32>
    %concatenate3A_248 = tpu.concatenate %slice3A_247, %broadcast_in_dim3A_241 in 0 : vector<64x32xf32>, vector<1x32xf32> -> vector<65x32xf32>
    %concatenate3A_249 = tpu.concatenate %slice3A_178, %slice3A_179, %slice3A_180, %concatenate3A_248 in 1 : vector<65x32xf32>, vector<65x32xf32>, vector<65x32xf32>, vector<65x32xf32> -> vector<65x128xf32>
    %slice3A_250 = vector.extract_strided_slice %slice3A_188 {offsets = [0, 0], sizes = [64, 32], strides = [1, 1]} : vector<65x32xf32> to vector<64x32xf32>
    %concatenate3A_251 = tpu.concatenate %broadcast_in_dim3A_241, %slice3A_250 in 0 : vector<1x32xf32>, vector<64x32xf32> -> vector<65x32xf32>
    %concatenate3A_252 = tpu.concatenate %concatenate3A_251, %slice3A_181, %slice3A_182, %slice3A_183 in 1 : vector<65x32xf32>, vector<65x32xf32>, vector<65x32xf32>, vector<65x32xf32> -> vector<65x128xf32>
    %concatenate3A_253 = tpu.concatenate %slice3A_182, %slice3A_183, %slice3A_184, %slice3A_185 in 1 : vector<65x32xf32>, vector<65x32xf32>, vector<65x32xf32>, vector<65x32xf32> -> vector<65x128xf32>
    %concatenate3A_254 = tpu.concatenate %slice3A_184, %slice3A_185, %slice3A_186, %slice3A_187 in 1 : vector<65x32xf32>, vector<65x32xf32>, vector<65x32xf32>, vector<65x32xf32> -> vector<65x128xf32>
    %slice3A_255 = vector.extract_strided_slice %slice3A_181 {offsets = [1, 0], sizes = [64, 32], strides = [1, 1]} : vector<65x32xf32> to vector<64x32xf32>
    %concatenate3A_256 = tpu.concatenate %slice3A_255, %broadcast_in_dim3A_241 in 0 : vector<64x32xf32>, vector<1x32xf32> -> vector<65x32xf32>
    %concatenate3A_257 = tpu.concatenate %slice3A_186, %slice3A_187, %slice3A_188, %concatenate3A_256 in 1 : vector<65x32xf32>, vector<65x32xf32>, vector<65x32xf32>, vector<65x32xf32> -> vector<65x128xf32>
    %slice3A_258 = vector.extract_strided_slice %slice3A_196 {offsets = [0, 0], sizes = [64, 32], strides = [1, 1]} : vector<65x32xf32> to vector<64x32xf32>
    %concatenate3A_259 = tpu.concatenate %broadcast_in_dim3A_241, %slice3A_258 in 0 : vector<1x32xf32>, vector<64x32xf32> -> vector<65x32xf32>
    %concatenate3A_260 = tpu.concatenate %concatenate3A_259, %slice3A_189, %slice3A_190, %slice3A_191 in 1 : vector<65x32xf32>, vector<65x32xf32>, vector<65x32xf32>, vector<65x32xf32> -> vector<65x128xf32>
    %concatenate3A_261 = tpu.concatenate %slice3A_190, %slice3A_191, %slice3A_192, %slice3A_193 in 1 : vector<65x32xf32>, vector<65x32xf32>, vector<65x32xf32>, vector<65x32xf32> -> vector<65x128xf32>
    %concatenate3A_262 = tpu.concatenate %slice3A_192, %slice3A_193, %slice3A_194, %slice3A_195 in 1 : vector<65x32xf32>, vector<65x32xf32>, vector<65x32xf32>, vector<65x32xf32> -> vector<65x128xf32>
    %slice3A_263 = vector.extract_strided_slice %slice3A_189 {offsets = [1, 0], sizes = [64, 32], strides = [1, 1]} : vector<65x32xf32> to vector<64x32xf32>
    %concatenate3A_264 = tpu.concatenate %slice3A_263, %broadcast_in_dim3A_241 in 0 : vector<64x32xf32>, vector<1x32xf32> -> vector<65x32xf32>
    %concatenate3A_265 = tpu.concatenate %slice3A_194, %slice3A_195, %slice3A_196, %concatenate3A_264 in 1 : vector<65x32xf32>, vector<65x32xf32>, vector<65x32xf32>, vector<65x32xf32> -> vector<65x128xf32>
    %slice3A_266 = vector.extract_strided_slice %slice3A_204 {offsets = [0, 0], sizes = [64, 32], strides = [1, 1]} : vector<65x32xf32> to vector<64x32xf32>
    %concatenate3A_267 = tpu.concatenate %broadcast_in_dim3A_241, %slice3A_266 in 0 : vector<1x32xf32>, vector<64x32xf32> -> vector<65x32xf32>
    %concatenate3A_268 = tpu.concatenate %concatenate3A_267, %slice3A_197, %slice3A_198, %slice3A_199 in 1 : vector<65x32xf32>, vector<65x32xf32>, vector<65x32xf32>, vector<65x32xf32> -> vector<65x128xf32>
    %concatenate3A_269 = tpu.concatenate %slice3A_198, %slice3A_199, %slice3A_200, %slice3A_201 in 1 : vector<65x32xf32>, vector<65x32xf32>, vector<65x32xf32>, vector<65x32xf32> -> vector<65x128xf32>
    %concatenate3A_270 = tpu.concatenate %slice3A_200, %slice3A_201, %slice3A_202, %slice3A_203 in 1 : vector<65x32xf32>, vector<65x32xf32>, vector<65x32xf32>, vector<65x32xf32> -> vector<65x128xf32>
    %slice3A_271 = vector.extract_strided_slice %slice3A_197 {offsets = [1, 0], sizes = [64, 32], strides = [1, 1]} : vector<65x32xf32> to vector<64x32xf32>
    %concatenate3A_272 = tpu.concatenate %slice3A_271, %broadcast_in_dim3A_241 in 0 : vector<64x32xf32>, vector<1x32xf32> -> vector<65x32xf32>
    %concatenate3A_273 = tpu.concatenate %slice3A_202, %slice3A_203, %slice3A_204, %concatenate3A_272 in 1 : vector<65x32xf32>, vector<65x32xf32>, vector<65x32xf32>, vector<65x32xf32> -> vector<65x128xf32>
    %slice3A_274 = vector.extract_strided_slice %slice3A_212 {offsets = [0, 0], sizes = [64, 32], strides = [1, 1]} : vector<65x32xf32> to vector<64x32xf32>
    %concatenate3A_275 = tpu.concatenate %broadcast_in_dim3A_241, %slice3A_274 in 0 : vector<1x32xf32>, vector<64x32xf32> -> vector<65x32xf32>
    %concatenate3A_276 = tpu.concatenate %concatenate3A_275, %slice3A_205, %slice3A_206, %slice3A_207 in 1 : vector<65x32xf32>, vector<65x32xf32>, vector<65x32xf32>, vector<65x32xf32> -> vector<65x128xf32>
    %concatenate3A_277 = tpu.concatenate %slice3A_206, %slice3A_207, %slice3A_208, %slice3A_209 in 1 : vector<65x32xf32>, vector<65x32xf32>, vector<65x32xf32>, vector<65x32xf32> -> vector<65x128xf32>
    %concatenate3A_278 = tpu.concatenate %slice3A_208, %slice3A_209, %slice3A_210, %slice3A_211 in 1 : vector<65x32xf32>, vector<65x32xf32>, vector<65x32xf32>, vector<65x32xf32> -> vector<65x128xf32>
    %slice3A_279 = vector.extract_strided_slice %slice3A_205 {offsets = [1, 0], sizes = [64, 32], strides = [1, 1]} : vector<65x32xf32> to vector<64x32xf32>
    %concatenate3A_280 = tpu.concatenate %slice3A_279, %broadcast_in_dim3A_241 in 0 : vector<64x32xf32>, vector<1x32xf32> -> vector<65x32xf32>
    %concatenate3A_281 = tpu.concatenate %slice3A_210, %slice3A_211, %slice3A_212, %concatenate3A_280 in 1 : vector<65x32xf32>, vector<65x32xf32>, vector<65x32xf32>, vector<65x32xf32> -> vector<65x128xf32>
    %slice3A_282 = vector.extract_strided_slice %slice3A_220 {offsets = [0, 0], sizes = [64, 32], strides = [1, 1]} : vector<65x32xf32> to vector<64x32xf32>
    %concatenate3A_283 = tpu.concatenate %broadcast_in_dim3A_241, %slice3A_282 in 0 : vector<1x32xf32>, vector<64x32xf32> -> vector<65x32xf32>
    %concatenate3A_284 = tpu.concatenate %concatenate3A_283, %slice3A_213, %slice3A_214, %slice3A_215 in 1 : vector<65x32xf32>, vector<65x32xf32>, vector<65x32xf32>, vector<65x32xf32> -> vector<65x128xf32>
    %concatenate3A_285 = tpu.concatenate %slice3A_214, %slice3A_215, %slice3A_216, %slice3A_217 in 1 : vector<65x32xf32>, vector<65x32xf32>, vector<65x32xf32>, vector<65x32xf32> -> vector<65x128xf32>
    %concatenate3A_286 = tpu.concatenate %slice3A_216, %slice3A_217, %slice3A_218, %slice3A_219 in 1 : vector<65x32xf32>, vector<65x32xf32>, vector<65x32xf32>, vector<65x32xf32> -> vector<65x128xf32>
    %slice3A_287 = vector.extract_strided_slice %slice3A_213 {offsets = [1, 0], sizes = [64, 32], strides = [1, 1]} : vector<65x32xf32> to vector<64x32xf32>
    %concatenate3A_288 = tpu.concatenate %slice3A_287, %broadcast_in_dim3A_241 in 0 : vector<64x32xf32>, vector<1x32xf32> -> vector<65x32xf32>
    %concatenate3A_289 = tpu.concatenate %slice3A_218, %slice3A_219, %slice3A_220, %concatenate3A_288 in 1 : vector<65x32xf32>, vector<65x32xf32>, vector<65x32xf32>, vector<65x32xf32> -> vector<65x128xf32>
    %slice3A_290 = vector.extract_strided_slice %slice3A_228 {offsets = [0, 0], sizes = [64, 32], strides = [1, 1]} : vector<65x32xf32> to vector<64x32xf32>
    %concatenate3A_291 = tpu.concatenate %broadcast_in_dim3A_241, %slice3A_290 in 0 : vector<1x32xf32>, vector<64x32xf32> -> vector<65x32xf32>
    %concatenate3A_292 = tpu.concatenate %concatenate3A_291, %slice3A_221, %slice3A_222, %slice3A_223 in 1 : vector<65x32xf32>, vector<65x32xf32>, vector<65x32xf32>, vector<65x32xf32> -> vector<65x128xf32>
    %concatenate3A_293 = tpu.concatenate %slice3A_222, %slice3A_223, %slice3A_224, %slice3A_225 in 1 : vector<65x32xf32>, vector<65x32xf32>, vector<65x32xf32>, vector<65x32xf32> -> vector<65x128xf32>
    %concatenate3A_294 = tpu.concatenate %slice3A_224, %slice3A_225, %slice3A_226, %slice3A_227 in 1 : vector<65x32xf32>, vector<65x32xf32>, vector<65x32xf32>, vector<65x32xf32> -> vector<65x128xf32>
    %slice3A_295 = vector.extract_strided_slice %slice3A_221 {offsets = [1, 0], sizes = [64, 32], strides = [1, 1]} : vector<65x32xf32> to vector<64x32xf32>
    %concatenate3A_296 = tpu.concatenate %slice3A_295, %broadcast_in_dim3A_241 in 0 : vector<64x32xf32>, vector<1x32xf32> -> vector<65x32xf32>
    %concatenate3A_297 = tpu.concatenate %slice3A_226, %slice3A_227, %slice3A_228, %concatenate3A_296 in 1 : vector<65x32xf32>, vector<65x32xf32>, vector<65x32xf32>, vector<65x32xf32> -> vector<65x128xf32>
    %slice3A_298 = vector.extract_strided_slice %slice3A_236 {offsets = [0, 0], sizes = [64, 32], strides = [1, 1]} : vector<65x32xf32> to vector<64x32xf32>
    %concatenate3A_299 = tpu.concatenate %broadcast_in_dim3A_241, %slice3A_298 in 0 : vector<1x32xf32>, vector<64x32xf32> -> vector<65x32xf32>
    %concatenate3A_300 = tpu.concatenate %concatenate3A_299, %slice3A_229, %slice3A_230, %slice3A_231 in 1 : vector<65x32xf32>, vector<65x32xf32>, vector<65x32xf32>, vector<65x32xf32> -> vector<65x128xf32>
    %concatenate3A_301 = tpu.concatenate %slice3A_230, %slice3A_231, %slice3A_232, %slice3A_233 in 1 : vector<65x32xf32>, vector<65x32xf32>, vector<65x32xf32>, vector<65x32xf32> -> vector<65x128xf32>
    %concatenate3A_302 = tpu.concatenate %slice3A_232, %slice3A_233, %slice3A_234, %slice3A_235 in 1 : vector<65x32xf32>, vector<65x32xf32>, vector<65x32xf32>, vector<65x32xf32> -> vector<65x128xf32>
    %slice3A_303 = vector.extract_strided_slice %slice3A_229 {offsets = [1, 0], sizes = [64, 32], strides = [1, 1]} : vector<65x32xf32> to vector<64x32xf32>
    %concatenate3A_304 = tpu.concatenate %slice3A_303, %broadcast_in_dim3A_241 in 0 : vector<64x32xf32>, vector<1x32xf32> -> vector<65x32xf32>
    %concatenate3A_305 = tpu.concatenate %slice3A_234, %slice3A_235, %slice3A_236, %concatenate3A_304 in 1 : vector<65x32xf32>, vector<65x32xf32>, vector<65x32xf32>, vector<65x32xf32> -> vector<65x128xf32>
    %concatenate3A_306 = tpu.concatenate %concatenate3A_244, %concatenate3A_245, %concatenate3A_246, %concatenate3A_249, %concatenate3A_252, %concatenate3A_253, %concatenate3A_254, %concatenate3A_257, %concatenate3A_260, %concatenate3A_261, %concatenate3A_262, %concatenate3A_265, %concatenate3A_268, %concatenate3A_269, %concatenate3A_270, %concatenate3A_273, %concatenate3A_276, %concatenate3A_277, %concatenate3A_278, %concatenate3A_281, %concatenate3A_284, %concatenate3A_285, %concatenate3A_286, %concatenate3A_289, %concatenate3A_292, %concatenate3A_293, %concatenate3A_294, %concatenate3A_297, %concatenate3A_300, %concatenate3A_301, %concatenate3A_302, %concatenate3A_305 in 0 : vector<65x128xf32>, vector<65x128xf32>, vector<65x128xf32>, vector<65x128xf32>, vector<65x128xf32>, vector<65x128xf32>, vector<65x128xf32>, vector<65x128xf32>, vector<65x128xf32>, vector<65x128xf32>, vector<65x128xf32>, vector<65x128xf32>, vector<65x128xf32>, vector<65x128xf32>, vector<65x128xf32>, vector<65x128xf32>, vector<65x128xf32>, vector<65x128xf32>, vector<65x128xf32>, vector<65x128xf32>, vector<65x128xf32>, vector<65x128xf32>, vector<65x128xf32>, vector<65x128xf32>, vector<65x128xf32>, vector<65x128xf32>, vector<65x128xf32>, vector<65x128xf32>, vector<65x128xf32>, vector<65x128xf32>, vector<65x128xf32>, vector<65x128xf32> -> vector<2080x128xf32>
    %dot_general3A_307 = arith.constant dense<0.000000e+00> : vector<2080x64xf32>
    %dot_general3A_308 = tpu.matmul %concatenate3A_306, %get3A_239, %dot_general3A_307 {dimension_numbers = #tpu.dot_dimension_numbers<[1], [0], [0], [1], [0, 0, 1, 1], [], []>, transpose_lhs_hint = false} : vector<2080x128xf32>, vector<128x64xf32>, vector<2080x64xf32> -> vector<2080x64xf32>
    %max3A_309 = arith.constant 0.000000e+00 : f32
    %max3A_310 = vector.broadcast %max3A_309 : f32 to vector<2080x64xf32>
    %max3A_311 = arith.maximumf %dot_general3A_308, %max3A_310 : vector<2080x64xf32>
    %slice3A_312 = vector.extract_strided_slice %max3A_311 {offsets = [0, 0], sizes = [65, 64], strides = [1, 1]} : vector<2080x64xf32> to vector<65x64xf32>
    %slice3A_313 = vector.extract_strided_slice %max3A_311 {offsets = [65, 0], sizes = [65, 64], strides = [1, 1]} : vector<2080x64xf32> to vector<65x64xf32>
    %slice3A_314 = vector.extract_strided_slice %max3A_311 {offsets = [130, 0], sizes = [65, 64], strides = [1, 1]} : vector<2080x64xf32> to vector<65x64xf32>
    %slice3A_315 = vector.extract_strided_slice %max3A_311 {offsets = [195, 0], sizes = [65, 64], strides = [1, 1]} : vector<2080x64xf32> to vector<65x64xf32>
    %slice3A_316 = vector.extract_strided_slice %max3A_311 {offsets = [260, 0], sizes = [65, 64], strides = [1, 1]} : vector<2080x64xf32> to vector<65x64xf32>
    %slice3A_317 = vector.extract_strided_slice %max3A_311 {offsets = [325, 0], sizes = [65, 64], strides = [1, 1]} : vector<2080x64xf32> to vector<65x64xf32>
    %slice3A_318 = vector.extract_strided_slice %max3A_311 {offsets = [390, 0], sizes = [65, 64], strides = [1, 1]} : vector<2080x64xf32> to vector<65x64xf32>
    %slice3A_319 = vector.extract_strided_slice %max3A_311 {offsets = [455, 0], sizes = [65, 64], strides = [1, 1]} : vector<2080x64xf32> to vector<65x64xf32>
    %slice3A_320 = vector.extract_strided_slice %max3A_311 {offsets = [520, 0], sizes = [65, 64], strides = [1, 1]} : vector<2080x64xf32> to vector<65x64xf32>
    %slice3A_321 = vector.extract_strided_slice %max3A_311 {offsets = [585, 0], sizes = [65, 64], strides = [1, 1]} : vector<2080x64xf32> to vector<65x64xf32>
    %slice3A_322 = vector.extract_strided_slice %max3A_311 {offsets = [650, 0], sizes = [65, 64], strides = [1, 1]} : vector<2080x64xf32> to vector<65x64xf32>
    %slice3A_323 = vector.extract_strided_slice %max3A_311 {offsets = [715, 0], sizes = [65, 64], strides = [1, 1]} : vector<2080x64xf32> to vector<65x64xf32>
    %slice3A_324 = vector.extract_strided_slice %max3A_311 {offsets = [780, 0], sizes = [65, 64], strides = [1, 1]} : vector<2080x64xf32> to vector<65x64xf32>
    %slice3A_325 = vector.extract_strided_slice %max3A_311 {offsets = [845, 0], sizes = [65, 64], strides = [1, 1]} : vector<2080x64xf32> to vector<65x64xf32>
    %slice3A_326 = vector.extract_strided_slice %max3A_311 {offsets = [910, 0], sizes = [65, 64], strides = [1, 1]} : vector<2080x64xf32> to vector<65x64xf32>
    %slice3A_327 = vector.extract_strided_slice %max3A_311 {offsets = [975, 0], sizes = [65, 64], strides = [1, 1]} : vector<2080x64xf32> to vector<65x64xf32>
    %slice3A_328 = vector.extract_strided_slice %max3A_311 {offsets = [1040, 0], sizes = [65, 64], strides = [1, 1]} : vector<2080x64xf32> to vector<65x64xf32>
    %slice3A_329 = vector.extract_strided_slice %max3A_311 {offsets = [1105, 0], sizes = [65, 64], strides = [1, 1]} : vector<2080x64xf32> to vector<65x64xf32>
    %slice3A_330 = vector.extract_strided_slice %max3A_311 {offsets = [1170, 0], sizes = [65, 64], strides = [1, 1]} : vector<2080x64xf32> to vector<65x64xf32>
    %slice3A_331 = vector.extract_strided_slice %max3A_311 {offsets = [1235, 0], sizes = [65, 64], strides = [1, 1]} : vector<2080x64xf32> to vector<65x64xf32>
    %slice3A_332 = vector.extract_strided_slice %max3A_311 {offsets = [1300, 0], sizes = [65, 64], strides = [1, 1]} : vector<2080x64xf32> to vector<65x64xf32>
    %slice3A_333 = vector.extract_strided_slice %max3A_311 {offsets = [1365, 0], sizes = [65, 64], strides = [1, 1]} : vector<2080x64xf32> to vector<65x64xf32>
    %slice3A_334 = vector.extract_strided_slice %max3A_311 {offsets = [1430, 0], sizes = [65, 64], strides = [1, 1]} : vector<2080x64xf32> to vector<65x64xf32>
    %slice3A_335 = vector.extract_strided_slice %max3A_311 {offsets = [1495, 0], sizes = [65, 64], strides = [1, 1]} : vector<2080x64xf32> to vector<65x64xf32>
    %slice3A_336 = vector.extract_strided_slice %max3A_311 {offsets = [1560, 0], sizes = [65, 64], strides = [1, 1]} : vector<2080x64xf32> to vector<65x64xf32>
    %slice3A_337 = vector.extract_strided_slice %max3A_311 {offsets = [1625, 0], sizes = [65, 64], strides = [1, 1]} : vector<2080x64xf32> to vector<65x64xf32>
    %slice3A_338 = vector.extract_strided_slice %max3A_311 {offsets = [1690, 0], sizes = [65, 64], strides = [1, 1]} : vector<2080x64xf32> to vector<65x64xf32>
    %slice3A_339 = vector.extract_strided_slice %max3A_311 {offsets = [1755, 0], sizes = [65, 64], strides = [1, 1]} : vector<2080x64xf32> to vector<65x64xf32>
    %slice3A_340 = vector.extract_strided_slice %max3A_311 {offsets = [1820, 0], sizes = [65, 64], strides = [1, 1]} : vector<2080x64xf32> to vector<65x64xf32>
    %slice3A_341 = vector.extract_strided_slice %max3A_311 {offsets = [1885, 0], sizes = [65, 64], strides = [1, 1]} : vector<2080x64xf32> to vector<65x64xf32>
    %slice3A_342 = vector.extract_strided_slice %max3A_311 {offsets = [1950, 0], sizes = [65, 64], strides = [1, 1]} : vector<2080x64xf32> to vector<65x64xf32>
    %slice3A_343 = vector.extract_strided_slice %max3A_311 {offsets = [2015, 0], sizes = [65, 64], strides = [1, 1]} : vector<2080x64xf32> to vector<65x64xf32>
    %get3A_344 = arith.constant 0 : index
    %get3A_345 = arith.constant 0 : index
    %get3A_346 = vector.load %arg4[%get3A_344, %get3A_345] : memref<256x128xf32, #tpu.memory_space<vmem>>, vector<256x128xf32>
    %broadcast_in_dim3A_347 = arith.constant 0.000000e+00 : f32
    %broadcast_in_dim3A_348 = vector.broadcast %broadcast_in_dim3A_347 : f32 to vector<1x64xf32>
    %slice3A_349 = vector.extract_strided_slice %slice3A_315 {offsets = [0, 0], sizes = [64, 64], strides = [1, 1]} : vector<65x64xf32> to vector<64x64xf32>
    %concatenate3A_350 = tpu.concatenate %broadcast_in_dim3A_348, %slice3A_349 in 0 : vector<1x64xf32>, vector<64x64xf32> -> vector<65x64xf32>
    %concatenate3A_351 = tpu.concatenate %concatenate3A_350, %slice3A_312, %slice3A_313, %slice3A_314 in 1 : vector<65x64xf32>, vector<65x64xf32>, vector<65x64xf32>, vector<65x64xf32> -> vector<65x256xf32>
    %slice3A_352 = vector.extract_strided_slice %slice3A_312 {offsets = [1, 0], sizes = [64, 64], strides = [1, 1]} : vector<65x64xf32> to vector<64x64xf32>
    %concatenate3A_353 = tpu.concatenate %slice3A_352, %broadcast_in_dim3A_348 in 0 : vector<64x64xf32>, vector<1x64xf32> -> vector<65x64xf32>
    %concatenate3A_354 = tpu.concatenate %slice3A_313, %slice3A_314, %slice3A_315, %concatenate3A_353 in 1 : vector<65x64xf32>, vector<65x64xf32>, vector<65x64xf32>, vector<65x64xf32> -> vector<65x256xf32>
    %slice3A_355 = vector.extract_strided_slice %slice3A_319 {offsets = [0, 0], sizes = [64, 64], strides = [1, 1]} : vector<65x64xf32> to vector<64x64xf32>
    %concatenate3A_356 = tpu.concatenate %broadcast_in_dim3A_348, %slice3A_355 in 0 : vector<1x64xf32>, vector<64x64xf32> -> vector<65x64xf32>
    %concatenate3A_357 = tpu.concatenate %concatenate3A_356, %slice3A_316, %slice3A_317, %slice3A_318 in 1 : vector<65x64xf32>, vector<65x64xf32>, vector<65x64xf32>, vector<65x64xf32> -> vector<65x256xf32>
    %slice3A_358 = vector.extract_strided_slice %slice3A_316 {offsets = [1, 0], sizes = [64, 64], strides = [1, 1]} : vector<65x64xf32> to vector<64x64xf32>
    %concatenate3A_359 = tpu.concatenate %slice3A_358, %broadcast_in_dim3A_348 in 0 : vector<64x64xf32>, vector<1x64xf32> -> vector<65x64xf32>
    %concatenate3A_360 = tpu.concatenate %slice3A_317, %slice3A_318, %slice3A_319, %concatenate3A_359 in 1 : vector<65x64xf32>, vector<65x64xf32>, vector<65x64xf32>, vector<65x64xf32> -> vector<65x256xf32>
    %slice3A_361 = vector.extract_strided_slice %slice3A_323 {offsets = [0, 0], sizes = [64, 64], strides = [1, 1]} : vector<65x64xf32> to vector<64x64xf32>
    %concatenate3A_362 = tpu.concatenate %broadcast_in_dim3A_348, %slice3A_361 in 0 : vector<1x64xf32>, vector<64x64xf32> -> vector<65x64xf32>
    %concatenate3A_363 = tpu.concatenate %concatenate3A_362, %slice3A_320, %slice3A_321, %slice3A_322 in 1 : vector<65x64xf32>, vector<65x64xf32>, vector<65x64xf32>, vector<65x64xf32> -> vector<65x256xf32>
    %slice3A_364 = vector.extract_strided_slice %slice3A_320 {offsets = [1, 0], sizes = [64, 64], strides = [1, 1]} : vector<65x64xf32> to vector<64x64xf32>
    %concatenate3A_365 = tpu.concatenate %slice3A_364, %broadcast_in_dim3A_348 in 0 : vector<64x64xf32>, vector<1x64xf32> -> vector<65x64xf32>
    %concatenate3A_366 = tpu.concatenate %slice3A_321, %slice3A_322, %slice3A_323, %concatenate3A_365 in 1 : vector<65x64xf32>, vector<65x64xf32>, vector<65x64xf32>, vector<65x64xf32> -> vector<65x256xf32>
    %slice3A_367 = vector.extract_strided_slice %slice3A_327 {offsets = [0, 0], sizes = [64, 64], strides = [1, 1]} : vector<65x64xf32> to vector<64x64xf32>
    %concatenate3A_368 = tpu.concatenate %broadcast_in_dim3A_348, %slice3A_367 in 0 : vector<1x64xf32>, vector<64x64xf32> -> vector<65x64xf32>
    %concatenate3A_369 = tpu.concatenate %concatenate3A_368, %slice3A_324, %slice3A_325, %slice3A_326 in 1 : vector<65x64xf32>, vector<65x64xf32>, vector<65x64xf32>, vector<65x64xf32> -> vector<65x256xf32>
    %slice3A_370 = vector.extract_strided_slice %slice3A_324 {offsets = [1, 0], sizes = [64, 64], strides = [1, 1]} : vector<65x64xf32> to vector<64x64xf32>
    %concatenate3A_371 = tpu.concatenate %slice3A_370, %broadcast_in_dim3A_348 in 0 : vector<64x64xf32>, vector<1x64xf32> -> vector<65x64xf32>
    %concatenate3A_372 = tpu.concatenate %slice3A_325, %slice3A_326, %slice3A_327, %concatenate3A_371 in 1 : vector<65x64xf32>, vector<65x64xf32>, vector<65x64xf32>, vector<65x64xf32> -> vector<65x256xf32>
    %slice3A_373 = vector.extract_strided_slice %slice3A_331 {offsets = [0, 0], sizes = [64, 64], strides = [1, 1]} : vector<65x64xf32> to vector<64x64xf32>
    %concatenate3A_374 = tpu.concatenate %broadcast_in_dim3A_348, %slice3A_373 in 0 : vector<1x64xf32>, vector<64x64xf32> -> vector<65x64xf32>
    %concatenate3A_375 = tpu.concatenate %concatenate3A_374, %slice3A_328, %slice3A_329, %slice3A_330 in 1 : vector<65x64xf32>, vector<65x64xf32>, vector<65x64xf32>, vector<65x64xf32> -> vector<65x256xf32>
    %slice3A_376 = vector.extract_strided_slice %slice3A_328 {offsets = [1, 0], sizes = [64, 64], strides = [1, 1]} : vector<65x64xf32> to vector<64x64xf32>
    %concatenate3A_377 = tpu.concatenate %slice3A_376, %broadcast_in_dim3A_348 in 0 : vector<64x64xf32>, vector<1x64xf32> -> vector<65x64xf32>
    %concatenate3A_378 = tpu.concatenate %slice3A_329, %slice3A_330, %slice3A_331, %concatenate3A_377 in 1 : vector<65x64xf32>, vector<65x64xf32>, vector<65x64xf32>, vector<65x64xf32> -> vector<65x256xf32>
    %slice3A_379 = vector.extract_strided_slice %slice3A_335 {offsets = [0, 0], sizes = [64, 64], strides = [1, 1]} : vector<65x64xf32> to vector<64x64xf32>
    %concatenate3A_380 = tpu.concatenate %broadcast_in_dim3A_348, %slice3A_379 in 0 : vector<1x64xf32>, vector<64x64xf32> -> vector<65x64xf32>
    %concatenate3A_381 = tpu.concatenate %concatenate3A_380, %slice3A_332, %slice3A_333, %slice3A_334 in 1 : vector<65x64xf32>, vector<65x64xf32>, vector<65x64xf32>, vector<65x64xf32> -> vector<65x256xf32>
    %slice3A_382 = vector.extract_strided_slice %slice3A_332 {offsets = [1, 0], sizes = [64, 64], strides = [1, 1]} : vector<65x64xf32> to vector<64x64xf32>
    %concatenate3A_383 = tpu.concatenate %slice3A_382, %broadcast_in_dim3A_348 in 0 : vector<64x64xf32>, vector<1x64xf32> -> vector<65x64xf32>
    %concatenate3A_384 = tpu.concatenate %slice3A_333, %slice3A_334, %slice3A_335, %concatenate3A_383 in 1 : vector<65x64xf32>, vector<65x64xf32>, vector<65x64xf32>, vector<65x64xf32> -> vector<65x256xf32>
    %slice3A_385 = vector.extract_strided_slice %slice3A_339 {offsets = [0, 0], sizes = [64, 64], strides = [1, 1]} : vector<65x64xf32> to vector<64x64xf32>
    %concatenate3A_386 = tpu.concatenate %broadcast_in_dim3A_348, %slice3A_385 in 0 : vector<1x64xf32>, vector<64x64xf32> -> vector<65x64xf32>
    %concatenate3A_387 = tpu.concatenate %concatenate3A_386, %slice3A_336, %slice3A_337, %slice3A_338 in 1 : vector<65x64xf32>, vector<65x64xf32>, vector<65x64xf32>, vector<65x64xf32> -> vector<65x256xf32>
    %slice3A_388 = vector.extract_strided_slice %slice3A_336 {offsets = [1, 0], sizes = [64, 64], strides = [1, 1]} : vector<65x64xf32> to vector<64x64xf32>
    %concatenate3A_389 = tpu.concatenate %slice3A_388, %broadcast_in_dim3A_348 in 0 : vector<64x64xf32>, vector<1x64xf32> -> vector<65x64xf32>
    %concatenate3A_390 = tpu.concatenate %slice3A_337, %slice3A_338, %slice3A_339, %concatenate3A_389 in 1 : vector<65x64xf32>, vector<65x64xf32>, vector<65x64xf32>, vector<65x64xf32> -> vector<65x256xf32>
    %slice3A_391 = vector.extract_strided_slice %slice3A_343 {offsets = [0, 0], sizes = [64, 64], strides = [1, 1]} : vector<65x64xf32> to vector<64x64xf32>
    %concatenate3A_392 = tpu.concatenate %broadcast_in_dim3A_348, %slice3A_391 in 0 : vector<1x64xf32>, vector<64x64xf32> -> vector<65x64xf32>
    %concatenate3A_393 = tpu.concatenate %concatenate3A_392, %slice3A_340, %slice3A_341, %slice3A_342 in 1 : vector<65x64xf32>, vector<65x64xf32>, vector<65x64xf32>, vector<65x64xf32> -> vector<65x256xf32>
    %slice3A_394 = vector.extract_strided_slice %slice3A_340 {offsets = [1, 0], sizes = [64, 64], strides = [1, 1]} : vector<65x64xf32> to vector<64x64xf32>
    %concatenate3A_395 = tpu.concatenate %slice3A_394, %broadcast_in_dim3A_348 in 0 : vector<64x64xf32>, vector<1x64xf32> -> vector<65x64xf32>
    %concatenate3A_396 = tpu.concatenate %slice3A_341, %slice3A_342, %slice3A_343, %concatenate3A_395 in 1 : vector<65x64xf32>, vector<65x64xf32>, vector<65x64xf32>, vector<65x64xf32> -> vector<65x256xf32>
    %concatenate3A_397 = tpu.concatenate %concatenate3A_351, %concatenate3A_354, %concatenate3A_357, %concatenate3A_360, %concatenate3A_363, %concatenate3A_366, %concatenate3A_369, %concatenate3A_372, %concatenate3A_375, %concatenate3A_378, %concatenate3A_381, %concatenate3A_384, %concatenate3A_387, %concatenate3A_390, %concatenate3A_393, %concatenate3A_396 in 0 : vector<65x256xf32>, vector<65x256xf32>, vector<65x256xf32>, vector<65x256xf32>, vector<65x256xf32>, vector<65x256xf32>, vector<65x256xf32>, vector<65x256xf32>, vector<65x256xf32>, vector<65x256xf32>, vector<65x256xf32>, vector<65x256xf32>, vector<65x256xf32>, vector<65x256xf32>, vector<65x256xf32>, vector<65x256xf32> -> vector<1040x256xf32>
    %dot_general3A_398 = arith.constant dense<0.000000e+00> : vector<1040x128xf32>
    %dot_general3A_399 = tpu.matmul %concatenate3A_397, %get3A_346, %dot_general3A_398 {dimension_numbers = #tpu.dot_dimension_numbers<[1], [0], [0], [1], [0, 0, 1, 1], [], []>, transpose_lhs_hint = false} : vector<1040x256xf32>, vector<256x128xf32>, vector<1040x128xf32> -> vector<1040x128xf32>
    %max3A_400 = arith.constant 0.000000e+00 : f32
    %max3A_401 = vector.broadcast %max3A_400 : f32 to vector<1040x128xf32>
    %max3A_402 = arith.maximumf %dot_general3A_399, %max3A_401 : vector<1040x128xf32>
    %slice3A_403 = vector.extract_strided_slice %max3A_402 {offsets = [0, 0], sizes = [65, 128], strides = [1, 1]} : vector<1040x128xf32> to vector<65x128xf32>
    %slice3A_404 = vector.extract_strided_slice %max3A_402 {offsets = [65, 0], sizes = [65, 128], strides = [1, 1]} : vector<1040x128xf32> to vector<65x128xf32>
    %slice3A_405 = vector.extract_strided_slice %max3A_402 {offsets = [130, 0], sizes = [65, 128], strides = [1, 1]} : vector<1040x128xf32> to vector<65x128xf32>
    %slice3A_406 = vector.extract_strided_slice %max3A_402 {offsets = [195, 0], sizes = [65, 128], strides = [1, 1]} : vector<1040x128xf32> to vector<65x128xf32>
    %slice3A_407 = vector.extract_strided_slice %max3A_402 {offsets = [260, 0], sizes = [65, 128], strides = [1, 1]} : vector<1040x128xf32> to vector<65x128xf32>
    %slice3A_408 = vector.extract_strided_slice %max3A_402 {offsets = [325, 0], sizes = [65, 128], strides = [1, 1]} : vector<1040x128xf32> to vector<65x128xf32>
    %slice3A_409 = vector.extract_strided_slice %max3A_402 {offsets = [390, 0], sizes = [65, 128], strides = [1, 1]} : vector<1040x128xf32> to vector<65x128xf32>
    %slice3A_410 = vector.extract_strided_slice %max3A_402 {offsets = [455, 0], sizes = [65, 128], strides = [1, 1]} : vector<1040x128xf32> to vector<65x128xf32>
    %slice3A_411 = vector.extract_strided_slice %max3A_402 {offsets = [520, 0], sizes = [65, 128], strides = [1, 1]} : vector<1040x128xf32> to vector<65x128xf32>
    %slice3A_412 = vector.extract_strided_slice %max3A_402 {offsets = [585, 0], sizes = [65, 128], strides = [1, 1]} : vector<1040x128xf32> to vector<65x128xf32>
    %slice3A_413 = vector.extract_strided_slice %max3A_402 {offsets = [650, 0], sizes = [65, 128], strides = [1, 1]} : vector<1040x128xf32> to vector<65x128xf32>
    %slice3A_414 = vector.extract_strided_slice %max3A_402 {offsets = [715, 0], sizes = [65, 128], strides = [1, 1]} : vector<1040x128xf32> to vector<65x128xf32>
    %slice3A_415 = vector.extract_strided_slice %max3A_402 {offsets = [780, 0], sizes = [65, 128], strides = [1, 1]} : vector<1040x128xf32> to vector<65x128xf32>
    %slice3A_416 = vector.extract_strided_slice %max3A_402 {offsets = [845, 0], sizes = [65, 128], strides = [1, 1]} : vector<1040x128xf32> to vector<65x128xf32>
    %slice3A_417 = vector.extract_strided_slice %max3A_402 {offsets = [910, 0], sizes = [65, 128], strides = [1, 1]} : vector<1040x128xf32> to vector<65x128xf32>
    %slice3A_418 = vector.extract_strided_slice %max3A_402 {offsets = [975, 0], sizes = [65, 128], strides = [1, 1]} : vector<1040x128xf32> to vector<65x128xf32>
    %get3A_419 = arith.constant 0 : index
    %get3A_420 = arith.constant 0 : index
    %get3A_421 = vector.load %arg5[%get3A_419, %get3A_420] : memref<512x128xf32, #tpu.memory_space<vmem>>, vector<512x128xf32>
    %broadcast_in_dim3A_422 = arith.constant 0.000000e+00 : f32
    %broadcast_in_dim3A_423 = vector.broadcast %broadcast_in_dim3A_422 : f32 to vector<1x128xf32>
    %slice3A_424 = vector.extract_strided_slice %slice3A_404 {offsets = [0, 0], sizes = [64, 128], strides = [1, 1]} : vector<65x128xf32> to vector<64x128xf32>
    %concatenate3A_425 = tpu.concatenate %broadcast_in_dim3A_423, %slice3A_424 in 0 : vector<1x128xf32>, vector<64x128xf32> -> vector<65x128xf32>
    %slice3A_426 = vector.extract_strided_slice %slice3A_403 {offsets = [1, 0], sizes = [64, 128], strides = [1, 1]} : vector<65x128xf32> to vector<64x128xf32>
    %concatenate3A_427 = tpu.concatenate %slice3A_426, %broadcast_in_dim3A_423 in 0 : vector<64x128xf32>, vector<1x128xf32> -> vector<65x128xf32>
    %concatenate3A_428 = tpu.concatenate %concatenate3A_425, %slice3A_403, %slice3A_404, %concatenate3A_427 in 1 : vector<65x128xf32>, vector<65x128xf32>, vector<65x128xf32>, vector<65x128xf32> -> vector<65x512xf32>
    %slice3A_429 = vector.extract_strided_slice %slice3A_406 {offsets = [0, 0], sizes = [64, 128], strides = [1, 1]} : vector<65x128xf32> to vector<64x128xf32>
    %concatenate3A_430 = tpu.concatenate %broadcast_in_dim3A_423, %slice3A_429 in 0 : vector<1x128xf32>, vector<64x128xf32> -> vector<65x128xf32>
    %slice3A_431 = vector.extract_strided_slice %slice3A_405 {offsets = [1, 0], sizes = [64, 128], strides = [1, 1]} : vector<65x128xf32> to vector<64x128xf32>
    %concatenate3A_432 = tpu.concatenate %slice3A_431, %broadcast_in_dim3A_423 in 0 : vector<64x128xf32>, vector<1x128xf32> -> vector<65x128xf32>
    %concatenate3A_433 = tpu.concatenate %concatenate3A_430, %slice3A_405, %slice3A_406, %concatenate3A_432 in 1 : vector<65x128xf32>, vector<65x128xf32>, vector<65x128xf32>, vector<65x128xf32> -> vector<65x512xf32>
    %slice3A_434 = vector.extract_strided_slice %slice3A_408 {offsets = [0, 0], sizes = [64, 128], strides = [1, 1]} : vector<65x128xf32> to vector<64x128xf32>
    %concatenate3A_435 = tpu.concatenate %broadcast_in_dim3A_423, %slice3A_434 in 0 : vector<1x128xf32>, vector<64x128xf32> -> vector<65x128xf32>
    %slice3A_436 = vector.extract_strided_slice %slice3A_407 {offsets = [1, 0], sizes = [64, 128], strides = [1, 1]} : vector<65x128xf32> to vector<64x128xf32>
    %concatenate3A_437 = tpu.concatenate %slice3A_436, %broadcast_in_dim3A_423 in 0 : vector<64x128xf32>, vector<1x128xf32> -> vector<65x128xf32>
    %concatenate3A_438 = tpu.concatenate %concatenate3A_435, %slice3A_407, %slice3A_408, %concatenate3A_437 in 1 : vector<65x128xf32>, vector<65x128xf32>, vector<65x128xf32>, vector<65x128xf32> -> vector<65x512xf32>
    %slice3A_439 = vector.extract_strided_slice %slice3A_410 {offsets = [0, 0], sizes = [64, 128], strides = [1, 1]} : vector<65x128xf32> to vector<64x128xf32>
    %concatenate3A_440 = tpu.concatenate %broadcast_in_dim3A_423, %slice3A_439 in 0 : vector<1x128xf32>, vector<64x128xf32> -> vector<65x128xf32>
    %slice3A_441 = vector.extract_strided_slice %slice3A_409 {offsets = [1, 0], sizes = [64, 128], strides = [1, 1]} : vector<65x128xf32> to vector<64x128xf32>
    %concatenate3A_442 = tpu.concatenate %slice3A_441, %broadcast_in_dim3A_423 in 0 : vector<64x128xf32>, vector<1x128xf32> -> vector<65x128xf32>
    %concatenate3A_443 = tpu.concatenate %concatenate3A_440, %slice3A_409, %slice3A_410, %concatenate3A_442 in 1 : vector<65x128xf32>, vector<65x128xf32>, vector<65x128xf32>, vector<65x128xf32> -> vector<65x512xf32>
    %slice3A_444 = vector.extract_strided_slice %slice3A_412 {offsets = [0, 0], sizes = [64, 128], strides = [1, 1]} : vector<65x128xf32> to vector<64x128xf32>
    %concatenate3A_445 = tpu.concatenate %broadcast_in_dim3A_423, %slice3A_444 in 0 : vector<1x128xf32>, vector<64x128xf32> -> vector<65x128xf32>
    %slice3A_446 = vector.extract_strided_slice %slice3A_411 {offsets = [1, 0], sizes = [64, 128], strides = [1, 1]} : vector<65x128xf32> to vector<64x128xf32>
    %concatenate3A_447 = tpu.concatenate %slice3A_446, %broadcast_in_dim3A_423 in 0 : vector<64x128xf32>, vector<1x128xf32> -> vector<65x128xf32>
    %concatenate3A_448 = tpu.concatenate %concatenate3A_445, %slice3A_411, %slice3A_412, %concatenate3A_447 in 1 : vector<65x128xf32>, vector<65x128xf32>, vector<65x128xf32>, vector<65x128xf32> -> vector<65x512xf32>
    %slice3A_449 = vector.extract_strided_slice %slice3A_414 {offsets = [0, 0], sizes = [64, 128], strides = [1, 1]} : vector<65x128xf32> to vector<64x128xf32>
    %concatenate3A_450 = tpu.concatenate %broadcast_in_dim3A_423, %slice3A_449 in 0 : vector<1x128xf32>, vector<64x128xf32> -> vector<65x128xf32>
    %slice3A_451 = vector.extract_strided_slice %slice3A_413 {offsets = [1, 0], sizes = [64, 128], strides = [1, 1]} : vector<65x128xf32> to vector<64x128xf32>
    %concatenate3A_452 = tpu.concatenate %slice3A_451, %broadcast_in_dim3A_423 in 0 : vector<64x128xf32>, vector<1x128xf32> -> vector<65x128xf32>
    %concatenate3A_453 = tpu.concatenate %concatenate3A_450, %slice3A_413, %slice3A_414, %concatenate3A_452 in 1 : vector<65x128xf32>, vector<65x128xf32>, vector<65x128xf32>, vector<65x128xf32> -> vector<65x512xf32>
    %slice3A_454 = vector.extract_strided_slice %slice3A_416 {offsets = [0, 0], sizes = [64, 128], strides = [1, 1]} : vector<65x128xf32> to vector<64x128xf32>
    %concatenate3A_455 = tpu.concatenate %broadcast_in_dim3A_423, %slice3A_454 in 0 : vector<1x128xf32>, vector<64x128xf32> -> vector<65x128xf32>
    %slice3A_456 = vector.extract_strided_slice %slice3A_415 {offsets = [1, 0], sizes = [64, 128], strides = [1, 1]} : vector<65x128xf32> to vector<64x128xf32>
    %concatenate3A_457 = tpu.concatenate %slice3A_456, %broadcast_in_dim3A_423 in 0 : vector<64x128xf32>, vector<1x128xf32> -> vector<65x128xf32>
    %concatenate3A_458 = tpu.concatenate %concatenate3A_455, %slice3A_415, %slice3A_416, %concatenate3A_457 in 1 : vector<65x128xf32>, vector<65x128xf32>, vector<65x128xf32>, vector<65x128xf32> -> vector<65x512xf32>
    %slice3A_459 = vector.extract_strided_slice %slice3A_418 {offsets = [0, 0], sizes = [64, 128], strides = [1, 1]} : vector<65x128xf32> to vector<64x128xf32>
    %concatenate3A_460 = tpu.concatenate %broadcast_in_dim3A_423, %slice3A_459 in 0 : vector<1x128xf32>, vector<64x128xf32> -> vector<65x128xf32>
    %slice3A_461 = vector.extract_strided_slice %slice3A_417 {offsets = [1, 0], sizes = [64, 128], strides = [1, 1]} : vector<65x128xf32> to vector<64x128xf32>
    %concatenate3A_462 = tpu.concatenate %slice3A_461, %broadcast_in_dim3A_423 in 0 : vector<64x128xf32>, vector<1x128xf32> -> vector<65x128xf32>
    %concatenate3A_463 = tpu.concatenate %concatenate3A_460, %slice3A_417, %slice3A_418, %concatenate3A_462 in 1 : vector<65x128xf32>, vector<65x128xf32>, vector<65x128xf32>, vector<65x128xf32> -> vector<65x512xf32>
    %concatenate3A_464 = tpu.concatenate %concatenate3A_428, %concatenate3A_433, %concatenate3A_438, %concatenate3A_443, %concatenate3A_448, %concatenate3A_453, %concatenate3A_458, %concatenate3A_463 in 0 : vector<65x512xf32>, vector<65x512xf32>, vector<65x512xf32>, vector<65x512xf32>, vector<65x512xf32>, vector<65x512xf32>, vector<65x512xf32>, vector<65x512xf32> -> vector<520x512xf32>
    %dot_general3A_465 = arith.constant dense<0.000000e+00> : vector<520x128xf32>
    %dot_general3A_466 = tpu.matmul %concatenate3A_464, %get3A_421, %dot_general3A_465 {dimension_numbers = #tpu.dot_dimension_numbers<[1], [0], [0], [1], [0, 0, 1, 1], [], []>, transpose_lhs_hint = false} : vector<520x512xf32>, vector<512x128xf32>, vector<520x128xf32> -> vector<520x128xf32>
    %slice3A_467 = vector.extract_strided_slice %dot_general3A_466 {offsets = [0, 0], sizes = [65, 128], strides = [1, 1]} : vector<520x128xf32> to vector<65x128xf32>
    %slice3A_468 = vector.extract_strided_slice %dot_general3A_466 {offsets = [65, 0], sizes = [65, 128], strides = [1, 1]} : vector<520x128xf32> to vector<65x128xf32>
    %slice3A_469 = vector.extract_strided_slice %dot_general3A_466 {offsets = [130, 0], sizes = [65, 128], strides = [1, 1]} : vector<520x128xf32> to vector<65x128xf32>
    %slice3A_470 = vector.extract_strided_slice %dot_general3A_466 {offsets = [195, 0], sizes = [65, 128], strides = [1, 1]} : vector<520x128xf32> to vector<65x128xf32>
    %slice3A_471 = vector.extract_strided_slice %dot_general3A_466 {offsets = [260, 0], sizes = [65, 128], strides = [1, 1]} : vector<520x128xf32> to vector<65x128xf32>
    %slice3A_472 = vector.extract_strided_slice %dot_general3A_466 {offsets = [325, 0], sizes = [65, 128], strides = [1, 1]} : vector<520x128xf32> to vector<65x128xf32>
    %slice3A_473 = vector.extract_strided_slice %dot_general3A_466 {offsets = [390, 0], sizes = [65, 128], strides = [1, 1]} : vector<520x128xf32> to vector<65x128xf32>
    %slice3A_474 = vector.extract_strided_slice %dot_general3A_466 {offsets = [455, 0], sizes = [65, 128], strides = [1, 1]} : vector<520x128xf32> to vector<65x128xf32>
    %transpose3A = tpu.transpose %slice3A_467, [1, 0] : vector<65x128xf32> -> vector<128x65xf32>
    %swap3A = arith.constant 0 : index
    %swap3A_475 = arith.constant 0 : index
    %swap3A_476 = arith.constant 0 : index
    %swap3A_477 = vector.load %arg6[%swap3A, %swap3A_475, %swap3A_476] : memref<8x128x65xf32, #tpu.memory_space<vmem>>, vector<1x128x65xf32>
    %swap3A_478 = vector.shape_cast %swap3A_477 : vector<1x128x65xf32> to vector<128x65xf32>
    %swap3A_479 = vector.shape_cast %transpose3A : vector<128x65xf32> to vector<1x128x65xf32>
    tpu.vector_store %arg6[%swap3A, %swap3A_475, %swap3A_476], %swap3A_479 {strides = array<i32>} : memref<8x128x65xf32, #tpu.memory_space<vmem>>, vector<1x128x65xf32>,
    %transpose3A_480 = tpu.transpose %slice3A_468, [1, 0] : vector<65x128xf32> -> vector<128x65xf32>
    %swap3A_481 = arith.constant 1 : index
    %swap3A_482 = arith.constant 0 : index
    %swap3A_483 = arith.constant 0 : index
    %swap3A_484 = vector.load %arg6[%swap3A_481, %swap3A_482, %swap3A_483] : memref<8x128x65xf32, #tpu.memory_space<vmem>>, vector<1x128x65xf32>
    %swap3A_485 = vector.shape_cast %swap3A_484 : vector<1x128x65xf32> to vector<128x65xf32>
    %swap3A_486 = vector.shape_cast %transpose3A_480 : vector<128x65xf32> to vector<1x128x65xf32>
    tpu.vector_store %arg6[%swap3A_481, %swap3A_482, %swap3A_483], %swap3A_486 {strides = array<i32>} : memref<8x128x65xf32, #tpu.memory_space<vmem>>, vector<1x128x65xf32>,
    %transpose3A_487 = tpu.transpose %slice3A_469, [1, 0] : vector<65x128xf32> -> vector<128x65xf32>
    %swap3A_488 = arith.constant 2 : index
    %swap3A_489 = arith.constant 0 : index
    %swap3A_490 = arith.constant 0 : index
    %swap3A_491 = vector.load %arg6[%swap3A_488, %swap3A_489, %swap3A_490] : memref<8x128x65xf32, #tpu.memory_space<vmem>>, vector<1x128x65xf32>
    %swap3A_492 = vector.shape_cast %swap3A_491 : vector<1x128x65xf32> to vector<128x65xf32>
    %swap3A_493 = vector.shape_cast %transpose3A_487 : vector<128x65xf32> to vector<1x128x65xf32>
    tpu.vector_store %arg6[%swap3A_488, %swap3A_489, %swap3A_490], %swap3A_493 {strides = array<i32>} : memref<8x128x65xf32, #tpu.memory_space<vmem>>, vector<1x128x65xf32>,
    %transpose3A_494 = tpu.transpose %slice3A_470, [1, 0] : vector<65x128xf32> -> vector<128x65xf32>
    %swap3A_495 = arith.constant 3 : index
    %swap3A_496 = arith.constant 0 : index
    %swap3A_497 = arith.constant 0 : index
    %swap3A_498 = vector.load %arg6[%swap3A_495, %swap3A_496, %swap3A_497] : memref<8x128x65xf32, #tpu.memory_space<vmem>>, vector<1x128x65xf32>
    %swap3A_499 = vector.shape_cast %swap3A_498 : vector<1x128x65xf32> to vector<128x65xf32>
    %swap3A_500 = vector.shape_cast %transpose3A_494 : vector<128x65xf32> to vector<1x128x65xf32>
    tpu.vector_store %arg6[%swap3A_495, %swap3A_496, %swap3A_497], %swap3A_500 {strides = array<i32>} : memref<8x128x65xf32, #tpu.memory_space<vmem>>, vector<1x128x65xf32>,
    %transpose3A_501 = tpu.transpose %slice3A_471, [1, 0] : vector<65x128xf32> -> vector<128x65xf32>
    %swap3A_502 = arith.constant 4 : index
    %swap3A_503 = arith.constant 0 : index
    %swap3A_504 = arith.constant 0 : index
    %swap3A_505 = vector.load %arg6[%swap3A_502, %swap3A_503, %swap3A_504] : memref<8x128x65xf32, #tpu.memory_space<vmem>>, vector<1x128x65xf32>
    %swap3A_506 = vector.shape_cast %swap3A_505 : vector<1x128x65xf32> to vector<128x65xf32>
    %swap3A_507 = vector.shape_cast %transpose3A_501 : vector<128x65xf32> to vector<1x128x65xf32>
    tpu.vector_store %arg6[%swap3A_502, %swap3A_503, %swap3A_504], %swap3A_507 {strides = array<i32>} : memref<8x128x65xf32, #tpu.memory_space<vmem>>, vector<1x128x65xf32>,
    %transpose3A_508 = tpu.transpose %slice3A_472, [1, 0] : vector<65x128xf32> -> vector<128x65xf32>
    %swap3A_509 = arith.constant 5 : index
    %swap3A_510 = arith.constant 0 : index
    %swap3A_511 = arith.constant 0 : index
    %swap3A_512 = vector.load %arg6[%swap3A_509, %swap3A_510, %swap3A_511] : memref<8x128x65xf32, #tpu.memory_space<vmem>>, vector<1x128x65xf32>
    %swap3A_513 = vector.shape_cast %swap3A_512 : vector<1x128x65xf32> to vector<128x65xf32>
    %swap3A_514 = vector.shape_cast %transpose3A_508 : vector<128x65xf32> to vector<1x128x65xf32>
    tpu.vector_store %arg6[%swap3A_509, %swap3A_510, %swap3A_511], %swap3A_514 {strides = array<i32>} : memref<8x128x65xf32, #tpu.memory_space<vmem>>, vector<1x128x65xf32>,
    %transpose3A_515 = tpu.transpose %slice3A_473, [1, 0] : vector<65x128xf32> -> vector<128x65xf32>
    %swap3A_516 = arith.constant 6 : index
    %swap3A_517 = arith.constant 0 : index
    %swap3A_518 = arith.constant 0 : index
    %swap3A_519 = vector.load %arg6[%swap3A_516, %swap3A_517, %swap3A_518] : memref<8x128x65xf32, #tpu.memory_space<vmem>>, vector<1x128x65xf32>
    %swap3A_520 = vector.shape_cast %swap3A_519 : vector<1x128x65xf32> to vector<128x65xf32>
    %swap3A_521 = vector.shape_cast %transpose3A_515 : vector<128x65xf32> to vector<1x128x65xf32>
    tpu.vector_store %arg6[%swap3A_516, %swap3A_517, %swap3A_518], %swap3A_521 {strides = array<i32>} : memref<8x128x65xf32, #tpu.memory_space<vmem>>, vector<1x128x65xf32>,
    %transpose3A_522 = tpu.transpose %slice3A_474, [1, 0] : vector<65x128xf32> -> vector<128x65xf32>
    %swap3A_523 = arith.constant 7 : index
    %swap3A_524 = arith.constant 0 : index
    %swap3A_525 = arith.constant 0 : index
    %swap3A_526 = vector.load %arg6[%swap3A_523, %swap3A_524, %swap3A_525] : memref<8x128x65xf32, #tpu.memory_space<vmem>>, vector<1x128x65xf32>
    %swap3A_527 = vector.shape_cast %swap3A_526 : vector<1x128x65xf32> to vector<128x65xf32>
    %swap3A_528 = vector.shape_cast %transpose3A_522 : vector<128x65xf32> to vector<1x128x65xf32>
    tpu.vector_store %arg6[%swap3A_523, %swap3A_524, %swap3A_525], %swap3A_528 {strides = array<i32>} : memref<8x128x65xf32, #tpu.memory_space<vmem>>, vector<1x128x65xf32>,
    return
  }
  func.func @transform_0(%arg0: i32) -> (i32, i32, i32) {
    %c0_i32 = arith.constant 0 : i32
    %c0_i32_0 = arith.constant 0 : i32
    %c0_i32_1 = arith.constant 0 : i32
    return %arg0, %c0_i32, %c0_i32_0 : i32, i32, i32
  }
  func.func @transform_1(%arg0: i32) -> (i32, i32) {
    %c0_i32 = arith.constant 0 : i32
    %c0_i32_0 = arith.constant 0 : i32
    %c0_i32_1 = arith.constant 0 : i32
    return %c0_i32, %c0_i32_0 : i32, i32
  }
  func.func @transform_2(%arg0: i32) -> (i32, i32) {
    %c0_i32 = arith.constant 0 : i32
    %c0_i32_0 = arith.constant 0 : i32
    %c0_i32_1 = arith.constant 0 : i32
    return %c0_i32, %c0_i32_0 : i32, i32
  }
  func.func @transform_3(%arg0: i32) -> (i32, i32) {
    %c0_i32 = arith.constant 0 : i32
    %c0_i32_0 = arith.constant 0 : i32
    %c0_i32_1 = arith.constant 0 : i32
    return %c0_i32, %c0_i32_0 : i32, i32
  }
  func.func @transform_4(%arg0: i32) -> (i32, i32) {
    %c0_i32 = arith.constant 0 : i32
    %c0_i32_0 = arith.constant 0 : i32
    %c0_i32_1 = arith.constant 0 : i32
    return %c0_i32, %c0_i32_0 : i32, i32
  }
  func.func @transform_5(%arg0: i32) -> (i32, i32, i32) {
    %c0_i32 = arith.constant 0 : i32
    %c0_i32_0 = arith.constant 0 : i32
    %c0_i32_1 = arith.constant 0 : i32
    return %arg0, %c0_i32, %c0_i32_0 : i32, i32, i32
  }
}

module attributes {stable_mosaic.version = 14 : i64} {
  func.func @_heads_body(%arg0: memref<64x128x65xf32, #tpu.memory_space<vmem>>, %arg1: memref<4160x10xf32, #tpu.memory_space<vmem>>, %arg2: memref<1x10xf32, #tpu.memory_space<vmem>>, %arg3: memref<4160x256xf32, #tpu.memory_space<vmem>>, %arg4: memref<1x256xf32, #tpu.memory_space<vmem>>, %arg5: memref<256x128xf32, #tpu.memory_space<vmem>>, %arg6: memref<1x128xf32, #tpu.memory_space<vmem>>, %arg7: memref<128x10xf32, #tpu.memory_space<vmem>>, %arg8: memref<1x10xf32, #tpu.memory_space<vmem>>, %arg9: memref<64x10xf32, #tpu.memory_space<vmem>>, %arg10: memref<64x10xf32, #tpu.memory_space<vmem>>) attributes {dimension_semantics = [], scalar_prefetch = 0 : i64, scratch_operands = 0 : i64, tpu.core_type = #tpu.core_type<tc>} {
    %get3A = arith.constant 0 : index
    %get3A_0 = arith.constant 0 : index
    %get3A_1 = arith.constant 0 : index
    %get3A_2 = vector.load %arg0[%get3A, %get3A_0, %get3A_1] : memref<64x128x65xf32, #tpu.memory_space<vmem>>, vector<64x128x65xf32>
    %slice3A = vector.extract_strided_slice %get3A_2 {offsets = [0, 0, 0], sizes = [64, 64, 65], strides = [1, 1, 1]} : vector<64x128x65xf32> to vector<64x64x65xf32>
    %reshape3A = vector.shape_cast %slice3A : vector<64x64x65xf32> to vector<64x4160xf32>
    %slice3A_3 = vector.extract_strided_slice %get3A_2 {offsets = [0, 64, 0], sizes = [64, 64, 65], strides = [1, 1, 1]} : vector<64x128x65xf32> to vector<64x64x65xf32>
    %reshape3A_4 = vector.shape_cast %slice3A_3 : vector<64x64x65xf32> to vector<64x4160xf32>
    %get3A_5 = arith.constant 0 : index
    %get3A_6 = arith.constant 0 : index
    %get3A_7 = vector.load %arg1[%get3A_5, %get3A_6] : memref<4160x10xf32, #tpu.memory_space<vmem>>, vector<4160x10xf32>
    %dot_general3A = arith.constant dense<0.000000e+00> : vector<64x10xf32>
    %dot_general3A_8 = tpu.matmul %reshape3A, %get3A_7, %dot_general3A {dimension_numbers = #tpu.dot_dimension_numbers<[1], [0], [0], [1], [0, 0, 1, 1], [], []>, transpose_lhs_hint = false} : vector<64x4160xf32>, vector<4160x10xf32>, vector<64x10xf32> -> vector<64x10xf32>
    %get3A_9 = arith.constant 0 : index
    %get3A_10 = arith.constant 0 : index
    %get3A_11 = vector.load %arg2[%get3A_9, %get3A_10] : memref<1x10xf32, #tpu.memory_space<vmem>>, vector<1x10xf32>
    %add3A = vector.broadcast %get3A_11 : vector<1x10xf32> to vector<64x10xf32>
    %add3A_12 = arith.addf %dot_general3A_8, %add3A : vector<64x10xf32>
    %swap3A = arith.constant 0 : index
    %swap3A_13 = arith.constant 0 : index
    %swap3A_14 = vector.load %arg9[%swap3A, %swap3A_13] : memref<64x10xf32, #tpu.memory_space<vmem>>, vector<64x10xf32>
    tpu.vector_store %arg9[%swap3A, %swap3A_13], %add3A_12 {strides = array<i32>} : memref<64x10xf32, #tpu.memory_space<vmem>>, vector<64x10xf32>,
    %get3A_15 = arith.constant 0 : index
    %get3A_16 = arith.constant 0 : index
    %get3A_17 = vector.load %arg3[%get3A_15, %get3A_16] : memref<4160x256xf32, #tpu.memory_space<vmem>>, vector<4160x256xf32>
    %dot_general3A_18 = arith.constant dense<0.000000e+00> : vector<64x256xf32>
    %dot_general3A_19 = tpu.matmul %reshape3A_4, %get3A_17, %dot_general3A_18 {dimension_numbers = #tpu.dot_dimension_numbers<[1], [0], [0], [1], [0, 0, 1, 1], [], []>, transpose_lhs_hint = false} : vector<64x4160xf32>, vector<4160x256xf32>, vector<64x256xf32> -> vector<64x256xf32>
    %get3A_20 = arith.constant 0 : index
    %get3A_21 = arith.constant 0 : index
    %get3A_22 = vector.load %arg4[%get3A_20, %get3A_21] : memref<1x256xf32, #tpu.memory_space<vmem>>, vector<1x256xf32>
    %add3A_23 = vector.broadcast %get3A_22 : vector<1x256xf32> to vector<64x256xf32>
    %add3A_24 = arith.addf %dot_general3A_19, %add3A_23 : vector<64x256xf32>
    %max3A = arith.constant 0.000000e+00 : f32
    %max3A_25 = vector.broadcast %max3A : f32 to vector<64x256xf32>
    %max3A_26 = arith.maximumf %add3A_24, %max3A_25 : vector<64x256xf32>
    %get3A_27 = arith.constant 0 : index
    %get3A_28 = arith.constant 0 : index
    %get3A_29 = vector.load %arg5[%get3A_27, %get3A_28] : memref<256x128xf32, #tpu.memory_space<vmem>>, vector<256x128xf32>
    %dot_general3A_30 = arith.constant dense<0.000000e+00> : vector<64x128xf32>
    %dot_general3A_31 = tpu.matmul %max3A_26, %get3A_29, %dot_general3A_30 {dimension_numbers = #tpu.dot_dimension_numbers<[1], [0], [0], [1], [0, 0, 1, 1], [], []>, transpose_lhs_hint = false} : vector<64x256xf32>, vector<256x128xf32>, vector<64x128xf32> -> vector<64x128xf32>
    %get3A_32 = arith.constant 0 : index
    %get3A_33 = arith.constant 0 : index
    %get3A_34 = vector.load %arg6[%get3A_32, %get3A_33] : memref<1x128xf32, #tpu.memory_space<vmem>>, vector<1x128xf32>
    %add3A_35 = vector.broadcast %get3A_34 : vector<1x128xf32> to vector<64x128xf32>
    %add3A_36 = arith.addf %dot_general3A_31, %add3A_35 : vector<64x128xf32>
    %max3A_37 = arith.constant 0.000000e+00 : f32
    %max3A_38 = vector.broadcast %max3A_37 : f32 to vector<64x128xf32>
    %max3A_39 = arith.maximumf %add3A_36, %max3A_38 : vector<64x128xf32>
    %get3A_40 = arith.constant 0 : index
    %get3A_41 = arith.constant 0 : index
    %get3A_42 = vector.load %arg7[%get3A_40, %get3A_41] : memref<128x10xf32, #tpu.memory_space<vmem>>, vector<128x10xf32>
    %dot_general3A_43 = arith.constant dense<0.000000e+00> : vector<64x10xf32>
    %dot_general3A_44 = tpu.matmul %max3A_39, %get3A_42, %dot_general3A_43 {dimension_numbers = #tpu.dot_dimension_numbers<[1], [0], [0], [1], [0, 0, 1, 1], [], []>, transpose_lhs_hint = false} : vector<64x128xf32>, vector<128x10xf32>, vector<64x10xf32> -> vector<64x10xf32>
    %get3A_45 = arith.constant 0 : index
    %get3A_46 = arith.constant 0 : index
    %get3A_47 = vector.load %arg8[%get3A_45, %get3A_46] : memref<1x10xf32, #tpu.memory_space<vmem>>, vector<1x10xf32>
    %add3A_48 = vector.broadcast %get3A_47 : vector<1x10xf32> to vector<64x10xf32>
    %add3A_49 = arith.addf %dot_general3A_44, %add3A_48 : vector<64x10xf32>
    %swap3A_50 = arith.constant 0 : index
    %swap3A_51 = arith.constant 0 : index
    %swap3A_52 = vector.load %arg10[%swap3A_50, %swap3A_51] : memref<64x10xf32, #tpu.memory_space<vmem>>, vector<64x10xf32>
    tpu.vector_store %arg10[%swap3A_50, %swap3A_51], %add3A_49 {strides = array<i32>} : memref<64x10xf32, #tpu.memory_space<vmem>>, vector<64x10xf32>,
    return
  }
}

module attributes {stable_mosaic.version = 14 : i64} {
  func.func @_dec_body(%arg0: i32, %arg1: memref<8x128x65xf32, #tpu.memory_space<vmem>>, %arg2: memref<8x128x65xf32, #tpu.memory_space<vmem>>, %arg3: memref<256x128xf32, #tpu.memory_space<vmem>>, %arg4: memref<256x128xf32, #tpu.memory_space<vmem>>, %arg5: memref<256x64xf32, #tpu.memory_space<vmem>>, %arg6: memref<256x64xf32, #tpu.memory_space<vmem>>, %arg7: memref<128x32xf32, #tpu.memory_space<vmem>>, %arg8: memref<128x32xf32, #tpu.memory_space<vmem>>, %arg9: memref<128x2xf32, #tpu.memory_space<vmem>>, %arg10: memref<8x65x16xf32, #tpu.memory_space<vmem>>, %arg11: memref<1x1xf32, #tpu.memory_space<smem>>) attributes {dimension_semantics = [#tpu.dimension_semantics<arbitrary>], iteration_bounds = array<i64: 8>, scalar_prefetch = 0 : i64, scratch_operands = 0 : i64, tpu.core_type = #tpu.core_type<tc>, window_params = [{transform_indices = @transform_0, window_bounds = array<i64: 8, 128, 65>}, {transform_indices = @transform_1, window_bounds = array<i64: 8, 128, 65>}, {pipeline_mode = #tpu.pipeline_mode<synchronous>, transform_indices = @transform_2, window_bounds = array<i64: 256, 128>}, {pipeline_mode = #tpu.pipeline_mode<synchronous>, transform_indices = @transform_3, window_bounds = array<i64: 256, 128>}, {pipeline_mode = #tpu.pipeline_mode<synchronous>, transform_indices = @transform_4, window_bounds = array<i64: 256, 64>}, {pipeline_mode = #tpu.pipeline_mode<synchronous>, transform_indices = @transform_5, window_bounds = array<i64: 256, 64>}, {pipeline_mode = #tpu.pipeline_mode<synchronous>, transform_indices = @transform_6, window_bounds = array<i64: 128, 32>}, {pipeline_mode = #tpu.pipeline_mode<synchronous>, transform_indices = @transform_7, window_bounds = array<i64: 128, 32>}, {pipeline_mode = #tpu.pipeline_mode<synchronous>, transform_indices = @transform_8, window_bounds = array<i64: 128, 2>}, {transform_indices = @transform_9, window_bounds = array<i64: 8, 65, 16>}, {transform_indices = @transform_10, window_bounds = array<i64: 1, 1>}]} {
    %get3A = arith.constant 0 : index
    %get3A_0 = arith.constant 0 : index
    %get3A_1 = arith.constant 0 : index
    %get3A_2 = vector.load %arg1[%get3A, %get3A_0, %get3A_1] : memref<8x128x65xf32, #tpu.memory_space<vmem>>, vector<8x128x65xf32>
    %get3A_3 = arith.constant 0 : index
    %get3A_4 = arith.constant 0 : index
    %get3A_5 = arith.constant 0 : index
    %get3A_6 = vector.load %arg2[%get3A_3, %get3A_4, %get3A_5] : memref<8x128x65xf32, #tpu.memory_space<vmem>>, vector<8x128x65xf32>
    %sub3A = arith.subf %get3A_2, %get3A_6 : vector<8x128x65xf32>
    %mul3A = arith.mulf %sub3A, %sub3A : vector<8x128x65xf32>
    %reduce_sum3A = vector.shape_cast %mul3A : vector<8x128x65xf32> to vector<1x8x128x65xf32>
    %reduce_sum3A_7 = arith.constant dense<0.000000e+00> : vector<1xf32>
    %reduce_sum3A_8 = vector.multi_reduction <add>, %reduce_sum3A, %reduce_sum3A_7 [1, 2, 3] : vector<1x8x128x65xf32> to vector<1xf32>
    %reduce_sum3A_9 = vector.shape_cast %reduce_sum3A_8 : vector<1xf32> to vector<1x1x1x1xf32>
    %reduce_sum3A_10 = vector.extract %reduce_sum3A_9[0, 0, 0, 0] : f32 from vector<1x1x1x1xf32>
    %eq3A = arith.constant 0 : i32
    %eq3A_11 = arith.cmpi eq, %arg0, %eq3A : i32
    %convert_element_type3A = arith.extui %eq3A_11 : i1 to i32
    %cond3A = arith.constant 0 : i32
    %cond3A_12 = arith.cmpi ne, %convert_element_type3A, %cond3A : i32
    scf.if %cond3A_12 {
      %swap3A_846 = arith.constant 0 : index
      %swap3A_847 = arith.constant 0 : index
      %swap3A_848 = memref.load %arg11[%swap3A_846, %swap3A_847] : memref<1x1xf32, #tpu.memory_space<smem>>
      memref.store %reduce_sum3A_10, %arg11[%swap3A_846, %swap3A_847] : memref<1x1xf32, #tpu.memory_space<smem>>
    } else {
    }
    %gt3A = arith.constant 0 : i32
    %gt3A_13 = arith.cmpi sgt, %arg0, %gt3A : i32
    %convert_element_type3A_14 = arith.extui %gt3A_13 : i1 to i32
    %cond3A_15 = arith.constant 0 : i32
    %cond3A_16 = arith.cmpi ne, %convert_element_type3A_14, %cond3A_15 : i32
    scf.if %cond3A_16 {
      %get3A_846 = arith.constant 0 : index
      %get3A_847 = arith.constant 0 : index
      %get3A_848 = memref.load %arg11[%get3A_846, %get3A_847] : memref<1x1xf32, #tpu.memory_space<smem>>
      %add3A = arith.addf %get3A_848, %reduce_sum3A_10 : f32
      %swap3A_849 = arith.constant 0 : index
      %swap3A_850 = arith.constant 0 : index
      %swap3A_851 = memref.load %arg11[%swap3A_849, %swap3A_850] : memref<1x1xf32, #tpu.memory_space<smem>>
      memref.store %add3A, %arg11[%swap3A_849, %swap3A_850] : memref<1x1xf32, #tpu.memory_space<smem>>
    } else {
    }
    %get3A_17 = arith.constant 0 : index
    %get3A_18 = arith.constant 0 : index
    %get3A_19 = arith.constant 0 : index
    %get3A_20 = vector.load %arg1[%get3A_17, %get3A_18, %get3A_19] : memref<8x128x65xf32, #tpu.memory_space<vmem>>, vector<1x128x65xf32>
    %get3A_21 = vector.shape_cast %get3A_20 : vector<1x128x65xf32> to vector<128x65xf32>
    %transpose3A = tpu.transpose %get3A_21, [1, 0] : vector<128x65xf32> -> vector<65x128xf32>
    %get3A_22 = arith.constant 1 : index
    %get3A_23 = arith.constant 0 : index
    %get3A_24 = arith.constant 0 : index
    %get3A_25 = vector.load %arg1[%get3A_22, %get3A_23, %get3A_24] : memref<8x128x65xf32, #tpu.memory_space<vmem>>, vector<1x128x65xf32>
    %get3A_26 = vector.shape_cast %get3A_25 : vector<1x128x65xf32> to vector<128x65xf32>
    %transpose3A_27 = tpu.transpose %get3A_26, [1, 0] : vector<128x65xf32> -> vector<65x128xf32>
    %get3A_28 = arith.constant 2 : index
    %get3A_29 = arith.constant 0 : index
    %get3A_30 = arith.constant 0 : index
    %get3A_31 = vector.load %arg1[%get3A_28, %get3A_29, %get3A_30] : memref<8x128x65xf32, #tpu.memory_space<vmem>>, vector<1x128x65xf32>
    %get3A_32 = vector.shape_cast %get3A_31 : vector<1x128x65xf32> to vector<128x65xf32>
    %transpose3A_33 = tpu.transpose %get3A_32, [1, 0] : vector<128x65xf32> -> vector<65x128xf32>
    %get3A_34 = arith.constant 3 : index
    %get3A_35 = arith.constant 0 : index
    %get3A_36 = arith.constant 0 : index
    %get3A_37 = vector.load %arg1[%get3A_34, %get3A_35, %get3A_36] : memref<8x128x65xf32, #tpu.memory_space<vmem>>, vector<1x128x65xf32>
    %get3A_38 = vector.shape_cast %get3A_37 : vector<1x128x65xf32> to vector<128x65xf32>
    %transpose3A_39 = tpu.transpose %get3A_38, [1, 0] : vector<128x65xf32> -> vector<65x128xf32>
    %get3A_40 = arith.constant 4 : index
    %get3A_41 = arith.constant 0 : index
    %get3A_42 = arith.constant 0 : index
    %get3A_43 = vector.load %arg1[%get3A_40, %get3A_41, %get3A_42] : memref<8x128x65xf32, #tpu.memory_space<vmem>>, vector<1x128x65xf32>
    %get3A_44 = vector.shape_cast %get3A_43 : vector<1x128x65xf32> to vector<128x65xf32>
    %transpose3A_45 = tpu.transpose %get3A_44, [1, 0] : vector<128x65xf32> -> vector<65x128xf32>
    %get3A_46 = arith.constant 5 : index
    %get3A_47 = arith.constant 0 : index
    %get3A_48 = arith.constant 0 : index
    %get3A_49 = vector.load %arg1[%get3A_46, %get3A_47, %get3A_48] : memref<8x128x65xf32, #tpu.memory_space<vmem>>, vector<1x128x65xf32>
    %get3A_50 = vector.shape_cast %get3A_49 : vector<1x128x65xf32> to vector<128x65xf32>
    %transpose3A_51 = tpu.transpose %get3A_50, [1, 0] : vector<128x65xf32> -> vector<65x128xf32>
    %get3A_52 = arith.constant 6 : index
    %get3A_53 = arith.constant 0 : index
    %get3A_54 = arith.constant 0 : index
    %get3A_55 = vector.load %arg1[%get3A_52, %get3A_53, %get3A_54] : memref<8x128x65xf32, #tpu.memory_space<vmem>>, vector<1x128x65xf32>
    %get3A_56 = vector.shape_cast %get3A_55 : vector<1x128x65xf32> to vector<128x65xf32>
    %transpose3A_57 = tpu.transpose %get3A_56, [1, 0] : vector<128x65xf32> -> vector<65x128xf32>
    %get3A_58 = arith.constant 7 : index
    %get3A_59 = arith.constant 0 : index
    %get3A_60 = arith.constant 0 : index
    %get3A_61 = vector.load %arg1[%get3A_58, %get3A_59, %get3A_60] : memref<8x128x65xf32, #tpu.memory_space<vmem>>, vector<1x128x65xf32>
    %get3A_62 = vector.shape_cast %get3A_61 : vector<1x128x65xf32> to vector<128x65xf32>
    %transpose3A_63 = tpu.transpose %get3A_62, [1, 0] : vector<128x65xf32> -> vector<65x128xf32>
    %get3A_64 = arith.constant 0 : index
    %get3A_65 = arith.constant 0 : index
    %get3A_66 = vector.load %arg3[%get3A_64, %get3A_65] : memref<256x128xf32, #tpu.memory_space<vmem>>, vector<256x128xf32>
    %get3A_67 = arith.constant 0 : index
    %get3A_68 = arith.constant 0 : index
    %get3A_69 = vector.load %arg4[%get3A_67, %get3A_68] : memref<256x128xf32, #tpu.memory_space<vmem>>, vector<256x128xf32>
    %broadcast_in_dim3A = arith.constant 0.000000e+00 : f32
    %broadcast_in_dim3A_70 = vector.broadcast %broadcast_in_dim3A : f32 to vector<1x128xf32>
    %slice3A = vector.extract_strided_slice %transpose3A {offsets = [0, 0], sizes = [64, 128], strides = [1, 1]} : vector<65x128xf32> to vector<64x128xf32>
    %concatenate3A = tpu.concatenate %broadcast_in_dim3A_70, %slice3A in 0 : vector<1x128xf32>, vector<64x128xf32> -> vector<65x128xf32>
    %slice3A_71 = vector.extract_strided_slice %transpose3A {offsets = [1, 0], sizes = [64, 128], strides = [1, 1]} : vector<65x128xf32> to vector<64x128xf32>
    %concatenate3A_72 = tpu.concatenate %slice3A_71, %broadcast_in_dim3A_70 in 0 : vector<64x128xf32>, vector<1x128xf32> -> vector<65x128xf32>
    %concatenate3A_73 = tpu.concatenate %concatenate3A, %transpose3A in 1 : vector<65x128xf32>, vector<65x128xf32> -> vector<65x256xf32>
    %concatenate3A_74 = tpu.concatenate %transpose3A, %concatenate3A_72 in 1 : vector<65x128xf32>, vector<65x128xf32> -> vector<65x256xf32>
    %broadcast_in_dim3A_75 = arith.constant 0.000000e+00 : f32
    %broadcast_in_dim3A_76 = vector.broadcast %broadcast_in_dim3A_75 : f32 to vector<1x128xf32>
    %slice3A_77 = vector.extract_strided_slice %transpose3A_27 {offsets = [0, 0], sizes = [64, 128], strides = [1, 1]} : vector<65x128xf32> to vector<64x128xf32>
    %concatenate3A_78 = tpu.concatenate %broadcast_in_dim3A_76, %slice3A_77 in 0 : vector<1x128xf32>, vector<64x128xf32> -> vector<65x128xf32>
    %slice3A_79 = vector.extract_strided_slice %transpose3A_27 {offsets = [1, 0], sizes = [64, 128], strides = [1, 1]} : vector<65x128xf32> to vector<64x128xf32>
    %concatenate3A_80 = tpu.concatenate %slice3A_79, %broadcast_in_dim3A_76 in 0 : vector<64x128xf32>, vector<1x128xf32> -> vector<65x128xf32>
    %concatenate3A_81 = tpu.concatenate %concatenate3A_78, %transpose3A_27 in 1 : vector<65x128xf32>, vector<65x128xf32> -> vector<65x256xf32>
    %concatenate3A_82 = tpu.concatenate %transpose3A_27, %concatenate3A_80 in 1 : vector<65x128xf32>, vector<65x128xf32> -> vector<65x256xf32>
    %broadcast_in_dim3A_83 = arith.constant 0.000000e+00 : f32
    %broadcast_in_dim3A_84 = vector.broadcast %broadcast_in_dim3A_83 : f32 to vector<1x128xf32>
    %slice3A_85 = vector.extract_strided_slice %transpose3A_33 {offsets = [0, 0], sizes = [64, 128], strides = [1, 1]} : vector<65x128xf32> to vector<64x128xf32>
    %concatenate3A_86 = tpu.concatenate %broadcast_in_dim3A_84, %slice3A_85 in 0 : vector<1x128xf32>, vector<64x128xf32> -> vector<65x128xf32>
    %slice3A_87 = vector.extract_strided_slice %transpose3A_33 {offsets = [1, 0], sizes = [64, 128], strides = [1, 1]} : vector<65x128xf32> to vector<64x128xf32>
    %concatenate3A_88 = tpu.concatenate %slice3A_87, %broadcast_in_dim3A_84 in 0 : vector<64x128xf32>, vector<1x128xf32> -> vector<65x128xf32>
    %concatenate3A_89 = tpu.concatenate %concatenate3A_86, %transpose3A_33 in 1 : vector<65x128xf32>, vector<65x128xf32> -> vector<65x256xf32>
    %concatenate3A_90 = tpu.concatenate %transpose3A_33, %concatenate3A_88 in 1 : vector<65x128xf32>, vector<65x128xf32> -> vector<65x256xf32>
    %broadcast_in_dim3A_91 = arith.constant 0.000000e+00 : f32
    %broadcast_in_dim3A_92 = vector.broadcast %broadcast_in_dim3A_91 : f32 to vector<1x128xf32>
    %slice3A_93 = vector.extract_strided_slice %transpose3A_39 {offsets = [0, 0], sizes = [64, 128], strides = [1, 1]} : vector<65x128xf32> to vector<64x128xf32>
    %concatenate3A_94 = tpu.concatenate %broadcast_in_dim3A_92, %slice3A_93 in 0 : vector<1x128xf32>, vector<64x128xf32> -> vector<65x128xf32>
    %slice3A_95 = vector.extract_strided_slice %transpose3A_39 {offsets = [1, 0], sizes = [64, 128], strides = [1, 1]} : vector<65x128xf32> to vector<64x128xf32>
    %concatenate3A_96 = tpu.concatenate %slice3A_95, %broadcast_in_dim3A_92 in 0 : vector<64x128xf32>, vector<1x128xf32> -> vector<65x128xf32>
    %concatenate3A_97 = tpu.concatenate %concatenate3A_94, %transpose3A_39 in 1 : vector<65x128xf32>, vector<65x128xf32> -> vector<65x256xf32>
    %concatenate3A_98 = tpu.concatenate %transpose3A_39, %concatenate3A_96 in 1 : vector<65x128xf32>, vector<65x128xf32> -> vector<65x256xf32>
    %broadcast_in_dim3A_99 = arith.constant 0.000000e+00 : f32
    %broadcast_in_dim3A_100 = vector.broadcast %broadcast_in_dim3A_99 : f32 to vector<1x128xf32>
    %slice3A_101 = vector.extract_strided_slice %transpose3A_45 {offsets = [0, 0], sizes = [64, 128], strides = [1, 1]} : vector<65x128xf32> to vector<64x128xf32>
    %concatenate3A_102 = tpu.concatenate %broadcast_in_dim3A_100, %slice3A_101 in 0 : vector<1x128xf32>, vector<64x128xf32> -> vector<65x128xf32>
    %slice3A_103 = vector.extract_strided_slice %transpose3A_45 {offsets = [1, 0], sizes = [64, 128], strides = [1, 1]} : vector<65x128xf32> to vector<64x128xf32>
    %concatenate3A_104 = tpu.concatenate %slice3A_103, %broadcast_in_dim3A_100 in 0 : vector<64x128xf32>, vector<1x128xf32> -> vector<65x128xf32>
    %concatenate3A_105 = tpu.concatenate %concatenate3A_102, %transpose3A_45 in 1 : vector<65x128xf32>, vector<65x128xf32> -> vector<65x256xf32>
    %concatenate3A_106 = tpu.concatenate %transpose3A_45, %concatenate3A_104 in 1 : vector<65x128xf32>, vector<65x128xf32> -> vector<65x256xf32>
    %broadcast_in_dim3A_107 = arith.constant 0.000000e+00 : f32
    %broadcast_in_dim3A_108 = vector.broadcast %broadcast_in_dim3A_107 : f32 to vector<1x128xf32>
    %slice3A_109 = vector.extract_strided_slice %transpose3A_51 {offsets = [0, 0], sizes = [64, 128], strides = [1, 1]} : vector<65x128xf32> to vector<64x128xf32>
    %concatenate3A_110 = tpu.concatenate %broadcast_in_dim3A_108, %slice3A_109 in 0 : vector<1x128xf32>, vector<64x128xf32> -> vector<65x128xf32>
    %slice3A_111 = vector.extract_strided_slice %transpose3A_51 {offsets = [1, 0], sizes = [64, 128], strides = [1, 1]} : vector<65x128xf32> to vector<64x128xf32>
    %concatenate3A_112 = tpu.concatenate %slice3A_111, %broadcast_in_dim3A_108 in 0 : vector<64x128xf32>, vector<1x128xf32> -> vector<65x128xf32>
    %concatenate3A_113 = tpu.concatenate %concatenate3A_110, %transpose3A_51 in 1 : vector<65x128xf32>, vector<65x128xf32> -> vector<65x256xf32>
    %concatenate3A_114 = tpu.concatenate %transpose3A_51, %concatenate3A_112 in 1 : vector<65x128xf32>, vector<65x128xf32> -> vector<65x256xf32>
    %broadcast_in_dim3A_115 = arith.constant 0.000000e+00 : f32
    %broadcast_in_dim3A_116 = vector.broadcast %broadcast_in_dim3A_115 : f32 to vector<1x128xf32>
    %slice3A_117 = vector.extract_strided_slice %transpose3A_57 {offsets = [0, 0], sizes = [64, 128], strides = [1, 1]} : vector<65x128xf32> to vector<64x128xf32>
    %concatenate3A_118 = tpu.concatenate %broadcast_in_dim3A_116, %slice3A_117 in 0 : vector<1x128xf32>, vector<64x128xf32> -> vector<65x128xf32>
    %slice3A_119 = vector.extract_strided_slice %transpose3A_57 {offsets = [1, 0], sizes = [64, 128], strides = [1, 1]} : vector<65x128xf32> to vector<64x128xf32>
    %concatenate3A_120 = tpu.concatenate %slice3A_119, %broadcast_in_dim3A_116 in 0 : vector<64x128xf32>, vector<1x128xf32> -> vector<65x128xf32>
    %concatenate3A_121 = tpu.concatenate %concatenate3A_118, %transpose3A_57 in 1 : vector<65x128xf32>, vector<65x128xf32> -> vector<65x256xf32>
    %concatenate3A_122 = tpu.concatenate %transpose3A_57, %concatenate3A_120 in 1 : vector<65x128xf32>, vector<65x128xf32> -> vector<65x256xf32>
    %broadcast_in_dim3A_123 = arith.constant 0.000000e+00 : f32
    %broadcast_in_dim3A_124 = vector.broadcast %broadcast_in_dim3A_123 : f32 to vector<1x128xf32>
    %slice3A_125 = vector.extract_strided_slice %transpose3A_63 {offsets = [0, 0], sizes = [64, 128], strides = [1, 1]} : vector<65x128xf32> to vector<64x128xf32>
    %concatenate3A_126 = tpu.concatenate %broadcast_in_dim3A_124, %slice3A_125 in 0 : vector<1x128xf32>, vector<64x128xf32> -> vector<65x128xf32>
    %slice3A_127 = vector.extract_strided_slice %transpose3A_63 {offsets = [1, 0], sizes = [64, 128], strides = [1, 1]} : vector<65x128xf32> to vector<64x128xf32>
    %concatenate3A_128 = tpu.concatenate %slice3A_127, %broadcast_in_dim3A_124 in 0 : vector<64x128xf32>, vector<1x128xf32> -> vector<65x128xf32>
    %concatenate3A_129 = tpu.concatenate %concatenate3A_126, %transpose3A_63 in 1 : vector<65x128xf32>, vector<65x128xf32> -> vector<65x256xf32>
    %concatenate3A_130 = tpu.concatenate %transpose3A_63, %concatenate3A_128 in 1 : vector<65x128xf32>, vector<65x128xf32> -> vector<65x256xf32>
    %concatenate3A_131 = tpu.concatenate %concatenate3A_73, %concatenate3A_81, %concatenate3A_89, %concatenate3A_97, %concatenate3A_105, %concatenate3A_113, %concatenate3A_121, %concatenate3A_129 in 0 : vector<65x256xf32>, vector<65x256xf32>, vector<65x256xf32>, vector<65x256xf32>, vector<65x256xf32>, vector<65x256xf32>, vector<65x256xf32>, vector<65x256xf32> -> vector<520x256xf32>
    %dot_general3A = arith.constant dense<0.000000e+00> : vector<520x128xf32>
    %dot_general3A_132 = tpu.matmul %concatenate3A_131, %get3A_66, %dot_general3A {dimension_numbers = #tpu.dot_dimension_numbers<[1], [0], [0], [1], [0, 0, 1, 1], [], []>, transpose_lhs_hint = false} : vector<520x256xf32>, vector<256x128xf32>, vector<520x128xf32> -> vector<520x128xf32>
    %concatenate3A_133 = tpu.concatenate %concatenate3A_74, %concatenate3A_82, %concatenate3A_90, %concatenate3A_98, %concatenate3A_106, %concatenate3A_114, %concatenate3A_122, %concatenate3A_130 in 0 : vector<65x256xf32>, vector<65x256xf32>, vector<65x256xf32>, vector<65x256xf32>, vector<65x256xf32>, vector<65x256xf32>, vector<65x256xf32>, vector<65x256xf32> -> vector<520x256xf32>
    %dot_general3A_134 = arith.constant dense<0.000000e+00> : vector<520x128xf32>
    %dot_general3A_135 = tpu.matmul %concatenate3A_133, %get3A_69, %dot_general3A_134 {dimension_numbers = #tpu.dot_dimension_numbers<[1], [0], [0], [1], [0, 0, 1, 1], [], []>, transpose_lhs_hint = false} : vector<520x256xf32>, vector<256x128xf32>, vector<520x128xf32> -> vector<520x128xf32>
    %max3A = arith.constant 0.000000e+00 : f32
    %max3A_136 = vector.broadcast %max3A : f32 to vector<520x128xf32>
    %max3A_137 = arith.maximumf %dot_general3A_132, %max3A_136 : vector<520x128xf32>
    %max3A_138 = arith.constant 0.000000e+00 : f32
    %max3A_139 = vector.broadcast %max3A_138 : f32 to vector<520x128xf32>
    %max3A_140 = arith.maximumf %dot_general3A_135, %max3A_139 : vector<520x128xf32>
    %slice3A_141 = vector.extract_strided_slice %max3A_137 {offsets = [0, 0], sizes = [65, 128], strides = [1, 1]} : vector<520x128xf32> to vector<65x128xf32>
    %slice3A_142 = vector.extract_strided_slice %max3A_140 {offsets = [0, 0], sizes = [65, 128], strides = [1, 1]} : vector<520x128xf32> to vector<65x128xf32>
    %slice3A_143 = vector.extract_strided_slice %max3A_137 {offsets = [65, 0], sizes = [65, 128], strides = [1, 1]} : vector<520x128xf32> to vector<65x128xf32>
    %slice3A_144 = vector.extract_strided_slice %max3A_140 {offsets = [65, 0], sizes = [65, 128], strides = [1, 1]} : vector<520x128xf32> to vector<65x128xf32>
    %slice3A_145 = vector.extract_strided_slice %max3A_137 {offsets = [130, 0], sizes = [65, 128], strides = [1, 1]} : vector<520x128xf32> to vector<65x128xf32>
    %slice3A_146 = vector.extract_strided_slice %max3A_140 {offsets = [130, 0], sizes = [65, 128], strides = [1, 1]} : vector<520x128xf32> to vector<65x128xf32>
    %slice3A_147 = vector.extract_strided_slice %max3A_137 {offsets = [195, 0], sizes = [65, 128], strides = [1, 1]} : vector<520x128xf32> to vector<65x128xf32>
    %slice3A_148 = vector.extract_strided_slice %max3A_140 {offsets = [195, 0], sizes = [65, 128], strides = [1, 1]} : vector<520x128xf32> to vector<65x128xf32>
    %slice3A_149 = vector.extract_strided_slice %max3A_137 {offsets = [260, 0], sizes = [65, 128], strides = [1, 1]} : vector<520x128xf32> to vector<65x128xf32>
    %slice3A_150 = vector.extract_strided_slice %max3A_140 {offsets = [260, 0], sizes = [65, 128], strides = [1, 1]} : vector<520x128xf32> to vector<65x128xf32>
    %slice3A_151 = vector.extract_strided_slice %max3A_137 {offsets = [325, 0], sizes = [65, 128], strides = [1, 1]} : vector<520x128xf32> to vector<65x128xf32>
    %slice3A_152 = vector.extract_strided_slice %max3A_140 {offsets = [325, 0], sizes = [65, 128], strides = [1, 1]} : vector<520x128xf32> to vector<65x128xf32>
    %slice3A_153 = vector.extract_strided_slice %max3A_137 {offsets = [390, 0], sizes = [65, 128], strides = [1, 1]} : vector<520x128xf32> to vector<65x128xf32>
    %slice3A_154 = vector.extract_strided_slice %max3A_140 {offsets = [390, 0], sizes = [65, 128], strides = [1, 1]} : vector<520x128xf32> to vector<65x128xf32>
    %slice3A_155 = vector.extract_strided_slice %max3A_137 {offsets = [455, 0], sizes = [65, 128], strides = [1, 1]} : vector<520x128xf32> to vector<65x128xf32>
    %slice3A_156 = vector.extract_strided_slice %max3A_140 {offsets = [455, 0], sizes = [65, 128], strides = [1, 1]} : vector<520x128xf32> to vector<65x128xf32>
    %get3A_157 = arith.constant 0 : index
    %get3A_158 = arith.constant 0 : index
    %get3A_159 = vector.load %arg5[%get3A_157, %get3A_158] : memref<256x64xf32, #tpu.memory_space<vmem>>, vector<256x64xf32>
    %get3A_160 = arith.constant 0 : index
    %get3A_161 = arith.constant 0 : index
    %get3A_162 = vector.load %arg6[%get3A_160, %get3A_161] : memref<256x64xf32, #tpu.memory_space<vmem>>, vector<256x64xf32>
    %broadcast_in_dim3A_163 = arith.constant 0.000000e+00 : f32
    %broadcast_in_dim3A_164 = vector.broadcast %broadcast_in_dim3A_163 : f32 to vector<1x128xf32>
    %slice3A_165 = vector.extract_strided_slice %slice3A_142 {offsets = [0, 0], sizes = [64, 128], strides = [1, 1]} : vector<65x128xf32> to vector<64x128xf32>
    %concatenate3A_166 = tpu.concatenate %broadcast_in_dim3A_164, %slice3A_165 in 0 : vector<1x128xf32>, vector<64x128xf32> -> vector<65x128xf32>
    %slice3A_167 = vector.extract_strided_slice %slice3A_141 {offsets = [1, 0], sizes = [64, 128], strides = [1, 1]} : vector<65x128xf32> to vector<64x128xf32>
    %concatenate3A_168 = tpu.concatenate %slice3A_167, %broadcast_in_dim3A_164 in 0 : vector<64x128xf32>, vector<1x128xf32> -> vector<65x128xf32>
    %concatenate3A_169 = tpu.concatenate %concatenate3A_166, %slice3A_141 in 1 : vector<65x128xf32>, vector<65x128xf32> -> vector<65x256xf32>
    %concatenate3A_170 = tpu.concatenate %slice3A_141, %slice3A_142 in 1 : vector<65x128xf32>, vector<65x128xf32> -> vector<65x256xf32>
    %concatenate3A_171 = tpu.concatenate %slice3A_141, %slice3A_142 in 1 : vector<65x128xf32>, vector<65x128xf32> -> vector<65x256xf32>
    %concatenate3A_172 = tpu.concatenate %slice3A_142, %concatenate3A_168 in 1 : vector<65x128xf32>, vector<65x128xf32> -> vector<65x256xf32>
    %broadcast_in_dim3A_173 = arith.constant 0.000000e+00 : f32
    %broadcast_in_dim3A_174 = vector.broadcast %broadcast_in_dim3A_173 : f32 to vector<1x128xf32>
    %slice3A_175 = vector.extract_strided_slice %slice3A_144 {offsets = [0, 0], sizes = [64, 128], strides = [1, 1]} : vector<65x128xf32> to vector<64x128xf32>
    %concatenate3A_176 = tpu.concatenate %broadcast_in_dim3A_174, %slice3A_175 in 0 : vector<1x128xf32>, vector<64x128xf32> -> vector<65x128xf32>
    %slice3A_177 = vector.extract_strided_slice %slice3A_143 {offsets = [1, 0], sizes = [64, 128], strides = [1, 1]} : vector<65x128xf32> to vector<64x128xf32>
    %concatenate3A_178 = tpu.concatenate %slice3A_177, %broadcast_in_dim3A_174 in 0 : vector<64x128xf32>, vector<1x128xf32> -> vector<65x128xf32>
    %concatenate3A_179 = tpu.concatenate %concatenate3A_176, %slice3A_143 in 1 : vector<65x128xf32>, vector<65x128xf32> -> vector<65x256xf32>
    %concatenate3A_180 = tpu.concatenate %slice3A_143, %slice3A_144 in 1 : vector<65x128xf32>, vector<65x128xf32> -> vector<65x256xf32>
    %concatenate3A_181 = tpu.concatenate %slice3A_143, %slice3A_144 in 1 : vector<65x128xf32>, vector<65x128xf32> -> vector<65x256xf32>
    %concatenate3A_182 = tpu.concatenate %slice3A_144, %concatenate3A_178 in 1 : vector<65x128xf32>, vector<65x128xf32> -> vector<65x256xf32>
    %broadcast_in_dim3A_183 = arith.constant 0.000000e+00 : f32
    %broadcast_in_dim3A_184 = vector.broadcast %broadcast_in_dim3A_183 : f32 to vector<1x128xf32>
    %slice3A_185 = vector.extract_strided_slice %slice3A_146 {offsets = [0, 0], sizes = [64, 128], strides = [1, 1]} : vector<65x128xf32> to vector<64x128xf32>
    %concatenate3A_186 = tpu.concatenate %broadcast_in_dim3A_184, %slice3A_185 in 0 : vector<1x128xf32>, vector<64x128xf32> -> vector<65x128xf32>
    %slice3A_187 = vector.extract_strided_slice %slice3A_145 {offsets = [1, 0], sizes = [64, 128], strides = [1, 1]} : vector<65x128xf32> to vector<64x128xf32>
    %concatenate3A_188 = tpu.concatenate %slice3A_187, %broadcast_in_dim3A_184 in 0 : vector<64x128xf32>, vector<1x128xf32> -> vector<65x128xf32>
    %concatenate3A_189 = tpu.concatenate %concatenate3A_186, %slice3A_145 in 1 : vector<65x128xf32>, vector<65x128xf32> -> vector<65x256xf32>
    %concatenate3A_190 = tpu.concatenate %slice3A_145, %slice3A_146 in 1 : vector<65x128xf32>, vector<65x128xf32> -> vector<65x256xf32>
    %concatenate3A_191 = tpu.concatenate %slice3A_145, %slice3A_146 in 1 : vector<65x128xf32>, vector<65x128xf32> -> vector<65x256xf32>
    %concatenate3A_192 = tpu.concatenate %slice3A_146, %concatenate3A_188 in 1 : vector<65x128xf32>, vector<65x128xf32> -> vector<65x256xf32>
    %broadcast_in_dim3A_193 = arith.constant 0.000000e+00 : f32
    %broadcast_in_dim3A_194 = vector.broadcast %broadcast_in_dim3A_193 : f32 to vector<1x128xf32>
    %slice3A_195 = vector.extract_strided_slice %slice3A_148 {offsets = [0, 0], sizes = [64, 128], strides = [1, 1]} : vector<65x128xf32> to vector<64x128xf32>
    %concatenate3A_196 = tpu.concatenate %broadcast_in_dim3A_194, %slice3A_195 in 0 : vector<1x128xf32>, vector<64x128xf32> -> vector<65x128xf32>
    %slice3A_197 = vector.extract_strided_slice %slice3A_147 {offsets = [1, 0], sizes = [64, 128], strides = [1, 1]} : vector<65x128xf32> to vector<64x128xf32>
    %concatenate3A_198 = tpu.concatenate %slice3A_197, %broadcast_in_dim3A_194 in 0 : vector<64x128xf32>, vector<1x128xf32> -> vector<65x128xf32>
    %concatenate3A_199 = tpu.concatenate %concatenate3A_196, %slice3A_147 in 1 : vector<65x128xf32>, vector<65x128xf32> -> vector<65x256xf32>
    %concatenate3A_200 = tpu.concatenate %slice3A_147, %slice3A_148 in 1 : vector<65x128xf32>, vector<65x128xf32> -> vector<65x256xf32>
    %concatenate3A_201 = tpu.concatenate %slice3A_147, %slice3A_148 in 1 : vector<65x128xf32>, vector<65x128xf32> -> vector<65x256xf32>
    %concatenate3A_202 = tpu.concatenate %slice3A_148, %concatenate3A_198 in 1 : vector<65x128xf32>, vector<65x128xf32> -> vector<65x256xf32>
    %broadcast_in_dim3A_203 = arith.constant 0.000000e+00 : f32
    %broadcast_in_dim3A_204 = vector.broadcast %broadcast_in_dim3A_203 : f32 to vector<1x128xf32>
    %slice3A_205 = vector.extract_strided_slice %slice3A_150 {offsets = [0, 0], sizes = [64, 128], strides = [1, 1]} : vector<65x128xf32> to vector<64x128xf32>
    %concatenate3A_206 = tpu.concatenate %broadcast_in_dim3A_204, %slice3A_205 in 0 : vector<1x128xf32>, vector<64x128xf32> -> vector<65x128xf32>
    %slice3A_207 = vector.extract_strided_slice %slice3A_149 {offsets = [1, 0], sizes = [64, 128], strides = [1, 1]} : vector<65x128xf32> to vector<64x128xf32>
    %concatenate3A_208 = tpu.concatenate %slice3A_207, %broadcast_in_dim3A_204 in 0 : vector<64x128xf32>, vector<1x128xf32> -> vector<65x128xf32>
    %concatenate3A_209 = tpu.concatenate %concatenate3A_206, %slice3A_149 in 1 : vector<65x128xf32>, vector<65x128xf32> -> vector<65x256xf32>
    %concatenate3A_210 = tpu.concatenate %slice3A_149, %slice3A_150 in 1 : vector<65x128xf32>, vector<65x128xf32> -> vector<65x256xf32>
    %concatenate3A_211 = tpu.concatenate %slice3A_149, %slice3A_150 in 1 : vector<65x128xf32>, vector<65x128xf32> -> vector<65x256xf32>
    %concatenate3A_212 = tpu.concatenate %slice3A_150, %concatenate3A_208 in 1 : vector<65x128xf32>, vector<65x128xf32> -> vector<65x256xf32>
    %broadcast_in_dim3A_213 = arith.constant 0.000000e+00 : f32
    %broadcast_in_dim3A_214 = vector.broadcast %broadcast_in_dim3A_213 : f32 to vector<1x128xf32>
    %slice3A_215 = vector.extract_strided_slice %slice3A_152 {offsets = [0, 0], sizes = [64, 128], strides = [1, 1]} : vector<65x128xf32> to vector<64x128xf32>
    %concatenate3A_216 = tpu.concatenate %broadcast_in_dim3A_214, %slice3A_215 in 0 : vector<1x128xf32>, vector<64x128xf32> -> vector<65x128xf32>
    %slice3A_217 = vector.extract_strided_slice %slice3A_151 {offsets = [1, 0], sizes = [64, 128], strides = [1, 1]} : vector<65x128xf32> to vector<64x128xf32>
    %concatenate3A_218 = tpu.concatenate %slice3A_217, %broadcast_in_dim3A_214 in 0 : vector<64x128xf32>, vector<1x128xf32> -> vector<65x128xf32>
    %concatenate3A_219 = tpu.concatenate %concatenate3A_216, %slice3A_151 in 1 : vector<65x128xf32>, vector<65x128xf32> -> vector<65x256xf32>
    %concatenate3A_220 = tpu.concatenate %slice3A_151, %slice3A_152 in 1 : vector<65x128xf32>, vector<65x128xf32> -> vector<65x256xf32>
    %concatenate3A_221 = tpu.concatenate %slice3A_151, %slice3A_152 in 1 : vector<65x128xf32>, vector<65x128xf32> -> vector<65x256xf32>
    %concatenate3A_222 = tpu.concatenate %slice3A_152, %concatenate3A_218 in 1 : vector<65x128xf32>, vector<65x128xf32> -> vector<65x256xf32>
    %broadcast_in_dim3A_223 = arith.constant 0.000000e+00 : f32
    %broadcast_in_dim3A_224 = vector.broadcast %broadcast_in_dim3A_223 : f32 to vector<1x128xf32>
    %slice3A_225 = vector.extract_strided_slice %slice3A_154 {offsets = [0, 0], sizes = [64, 128], strides = [1, 1]} : vector<65x128xf32> to vector<64x128xf32>
    %concatenate3A_226 = tpu.concatenate %broadcast_in_dim3A_224, %slice3A_225 in 0 : vector<1x128xf32>, vector<64x128xf32> -> vector<65x128xf32>
    %slice3A_227 = vector.extract_strided_slice %slice3A_153 {offsets = [1, 0], sizes = [64, 128], strides = [1, 1]} : vector<65x128xf32> to vector<64x128xf32>
    %concatenate3A_228 = tpu.concatenate %slice3A_227, %broadcast_in_dim3A_224 in 0 : vector<64x128xf32>, vector<1x128xf32> -> vector<65x128xf32>
    %concatenate3A_229 = tpu.concatenate %concatenate3A_226, %slice3A_153 in 1 : vector<65x128xf32>, vector<65x128xf32> -> vector<65x256xf32>
    %concatenate3A_230 = tpu.concatenate %slice3A_153, %slice3A_154 in 1 : vector<65x128xf32>, vector<65x128xf32> -> vector<65x256xf32>
    %concatenate3A_231 = tpu.concatenate %slice3A_153, %slice3A_154 in 1 : vector<65x128xf32>, vector<65x128xf32> -> vector<65x256xf32>
    %concatenate3A_232 = tpu.concatenate %slice3A_154, %concatenate3A_228 in 1 : vector<65x128xf32>, vector<65x128xf32> -> vector<65x256xf32>
    %broadcast_in_dim3A_233 = arith.constant 0.000000e+00 : f32
    %broadcast_in_dim3A_234 = vector.broadcast %broadcast_in_dim3A_233 : f32 to vector<1x128xf32>
    %slice3A_235 = vector.extract_strided_slice %slice3A_156 {offsets = [0, 0], sizes = [64, 128], strides = [1, 1]} : vector<65x128xf32> to vector<64x128xf32>
    %concatenate3A_236 = tpu.concatenate %broadcast_in_dim3A_234, %slice3A_235 in 0 : vector<1x128xf32>, vector<64x128xf32> -> vector<65x128xf32>
    %slice3A_237 = vector.extract_strided_slice %slice3A_155 {offsets = [1, 0], sizes = [64, 128], strides = [1, 1]} : vector<65x128xf32> to vector<64x128xf32>
    %concatenate3A_238 = tpu.concatenate %slice3A_237, %broadcast_in_dim3A_234 in 0 : vector<64x128xf32>, vector<1x128xf32> -> vector<65x128xf32>
    %concatenate3A_239 = tpu.concatenate %concatenate3A_236, %slice3A_155 in 1 : vector<65x128xf32>, vector<65x128xf32> -> vector<65x256xf32>
    %concatenate3A_240 = tpu.concatenate %slice3A_155, %slice3A_156 in 1 : vector<65x128xf32>, vector<65x128xf32> -> vector<65x256xf32>
    %concatenate3A_241 = tpu.concatenate %slice3A_155, %slice3A_156 in 1 : vector<65x128xf32>, vector<65x128xf32> -> vector<65x256xf32>
    %concatenate3A_242 = tpu.concatenate %slice3A_156, %concatenate3A_238 in 1 : vector<65x128xf32>, vector<65x128xf32> -> vector<65x256xf32>
    %concatenate3A_243 = tpu.concatenate %concatenate3A_169, %concatenate3A_170, %concatenate3A_179, %concatenate3A_180, %concatenate3A_189, %concatenate3A_190, %concatenate3A_199, %concatenate3A_200, %concatenate3A_209, %concatenate3A_210, %concatenate3A_219, %concatenate3A_220, %concatenate3A_229, %concatenate3A_230, %concatenate3A_239, %concatenate3A_240 in 0 : vector<65x256xf32>, vector<65x256xf32>, vector<65x256xf32>, vector<65x256xf32>, vector<65x256xf32>, vector<65x256xf32>, vector<65x256xf32>, vector<65x256xf32>, vector<65x256xf32>, vector<65x256xf32>, vector<65x256xf32>, vector<65x256xf32>, vector<65x256xf32>, vector<65x256xf32>, vector<65x256xf32>, vector<65x256xf32> -> vector<1040x256xf32>
    %dot_general3A_244 = arith.constant dense<0.000000e+00> : vector<1040x64xf32>
    %dot_general3A_245 = tpu.matmul %concatenate3A_243, %get3A_159, %dot_general3A_244 {dimension_numbers = #tpu.dot_dimension_numbers<[1], [0], [0], [1], [0, 0, 1, 1], [], []>, transpose_lhs_hint = false} : vector<1040x256xf32>, vector<256x64xf32>, vector<1040x64xf32> -> vector<1040x64xf32>
    %concatenate3A_246 = tpu.concatenate %concatenate3A_171, %concatenate3A_172, %concatenate3A_181, %concatenate3A_182, %concatenate3A_191, %concatenate3A_192, %concatenate3A_201, %concatenate3A_202, %concatenate3A_211, %concatenate3A_212, %concatenate3A_221, %concatenate3A_222, %concatenate3A_231, %concatenate3A_232, %concatenate3A_241, %concatenate3A_242 in 0 : vector<65x256xf32>, vector<65x256xf32>, vector<65x256xf32>, vector<65x256xf32>, vector<65x256xf32>, vector<65x256xf32>, vector<65x256xf32>, vector<65x256xf32>, vector<65x256xf32>, vector<65x256xf32>, vector<65x256xf32>, vector<65x256xf32>, vector<65x256xf32>, vector<65x256xf32>, vector<65x256xf32>, vector<65x256xf32> -> vector<1040x256xf32>
    %dot_general3A_247 = arith.constant dense<0.000000e+00> : vector<1040x64xf32>
    %dot_general3A_248 = tpu.matmul %concatenate3A_246, %get3A_162, %dot_general3A_247 {dimension_numbers = #tpu.dot_dimension_numbers<[1], [0], [0], [1], [0, 0, 1, 1], [], []>, transpose_lhs_hint = false} : vector<1040x256xf32>, vector<256x64xf32>, vector<1040x64xf32> -> vector<1040x64xf32>
    %max3A_249 = arith.constant 0.000000e+00 : f32
    %max3A_250 = vector.broadcast %max3A_249 : f32 to vector<1040x64xf32>
    %max3A_251 = arith.maximumf %dot_general3A_245, %max3A_250 : vector<1040x64xf32>
    %max3A_252 = arith.constant 0.000000e+00 : f32
    %max3A_253 = vector.broadcast %max3A_252 : f32 to vector<1040x64xf32>
    %max3A_254 = arith.maximumf %dot_general3A_248, %max3A_253 : vector<1040x64xf32>
    %slice3A_255 = vector.extract_strided_slice %max3A_251 {offsets = [0, 0], sizes = [65, 64], strides = [1, 1]} : vector<1040x64xf32> to vector<65x64xf32>
    %slice3A_256 = vector.extract_strided_slice %max3A_254 {offsets = [0, 0], sizes = [65, 64], strides = [1, 1]} : vector<1040x64xf32> to vector<65x64xf32>
    %slice3A_257 = vector.extract_strided_slice %max3A_251 {offsets = [65, 0], sizes = [65, 64], strides = [1, 1]} : vector<1040x64xf32> to vector<65x64xf32>
    %slice3A_258 = vector.extract_strided_slice %max3A_254 {offsets = [65, 0], sizes = [65, 64], strides = [1, 1]} : vector<1040x64xf32> to vector<65x64xf32>
    %slice3A_259 = vector.extract_strided_slice %max3A_251 {offsets = [130, 0], sizes = [65, 64], strides = [1, 1]} : vector<1040x64xf32> to vector<65x64xf32>
    %slice3A_260 = vector.extract_strided_slice %max3A_254 {offsets = [130, 0], sizes = [65, 64], strides = [1, 1]} : vector<1040x64xf32> to vector<65x64xf32>
    %slice3A_261 = vector.extract_strided_slice %max3A_251 {offsets = [195, 0], sizes = [65, 64], strides = [1, 1]} : vector<1040x64xf32> to vector<65x64xf32>
    %slice3A_262 = vector.extract_strided_slice %max3A_254 {offsets = [195, 0], sizes = [65, 64], strides = [1, 1]} : vector<1040x64xf32> to vector<65x64xf32>
    %slice3A_263 = vector.extract_strided_slice %max3A_251 {offsets = [260, 0], sizes = [65, 64], strides = [1, 1]} : vector<1040x64xf32> to vector<65x64xf32>
    %slice3A_264 = vector.extract_strided_slice %max3A_254 {offsets = [260, 0], sizes = [65, 64], strides = [1, 1]} : vector<1040x64xf32> to vector<65x64xf32>
    %slice3A_265 = vector.extract_strided_slice %max3A_251 {offsets = [325, 0], sizes = [65, 64], strides = [1, 1]} : vector<1040x64xf32> to vector<65x64xf32>
    %slice3A_266 = vector.extract_strided_slice %max3A_254 {offsets = [325, 0], sizes = [65, 64], strides = [1, 1]} : vector<1040x64xf32> to vector<65x64xf32>
    %slice3A_267 = vector.extract_strided_slice %max3A_251 {offsets = [390, 0], sizes = [65, 64], strides = [1, 1]} : vector<1040x64xf32> to vector<65x64xf32>
    %slice3A_268 = vector.extract_strided_slice %max3A_254 {offsets = [390, 0], sizes = [65, 64], strides = [1, 1]} : vector<1040x64xf32> to vector<65x64xf32>
    %slice3A_269 = vector.extract_strided_slice %max3A_251 {offsets = [455, 0], sizes = [65, 64], strides = [1, 1]} : vector<1040x64xf32> to vector<65x64xf32>
    %slice3A_270 = vector.extract_strided_slice %max3A_254 {offsets = [455, 0], sizes = [65, 64], strides = [1, 1]} : vector<1040x64xf32> to vector<65x64xf32>
    %slice3A_271 = vector.extract_strided_slice %max3A_251 {offsets = [520, 0], sizes = [65, 64], strides = [1, 1]} : vector<1040x64xf32> to vector<65x64xf32>
    %slice3A_272 = vector.extract_strided_slice %max3A_254 {offsets = [520, 0], sizes = [65, 64], strides = [1, 1]} : vector<1040x64xf32> to vector<65x64xf32>
    %slice3A_273 = vector.extract_strided_slice %max3A_251 {offsets = [585, 0], sizes = [65, 64], strides = [1, 1]} : vector<1040x64xf32> to vector<65x64xf32>
    %slice3A_274 = vector.extract_strided_slice %max3A_254 {offsets = [585, 0], sizes = [65, 64], strides = [1, 1]} : vector<1040x64xf32> to vector<65x64xf32>
    %slice3A_275 = vector.extract_strided_slice %max3A_251 {offsets = [650, 0], sizes = [65, 64], strides = [1, 1]} : vector<1040x64xf32> to vector<65x64xf32>
    %slice3A_276 = vector.extract_strided_slice %max3A_254 {offsets = [650, 0], sizes = [65, 64], strides = [1, 1]} : vector<1040x64xf32> to vector<65x64xf32>
    %slice3A_277 = vector.extract_strided_slice %max3A_251 {offsets = [715, 0], sizes = [65, 64], strides = [1, 1]} : vector<1040x64xf32> to vector<65x64xf32>
    %slice3A_278 = vector.extract_strided_slice %max3A_254 {offsets = [715, 0], sizes = [65, 64], strides = [1, 1]} : vector<1040x64xf32> to vector<65x64xf32>
    %slice3A_279 = vector.extract_strided_slice %max3A_251 {offsets = [780, 0], sizes = [65, 64], strides = [1, 1]} : vector<1040x64xf32> to vector<65x64xf32>
    %slice3A_280 = vector.extract_strided_slice %max3A_254 {offsets = [780, 0], sizes = [65, 64], strides = [1, 1]} : vector<1040x64xf32> to vector<65x64xf32>
    %slice3A_281 = vector.extract_strided_slice %max3A_251 {offsets = [845, 0], sizes = [65, 64], strides = [1, 1]} : vector<1040x64xf32> to vector<65x64xf32>
    %slice3A_282 = vector.extract_strided_slice %max3A_254 {offsets = [845, 0], sizes = [65, 64], strides = [1, 1]} : vector<1040x64xf32> to vector<65x64xf32>
    %slice3A_283 = vector.extract_strided_slice %max3A_251 {offsets = [910, 0], sizes = [65, 64], strides = [1, 1]} : vector<1040x64xf32> to vector<65x64xf32>
    %slice3A_284 = vector.extract_strided_slice %max3A_254 {offsets = [910, 0], sizes = [65, 64], strides = [1, 1]} : vector<1040x64xf32> to vector<65x64xf32>
    %slice3A_285 = vector.extract_strided_slice %max3A_251 {offsets = [975, 0], sizes = [65, 64], strides = [1, 1]} : vector<1040x64xf32> to vector<65x64xf32>
    %slice3A_286 = vector.extract_strided_slice %max3A_254 {offsets = [975, 0], sizes = [65, 64], strides = [1, 1]} : vector<1040x64xf32> to vector<65x64xf32>
    %get3A_287 = arith.constant 0 : index
    %get3A_288 = arith.constant 0 : index
    %get3A_289 = vector.load %arg7[%get3A_287, %get3A_288] : memref<128x32xf32, #tpu.memory_space<vmem>>, vector<128x32xf32>
    %get3A_290 = arith.constant 0 : index
    %get3A_291 = arith.constant 0 : index
    %get3A_292 = vector.load %arg8[%get3A_290, %get3A_291] : memref<128x32xf32, #tpu.memory_space<vmem>>, vector<128x32xf32>
    %broadcast_in_dim3A_293 = arith.constant 0.000000e+00 : f32
    %broadcast_in_dim3A_294 = vector.broadcast %broadcast_in_dim3A_293 : f32 to vector<1x64xf32>
    %slice3A_295 = vector.extract_strided_slice %slice3A_258 {offsets = [0, 0], sizes = [64, 64], strides = [1, 1]} : vector<65x64xf32> to vector<64x64xf32>
    %concatenate3A_296 = tpu.concatenate %broadcast_in_dim3A_294, %slice3A_295 in 0 : vector<1x64xf32>, vector<64x64xf32> -> vector<65x64xf32>
    %slice3A_297 = vector.extract_strided_slice %slice3A_255 {offsets = [1, 0], sizes = [64, 64], strides = [1, 1]} : vector<65x64xf32> to vector<64x64xf32>
    %concatenate3A_298 = tpu.concatenate %slice3A_297, %broadcast_in_dim3A_294 in 0 : vector<64x64xf32>, vector<1x64xf32> -> vector<65x64xf32>
    %concatenate3A_299 = tpu.concatenate %concatenate3A_296, %slice3A_255 in 1 : vector<65x64xf32>, vector<65x64xf32> -> vector<65x128xf32>
    %concatenate3A_300 = tpu.concatenate %slice3A_255, %slice3A_256 in 1 : vector<65x64xf32>, vector<65x64xf32> -> vector<65x128xf32>
    %concatenate3A_301 = tpu.concatenate %slice3A_256, %slice3A_257 in 1 : vector<65x64xf32>, vector<65x64xf32> -> vector<65x128xf32>
    %concatenate3A_302 = tpu.concatenate %slice3A_257, %slice3A_258 in 1 : vector<65x64xf32>, vector<65x64xf32> -> vector<65x128xf32>
    %concatenate3A_303 = tpu.concatenate %slice3A_255, %slice3A_256 in 1 : vector<65x64xf32>, vector<65x64xf32> -> vector<65x128xf32>
    %concatenate3A_304 = tpu.concatenate %slice3A_256, %slice3A_257 in 1 : vector<65x64xf32>, vector<65x64xf32> -> vector<65x128xf32>
    %concatenate3A_305 = tpu.concatenate %slice3A_257, %slice3A_258 in 1 : vector<65x64xf32>, vector<65x64xf32> -> vector<65x128xf32>
    %concatenate3A_306 = tpu.concatenate %slice3A_258, %concatenate3A_298 in 1 : vector<65x64xf32>, vector<65x64xf32> -> vector<65x128xf32>
    %broadcast_in_dim3A_307 = arith.constant 0.000000e+00 : f32
    %broadcast_in_dim3A_308 = vector.broadcast %broadcast_in_dim3A_307 : f32 to vector<1x64xf32>
    %slice3A_309 = vector.extract_strided_slice %slice3A_262 {offsets = [0, 0], sizes = [64, 64], strides = [1, 1]} : vector<65x64xf32> to vector<64x64xf32>
    %concatenate3A_310 = tpu.concatenate %broadcast_in_dim3A_308, %slice3A_309 in 0 : vector<1x64xf32>, vector<64x64xf32> -> vector<65x64xf32>
    %slice3A_311 = vector.extract_strided_slice %slice3A_259 {offsets = [1, 0], sizes = [64, 64], strides = [1, 1]} : vector<65x64xf32> to vector<64x64xf32>
    %concatenate3A_312 = tpu.concatenate %slice3A_311, %broadcast_in_dim3A_308 in 0 : vector<64x64xf32>, vector<1x64xf32> -> vector<65x64xf32>
    %concatenate3A_313 = tpu.concatenate %concatenate3A_310, %slice3A_259 in 1 : vector<65x64xf32>, vector<65x64xf32> -> vector<65x128xf32>
    %concatenate3A_314 = tpu.concatenate %slice3A_259, %slice3A_260 in 1 : vector<65x64xf32>, vector<65x64xf32> -> vector<65x128xf32>
    %concatenate3A_315 = tpu.concatenate %slice3A_260, %slice3A_261 in 1 : vector<65x64xf32>, vector<65x64xf32> -> vector<65x128xf32>
    %concatenate3A_316 = tpu.concatenate %slice3A_261, %slice3A_262 in 1 : vector<65x64xf32>, vector<65x64xf32> -> vector<65x128xf32>
    %concatenate3A_317 = tpu.concatenate %slice3A_259, %slice3A_260 in 1 : vector<65x64xf32>, vector<65x64xf32> -> vector<65x128xf32>
    %concatenate3A_318 = tpu.concatenate %slice3A_260, %slice3A_261 in 1 : vector<65x64xf32>, vector<65x64xf32> -> vector<65x128xf32>
    %concatenate3A_319 = tpu.concatenate %slice3A_261, %slice3A_262 in 1 : vector<65x64xf32>, vector<65x64xf32> -> vector<65x128xf32>
    %concatenate3A_320 = tpu.concatenate %slice3A_262, %concatenate3A_312 in 1 : vector<65x64xf32>, vector<65x64xf32> -> vector<65x128xf32>
    %broadcast_in_dim3A_321 = arith.constant 0.000000e+00 : f32
    %broadcast_in_dim3A_322 = vector.broadcast %broadcast_in_dim3A_321 : f32 to vector<1x64xf32>
    %slice3A_323 = vector.extract_strided_slice %slice3A_266 {offsets = [0, 0], sizes = [64, 64], strides = [1, 1]} : vector<65x64xf32> to vector<64x64xf32>
    %concatenate3A_324 = tpu.concatenate %broadcast_in_dim3A_322, %slice3A_323 in 0 : vector<1x64xf32>, vector<64x64xf32> -> vector<65x64xf32>
    %slice3A_325 = vector.extract_strided_slice %slice3A_263 {offsets = [1, 0], sizes = [64, 64], strides = [1, 1]} : vector<65x64xf32> to vector<64x64xf32>
    %concatenate3A_326 = tpu.concatenate %slice3A_325, %broadcast_in_dim3A_322 in 0 : vector<64x64xf32>, vector<1x64xf32> -> vector<65x64xf32>
    %concatenate3A_327 = tpu.concatenate %concatenate3A_324, %slice3A_263 in 1 : vector<65x64xf32>, vector<65x64xf32> -> vector<65x128xf32>
    %concatenate3A_328 = tpu.concatenate %slice3A_263, %slice3A_264 in 1 : vector<65x64xf32>, vector<65x64xf32> -> vector<65x128xf32>
    %concatenate3A_329 = tpu.concatenate %slice3A_264, %slice3A_265 in 1 : vector<65x64xf32>, vector<65x64xf32> -> vector<65x128xf32>
    %concatenate3A_330 = tpu.concatenate %slice3A_265, %slice3A_266 in 1 : vector<65x64xf32>, vector<65x64xf32> -> vector<65x128xf32>
    %concatenate3A_331 = tpu.concatenate %slice3A_263, %slice3A_264 in 1 : vector<65x64xf32>, vector<65x64xf32> -> vector<65x128xf32>
    %concatenate3A_332 = tpu.concatenate %slice3A_264, %slice3A_265 in 1 : vector<65x64xf32>, vector<65x64xf32> -> vector<65x128xf32>
    %concatenate3A_333 = tpu.concatenate %slice3A_265, %slice3A_266 in 1 : vector<65x64xf32>, vector<65x64xf32> -> vector<65x128xf32>
    %concatenate3A_334 = tpu.concatenate %slice3A_266, %concatenate3A_326 in 1 : vector<65x64xf32>, vector<65x64xf32> -> vector<65x128xf32>
    %broadcast_in_dim3A_335 = arith.constant 0.000000e+00 : f32
    %broadcast_in_dim3A_336 = vector.broadcast %broadcast_in_dim3A_335 : f32 to vector<1x64xf32>
    %slice3A_337 = vector.extract_strided_slice %slice3A_270 {offsets = [0, 0], sizes = [64, 64], strides = [1, 1]} : vector<65x64xf32> to vector<64x64xf32>
    %concatenate3A_338 = tpu.concatenate %broadcast_in_dim3A_336, %slice3A_337 in 0 : vector<1x64xf32>, vector<64x64xf32> -> vector<65x64xf32>
    %slice3A_339 = vector.extract_strided_slice %slice3A_267 {offsets = [1, 0], sizes = [64, 64], strides = [1, 1]} : vector<65x64xf32> to vector<64x64xf32>
    %concatenate3A_340 = tpu.concatenate %slice3A_339, %broadcast_in_dim3A_336 in 0 : vector<64x64xf32>, vector<1x64xf32> -> vector<65x64xf32>
    %concatenate3A_341 = tpu.concatenate %concatenate3A_338, %slice3A_267 in 1 : vector<65x64xf32>, vector<65x64xf32> -> vector<65x128xf32>
    %concatenate3A_342 = tpu.concatenate %slice3A_267, %slice3A_268 in 1 : vector<65x64xf32>, vector<65x64xf32> -> vector<65x128xf32>
    %concatenate3A_343 = tpu.concatenate %slice3A_268, %slice3A_269 in 1 : vector<65x64xf32>, vector<65x64xf32> -> vector<65x128xf32>
    %concatenate3A_344 = tpu.concatenate %slice3A_269, %slice3A_270 in 1 : vector<65x64xf32>, vector<65x64xf32> -> vector<65x128xf32>
    %concatenate3A_345 = tpu.concatenate %slice3A_267, %slice3A_268 in 1 : vector<65x64xf32>, vector<65x64xf32> -> vector<65x128xf32>
    %concatenate3A_346 = tpu.concatenate %slice3A_268, %slice3A_269 in 1 : vector<65x64xf32>, vector<65x64xf32> -> vector<65x128xf32>
    %concatenate3A_347 = tpu.concatenate %slice3A_269, %slice3A_270 in 1 : vector<65x64xf32>, vector<65x64xf32> -> vector<65x128xf32>
    %concatenate3A_348 = tpu.concatenate %slice3A_270, %concatenate3A_340 in 1 : vector<65x64xf32>, vector<65x64xf32> -> vector<65x128xf32>
    %broadcast_in_dim3A_349 = arith.constant 0.000000e+00 : f32
    %broadcast_in_dim3A_350 = vector.broadcast %broadcast_in_dim3A_349 : f32 to vector<1x64xf32>
    %slice3A_351 = vector.extract_strided_slice %slice3A_274 {offsets = [0, 0], sizes = [64, 64], strides = [1, 1]} : vector<65x64xf32> to vector<64x64xf32>
    %concatenate3A_352 = tpu.concatenate %broadcast_in_dim3A_350, %slice3A_351 in 0 : vector<1x64xf32>, vector<64x64xf32> -> vector<65x64xf32>
    %slice3A_353 = vector.extract_strided_slice %slice3A_271 {offsets = [1, 0], sizes = [64, 64], strides = [1, 1]} : vector<65x64xf32> to vector<64x64xf32>
    %concatenate3A_354 = tpu.concatenate %slice3A_353, %broadcast_in_dim3A_350 in 0 : vector<64x64xf32>, vector<1x64xf32> -> vector<65x64xf32>
    %concatenate3A_355 = tpu.concatenate %concatenate3A_352, %slice3A_271 in 1 : vector<65x64xf32>, vector<65x64xf32> -> vector<65x128xf32>
    %concatenate3A_356 = tpu.concatenate %slice3A_271, %slice3A_272 in 1 : vector<65x64xf32>, vector<65x64xf32> -> vector<65x128xf32>
    %concatenate3A_357 = tpu.concatenate %slice3A_272, %slice3A_273 in 1 : vector<65x64xf32>, vector<65x64xf32> -> vector<65x128xf32>
    %concatenate3A_358 = tpu.concatenate %slice3A_273, %slice3A_274 in 1 : vector<65x64xf32>, vector<65x64xf32> -> vector<65x128xf32>
    %concatenate3A_359 = tpu.concatenate %slice3A_271, %slice3A_272 in 1 : vector<65x64xf32>, vector<65x64xf32> -> vector<65x128xf32>
    %concatenate3A_360 = tpu.concatenate %slice3A_272, %slice3A_273 in 1 : vector<65x64xf32>, vector<65x64xf32> -> vector<65x128xf32>
    %concatenate3A_361 = tpu.concatenate %slice3A_273, %slice3A_274 in 1 : vector<65x64xf32>, vector<65x64xf32> -> vector<65x128xf32>
    %concatenate3A_362 = tpu.concatenate %slice3A_274, %concatenate3A_354 in 1 : vector<65x64xf32>, vector<65x64xf32> -> vector<65x128xf32>
    %broadcast_in_dim3A_363 = arith.constant 0.000000e+00 : f32
    %broadcast_in_dim3A_364 = vector.broadcast %broadcast_in_dim3A_363 : f32 to vector<1x64xf32>
    %slice3A_365 = vector.extract_strided_slice %slice3A_278 {offsets = [0, 0], sizes = [64, 64], strides = [1, 1]} : vector<65x64xf32> to vector<64x64xf32>
    %concatenate3A_366 = tpu.concatenate %broadcast_in_dim3A_364, %slice3A_365 in 0 : vector<1x64xf32>, vector<64x64xf32> -> vector<65x64xf32>
    %slice3A_367 = vector.extract_strided_slice %slice3A_275 {offsets = [1, 0], sizes = [64, 64], strides = [1, 1]} : vector<65x64xf32> to vector<64x64xf32>
    %concatenate3A_368 = tpu.concatenate %slice3A_367, %broadcast_in_dim3A_364 in 0 : vector<64x64xf32>, vector<1x64xf32> -> vector<65x64xf32>
    %concatenate3A_369 = tpu.concatenate %concatenate3A_366, %slice3A_275 in 1 : vector<65x64xf32>, vector<65x64xf32> -> vector<65x128xf32>
    %concatenate3A_370 = tpu.concatenate %slice3A_275, %slice3A_276 in 1 : vector<65x64xf32>, vector<65x64xf32> -> vector<65x128xf32>
    %concatenate3A_371 = tpu.concatenate %slice3A_276, %slice3A_277 in 1 : vector<65x64xf32>, vector<65x64xf32> -> vector<65x128xf32>
    %concatenate3A_372 = tpu.concatenate %slice3A_277, %slice3A_278 in 1 : vector<65x64xf32>, vector<65x64xf32> -> vector<65x128xf32>
    %concatenate3A_373 = tpu.concatenate %slice3A_275, %slice3A_276 in 1 : vector<65x64xf32>, vector<65x64xf32> -> vector<65x128xf32>
    %concatenate3A_374 = tpu.concatenate %slice3A_276, %slice3A_277 in 1 : vector<65x64xf32>, vector<65x64xf32> -> vector<65x128xf32>
    %concatenate3A_375 = tpu.concatenate %slice3A_277, %slice3A_278 in 1 : vector<65x64xf32>, vector<65x64xf32> -> vector<65x128xf32>
    %concatenate3A_376 = tpu.concatenate %slice3A_278, %concatenate3A_368 in 1 : vector<65x64xf32>, vector<65x64xf32> -> vector<65x128xf32>
    %broadcast_in_dim3A_377 = arith.constant 0.000000e+00 : f32
    %broadcast_in_dim3A_378 = vector.broadcast %broadcast_in_dim3A_377 : f32 to vector<1x64xf32>
    %slice3A_379 = vector.extract_strided_slice %slice3A_282 {offsets = [0, 0], sizes = [64, 64], strides = [1, 1]} : vector<65x64xf32> to vector<64x64xf32>
    %concatenate3A_380 = tpu.concatenate %broadcast_in_dim3A_378, %slice3A_379 in 0 : vector<1x64xf32>, vector<64x64xf32> -> vector<65x64xf32>
    %slice3A_381 = vector.extract_strided_slice %slice3A_279 {offsets = [1, 0], sizes = [64, 64], strides = [1, 1]} : vector<65x64xf32> to vector<64x64xf32>
    %concatenate3A_382 = tpu.concatenate %slice3A_381, %broadcast_in_dim3A_378 in 0 : vector<64x64xf32>, vector<1x64xf32> -> vector<65x64xf32>
    %concatenate3A_383 = tpu.concatenate %concatenate3A_380, %slice3A_279 in 1 : vector<65x64xf32>, vector<65x64xf32> -> vector<65x128xf32>
    %concatenate3A_384 = tpu.concatenate %slice3A_279, %slice3A_280 in 1 : vector<65x64xf32>, vector<65x64xf32> -> vector<65x128xf32>
    %concatenate3A_385 = tpu.concatenate %slice3A_280, %slice3A_281 in 1 : vector<65x64xf32>, vector<65x64xf32> -> vector<65x128xf32>
    %concatenate3A_386 = tpu.concatenate %slice3A_281, %slice3A_282 in 1 : vector<65x64xf32>, vector<65x64xf32> -> vector<65x128xf32>
    %concatenate3A_387 = tpu.concatenate %slice3A_279, %slice3A_280 in 1 : vector<65x64xf32>, vector<65x64xf32> -> vector<65x128xf32>
    %concatenate3A_388 = tpu.concatenate %slice3A_280, %slice3A_281 in 1 : vector<65x64xf32>, vector<65x64xf32> -> vector<65x128xf32>
    %concatenate3A_389 = tpu.concatenate %slice3A_281, %slice3A_282 in 1 : vector<65x64xf32>, vector<65x64xf32> -> vector<65x128xf32>
    %concatenate3A_390 = tpu.concatenate %slice3A_282, %concatenate3A_382 in 1 : vector<65x64xf32>, vector<65x64xf32> -> vector<65x128xf32>
    %broadcast_in_dim3A_391 = arith.constant 0.000000e+00 : f32
    %broadcast_in_dim3A_392 = vector.broadcast %broadcast_in_dim3A_391 : f32 to vector<1x64xf32>
    %slice3A_393 = vector.extract_strided_slice %slice3A_286 {offsets = [0, 0], sizes = [64, 64], strides = [1, 1]} : vector<65x64xf32> to vector<64x64xf32>
    %concatenate3A_394 = tpu.concatenate %broadcast_in_dim3A_392, %slice3A_393 in 0 : vector<1x64xf32>, vector<64x64xf32> -> vector<65x64xf32>
    %slice3A_395 = vector.extract_strided_slice %slice3A_283 {offsets = [1, 0], sizes = [64, 64], strides = [1, 1]} : vector<65x64xf32> to vector<64x64xf32>
    %concatenate3A_396 = tpu.concatenate %slice3A_395, %broadcast_in_dim3A_392 in 0 : vector<64x64xf32>, vector<1x64xf32> -> vector<65x64xf32>
    %concatenate3A_397 = tpu.concatenate %concatenate3A_394, %slice3A_283 in 1 : vector<65x64xf32>, vector<65x64xf32> -> vector<65x128xf32>
    %concatenate3A_398 = tpu.concatenate %slice3A_283, %slice3A_284 in 1 : vector<65x64xf32>, vector<65x64xf32> -> vector<65x128xf32>
    %concatenate3A_399 = tpu.concatenate %slice3A_284, %slice3A_285 in 1 : vector<65x64xf32>, vector<65x64xf32> -> vector<65x128xf32>
    %concatenate3A_400 = tpu.concatenate %slice3A_285, %slice3A_286 in 1 : vector<65x64xf32>, vector<65x64xf32> -> vector<65x128xf32>
    %concatenate3A_401 = tpu.concatenate %slice3A_283, %slice3A_284 in 1 : vector<65x64xf32>, vector<65x64xf32> -> vector<65x128xf32>
    %concatenate3A_402 = tpu.concatenate %slice3A_284, %slice3A_285 in 1 : vector<65x64xf32>, vector<65x64xf32> -> vector<65x128xf32>
    %concatenate3A_403 = tpu.concatenate %slice3A_285, %slice3A_286 in 1 : vector<65x64xf32>, vector<65x64xf32> -> vector<65x128xf32>
    %concatenate3A_404 = tpu.concatenate %slice3A_286, %concatenate3A_396 in 1 : vector<65x64xf32>, vector<65x64xf32> -> vector<65x128xf32>
    %concatenate3A_405 = tpu.concatenate %concatenate3A_299, %concatenate3A_300, %concatenate3A_301, %concatenate3A_302, %concatenate3A_313, %concatenate3A_314, %concatenate3A_315, %concatenate3A_316, %concatenate3A_327, %concatenate3A_328, %concatenate3A_329, %concatenate3A_330, %concatenate3A_341, %concatenate3A_342, %concatenate3A_343, %concatenate3A_344, %concatenate3A_355, %concatenate3A_356, %concatenate3A_357, %concatenate3A_358, %concatenate3A_369, %concatenate3A_370, %concatenate3A_371, %concatenate3A_372, %concatenate3A_383, %concatenate3A_384, %concatenate3A_385, %concatenate3A_386, %concatenate3A_397, %concatenate3A_398, %concatenate3A_399, %concatenate3A_400 in 0 : vector<65x128xf32>, vector<65x128xf32>, vector<65x128xf32>, vector<65x128xf32>, vector<65x128xf32>, vector<65x128xf32>, vector<65x128xf32>, vector<65x128xf32>, vector<65x128xf32>, vector<65x128xf32>, vector<65x128xf32>, vector<65x128xf32>, vector<65x128xf32>, vector<65x128xf32>, vector<65x128xf32>, vector<65x128xf32>, vector<65x128xf32>, vector<65x128xf32>, vector<65x128xf32>, vector<65x128xf32>, vector<65x128xf32>, vector<65x128xf32>, vector<65x128xf32>, vector<65x128xf32>, vector<65x128xf32>, vector<65x128xf32>, vector<65x128xf32>, vector<65x128xf32>, vector<65x128xf32>, vector<65x128xf32>, vector<65x128xf32>, vector<65x128xf32> -> vector<2080x128xf32>
    %dot_general3A_406 = arith.constant dense<0.000000e+00> : vector<2080x32xf32>
    %dot_general3A_407 = tpu.matmul %concatenate3A_405, %get3A_289, %dot_general3A_406 {dimension_numbers = #tpu.dot_dimension_numbers<[1], [0], [0], [1], [0, 0, 1, 1], [], []>, transpose_lhs_hint = false} : vector<2080x128xf32>, vector<128x32xf32>, vector<2080x32xf32> -> vector<2080x32xf32>
    %concatenate3A_408 = tpu.concatenate %concatenate3A_303, %concatenate3A_304, %concatenate3A_305, %concatenate3A_306, %concatenate3A_317, %concatenate3A_318, %concatenate3A_319, %concatenate3A_320, %concatenate3A_331, %concatenate3A_332, %concatenate3A_333, %concatenate3A_334, %concatenate3A_345, %concatenate3A_346, %concatenate3A_347, %concatenate3A_348, %concatenate3A_359, %concatenate3A_360, %concatenate3A_361, %concatenate3A_362, %concatenate3A_373, %concatenate3A_374, %concatenate3A_375, %concatenate3A_376, %concatenate3A_387, %concatenate3A_388, %concatenate3A_389, %concatenate3A_390, %concatenate3A_401, %concatenate3A_402, %concatenate3A_403, %concatenate3A_404 in 0 : vector<65x128xf32>, vector<65x128xf32>, vector<65x128xf32>, vector<65x128xf32>, vector<65x128xf32>, vector<65x128xf32>, vector<65x128xf32>, vector<65x128xf32>, vector<65x128xf32>, vector<65x128xf32>, vector<65x128xf32>, vector<65x128xf32>, vector<65x128xf32>, vector<65x128xf32>, vector<65x128xf32>, vector<65x128xf32>, vector<65x128xf32>, vector<65x128xf32>, vector<65x128xf32>, vector<65x128xf32>, vector<65x128xf32>, vector<65x128xf32>, vector<65x128xf32>, vector<65x128xf32>, vector<65x128xf32>, vector<65x128xf32>, vector<65x128xf32>, vector<65x128xf32>, vector<65x128xf32>, vector<65x128xf32>, vector<65x128xf32>, vector<65x128xf32> -> vector<2080x128xf32>
    %dot_general3A_409 = arith.constant dense<0.000000e+00> : vector<2080x32xf32>
    %dot_general3A_410 = tpu.matmul %concatenate3A_408, %get3A_292, %dot_general3A_409 {dimension_numbers = #tpu.dot_dimension_numbers<[1], [0], [0], [1], [0, 0, 1, 1], [], []>, transpose_lhs_hint = false} : vector<2080x128xf32>, vector<128x32xf32>, vector<2080x32xf32> -> vector<2080x32xf32>
    %max3A_411 = arith.constant 0.000000e+00 : f32
    %max3A_412 = vector.broadcast %max3A_411 : f32 to vector<2080x32xf32>
    %max3A_413 = arith.maximumf %dot_general3A_407, %max3A_412 : vector<2080x32xf32>
    %max3A_414 = arith.constant 0.000000e+00 : f32
    %max3A_415 = vector.broadcast %max3A_414 : f32 to vector<2080x32xf32>
    %max3A_416 = arith.maximumf %dot_general3A_410, %max3A_415 : vector<2080x32xf32>
    %slice3A_417 = vector.extract_strided_slice %max3A_413 {offsets = [0, 0], sizes = [65, 32], strides = [1, 1]} : vector<2080x32xf32> to vector<65x32xf32>
    %slice3A_418 = vector.extract_strided_slice %max3A_416 {offsets = [0, 0], sizes = [65, 32], strides = [1, 1]} : vector<2080x32xf32> to vector<65x32xf32>
    %slice3A_419 = vector.extract_strided_slice %max3A_413 {offsets = [65, 0], sizes = [65, 32], strides = [1, 1]} : vector<2080x32xf32> to vector<65x32xf32>
    %slice3A_420 = vector.extract_strided_slice %max3A_416 {offsets = [65, 0], sizes = [65, 32], strides = [1, 1]} : vector<2080x32xf32> to vector<65x32xf32>
    %slice3A_421 = vector.extract_strided_slice %max3A_413 {offsets = [130, 0], sizes = [65, 32], strides = [1, 1]} : vector<2080x32xf32> to vector<65x32xf32>
    %slice3A_422 = vector.extract_strided_slice %max3A_416 {offsets = [130, 0], sizes = [65, 32], strides = [1, 1]} : vector<2080x32xf32> to vector<65x32xf32>
    %slice3A_423 = vector.extract_strided_slice %max3A_413 {offsets = [195, 0], sizes = [65, 32], strides = [1, 1]} : vector<2080x32xf32> to vector<65x32xf32>
    %slice3A_424 = vector.extract_strided_slice %max3A_416 {offsets = [195, 0], sizes = [65, 32], strides = [1, 1]} : vector<2080x32xf32> to vector<65x32xf32>
    %slice3A_425 = vector.extract_strided_slice %max3A_413 {offsets = [260, 0], sizes = [65, 32], strides = [1, 1]} : vector<2080x32xf32> to vector<65x32xf32>
    %slice3A_426 = vector.extract_strided_slice %max3A_416 {offsets = [260, 0], sizes = [65, 32], strides = [1, 1]} : vector<2080x32xf32> to vector<65x32xf32>
    %slice3A_427 = vector.extract_strided_slice %max3A_413 {offsets = [325, 0], sizes = [65, 32], strides = [1, 1]} : vector<2080x32xf32> to vector<65x32xf32>
    %slice3A_428 = vector.extract_strided_slice %max3A_416 {offsets = [325, 0], sizes = [65, 32], strides = [1, 1]} : vector<2080x32xf32> to vector<65x32xf32>
    %slice3A_429 = vector.extract_strided_slice %max3A_413 {offsets = [390, 0], sizes = [65, 32], strides = [1, 1]} : vector<2080x32xf32> to vector<65x32xf32>
    %slice3A_430 = vector.extract_strided_slice %max3A_416 {offsets = [390, 0], sizes = [65, 32], strides = [1, 1]} : vector<2080x32xf32> to vector<65x32xf32>
    %slice3A_431 = vector.extract_strided_slice %max3A_413 {offsets = [455, 0], sizes = [65, 32], strides = [1, 1]} : vector<2080x32xf32> to vector<65x32xf32>
    %slice3A_432 = vector.extract_strided_slice %max3A_416 {offsets = [455, 0], sizes = [65, 32], strides = [1, 1]} : vector<2080x32xf32> to vector<65x32xf32>
    %slice3A_433 = vector.extract_strided_slice %max3A_413 {offsets = [520, 0], sizes = [65, 32], strides = [1, 1]} : vector<2080x32xf32> to vector<65x32xf32>
    %slice3A_434 = vector.extract_strided_slice %max3A_416 {offsets = [520, 0], sizes = [65, 32], strides = [1, 1]} : vector<2080x32xf32> to vector<65x32xf32>
    %slice3A_435 = vector.extract_strided_slice %max3A_413 {offsets = [585, 0], sizes = [65, 32], strides = [1, 1]} : vector<2080x32xf32> to vector<65x32xf32>
    %slice3A_436 = vector.extract_strided_slice %max3A_416 {offsets = [585, 0], sizes = [65, 32], strides = [1, 1]} : vector<2080x32xf32> to vector<65x32xf32>
    %slice3A_437 = vector.extract_strided_slice %max3A_413 {offsets = [650, 0], sizes = [65, 32], strides = [1, 1]} : vector<2080x32xf32> to vector<65x32xf32>
    %slice3A_438 = vector.extract_strided_slice %max3A_416 {offsets = [650, 0], sizes = [65, 32], strides = [1, 1]} : vector<2080x32xf32> to vector<65x32xf32>
    %slice3A_439 = vector.extract_strided_slice %max3A_413 {offsets = [715, 0], sizes = [65, 32], strides = [1, 1]} : vector<2080x32xf32> to vector<65x32xf32>
    %slice3A_440 = vector.extract_strided_slice %max3A_416 {offsets = [715, 0], sizes = [65, 32], strides = [1, 1]} : vector<2080x32xf32> to vector<65x32xf32>
    %slice3A_441 = vector.extract_strided_slice %max3A_413 {offsets = [780, 0], sizes = [65, 32], strides = [1, 1]} : vector<2080x32xf32> to vector<65x32xf32>
    %slice3A_442 = vector.extract_strided_slice %max3A_416 {offsets = [780, 0], sizes = [65, 32], strides = [1, 1]} : vector<2080x32xf32> to vector<65x32xf32>
    %slice3A_443 = vector.extract_strided_slice %max3A_413 {offsets = [845, 0], sizes = [65, 32], strides = [1, 1]} : vector<2080x32xf32> to vector<65x32xf32>
    %slice3A_444 = vector.extract_strided_slice %max3A_416 {offsets = [845, 0], sizes = [65, 32], strides = [1, 1]} : vector<2080x32xf32> to vector<65x32xf32>
    %slice3A_445 = vector.extract_strided_slice %max3A_413 {offsets = [910, 0], sizes = [65, 32], strides = [1, 1]} : vector<2080x32xf32> to vector<65x32xf32>
    %slice3A_446 = vector.extract_strided_slice %max3A_416 {offsets = [910, 0], sizes = [65, 32], strides = [1, 1]} : vector<2080x32xf32> to vector<65x32xf32>
    %slice3A_447 = vector.extract_strided_slice %max3A_413 {offsets = [975, 0], sizes = [65, 32], strides = [1, 1]} : vector<2080x32xf32> to vector<65x32xf32>
    %slice3A_448 = vector.extract_strided_slice %max3A_416 {offsets = [975, 0], sizes = [65, 32], strides = [1, 1]} : vector<2080x32xf32> to vector<65x32xf32>
    %slice3A_449 = vector.extract_strided_slice %max3A_413 {offsets = [1040, 0], sizes = [65, 32], strides = [1, 1]} : vector<2080x32xf32> to vector<65x32xf32>
    %slice3A_450 = vector.extract_strided_slice %max3A_416 {offsets = [1040, 0], sizes = [65, 32], strides = [1, 1]} : vector<2080x32xf32> to vector<65x32xf32>
    %slice3A_451 = vector.extract_strided_slice %max3A_413 {offsets = [1105, 0], sizes = [65, 32], strides = [1, 1]} : vector<2080x32xf32> to vector<65x32xf32>
    %slice3A_452 = vector.extract_strided_slice %max3A_416 {offsets = [1105, 0], sizes = [65, 32], strides = [1, 1]} : vector<2080x32xf32> to vector<65x32xf32>
    %slice3A_453 = vector.extract_strided_slice %max3A_413 {offsets = [1170, 0], sizes = [65, 32], strides = [1, 1]} : vector<2080x32xf32> to vector<65x32xf32>
    %slice3A_454 = vector.extract_strided_slice %max3A_416 {offsets = [1170, 0], sizes = [65, 32], strides = [1, 1]} : vector<2080x32xf32> to vector<65x32xf32>
    %slice3A_455 = vector.extract_strided_slice %max3A_413 {offsets = [1235, 0], sizes = [65, 32], strides = [1, 1]} : vector<2080x32xf32> to vector<65x32xf32>
    %slice3A_456 = vector.extract_strided_slice %max3A_416 {offsets = [1235, 0], sizes = [65, 32], strides = [1, 1]} : vector<2080x32xf32> to vector<65x32xf32>
    %slice3A_457 = vector.extract_strided_slice %max3A_413 {offsets = [1300, 0], sizes = [65, 32], strides = [1, 1]} : vector<2080x32xf32> to vector<65x32xf32>
    %slice3A_458 = vector.extract_strided_slice %max3A_416 {offsets = [1300, 0], sizes = [65, 32], strides = [1, 1]} : vector<2080x32xf32> to vector<65x32xf32>
    %slice3A_459 = vector.extract_strided_slice %max3A_413 {offsets = [1365, 0], sizes = [65, 32], strides = [1, 1]} : vector<2080x32xf32> to vector<65x32xf32>
    %slice3A_460 = vector.extract_strided_slice %max3A_416 {offsets = [1365, 0], sizes = [65, 32], strides = [1, 1]} : vector<2080x32xf32> to vector<65x32xf32>
    %slice3A_461 = vector.extract_strided_slice %max3A_413 {offsets = [1430, 0], sizes = [65, 32], strides = [1, 1]} : vector<2080x32xf32> to vector<65x32xf32>
    %slice3A_462 = vector.extract_strided_slice %max3A_416 {offsets = [1430, 0], sizes = [65, 32], strides = [1, 1]} : vector<2080x32xf32> to vector<65x32xf32>
    %slice3A_463 = vector.extract_strided_slice %max3A_413 {offsets = [1495, 0], sizes = [65, 32], strides = [1, 1]} : vector<2080x32xf32> to vector<65x32xf32>
    %slice3A_464 = vector.extract_strided_slice %max3A_416 {offsets = [1495, 0], sizes = [65, 32], strides = [1, 1]} : vector<2080x32xf32> to vector<65x32xf32>
    %slice3A_465 = vector.extract_strided_slice %max3A_413 {offsets = [1560, 0], sizes = [65, 32], strides = [1, 1]} : vector<2080x32xf32> to vector<65x32xf32>
    %slice3A_466 = vector.extract_strided_slice %max3A_416 {offsets = [1560, 0], sizes = [65, 32], strides = [1, 1]} : vector<2080x32xf32> to vector<65x32xf32>
    %slice3A_467 = vector.extract_strided_slice %max3A_413 {offsets = [1625, 0], sizes = [65, 32], strides = [1, 1]} : vector<2080x32xf32> to vector<65x32xf32>
    %slice3A_468 = vector.extract_strided_slice %max3A_416 {offsets = [1625, 0], sizes = [65, 32], strides = [1, 1]} : vector<2080x32xf32> to vector<65x32xf32>
    %slice3A_469 = vector.extract_strided_slice %max3A_413 {offsets = [1690, 0], sizes = [65, 32], strides = [1, 1]} : vector<2080x32xf32> to vector<65x32xf32>
    %slice3A_470 = vector.extract_strided_slice %max3A_416 {offsets = [1690, 0], sizes = [65, 32], strides = [1, 1]} : vector<2080x32xf32> to vector<65x32xf32>
    %slice3A_471 = vector.extract_strided_slice %max3A_413 {offsets = [1755, 0], sizes = [65, 32], strides = [1, 1]} : vector<2080x32xf32> to vector<65x32xf32>
    %slice3A_472 = vector.extract_strided_slice %max3A_416 {offsets = [1755, 0], sizes = [65, 32], strides = [1, 1]} : vector<2080x32xf32> to vector<65x32xf32>
    %slice3A_473 = vector.extract_strided_slice %max3A_413 {offsets = [1820, 0], sizes = [65, 32], strides = [1, 1]} : vector<2080x32xf32> to vector<65x32xf32>
    %slice3A_474 = vector.extract_strided_slice %max3A_416 {offsets = [1820, 0], sizes = [65, 32], strides = [1, 1]} : vector<2080x32xf32> to vector<65x32xf32>
    %slice3A_475 = vector.extract_strided_slice %max3A_413 {offsets = [1885, 0], sizes = [65, 32], strides = [1, 1]} : vector<2080x32xf32> to vector<65x32xf32>
    %slice3A_476 = vector.extract_strided_slice %max3A_416 {offsets = [1885, 0], sizes = [65, 32], strides = [1, 1]} : vector<2080x32xf32> to vector<65x32xf32>
    %slice3A_477 = vector.extract_strided_slice %max3A_413 {offsets = [1950, 0], sizes = [65, 32], strides = [1, 1]} : vector<2080x32xf32> to vector<65x32xf32>
    %slice3A_478 = vector.extract_strided_slice %max3A_416 {offsets = [1950, 0], sizes = [65, 32], strides = [1, 1]} : vector<2080x32xf32> to vector<65x32xf32>
    %slice3A_479 = vector.extract_strided_slice %max3A_413 {offsets = [2015, 0], sizes = [65, 32], strides = [1, 1]} : vector<2080x32xf32> to vector<65x32xf32>
    %slice3A_480 = vector.extract_strided_slice %max3A_416 {offsets = [2015, 0], sizes = [65, 32], strides = [1, 1]} : vector<2080x32xf32> to vector<65x32xf32>
    %broadcast_in_dim3A_481 = arith.constant 0.000000e+00 : f32
    %broadcast_in_dim3A_482 = vector.broadcast %broadcast_in_dim3A_481 : f32 to vector<1x32xf32>
    %slice3A_483 = vector.extract_strided_slice %slice3A_424 {offsets = [0, 0], sizes = [64, 32], strides = [1, 1]} : vector<65x32xf32> to vector<64x32xf32>
    %concatenate3A_484 = tpu.concatenate %broadcast_in_dim3A_482, %slice3A_483 in 0 : vector<1x32xf32>, vector<64x32xf32> -> vector<65x32xf32>
    %slice3A_485 = vector.extract_strided_slice %slice3A_417 {offsets = [1, 0], sizes = [64, 32], strides = [1, 1]} : vector<65x32xf32> to vector<64x32xf32>
    %concatenate3A_486 = tpu.concatenate %slice3A_485, %broadcast_in_dim3A_482 in 0 : vector<64x32xf32>, vector<1x32xf32> -> vector<65x32xf32>
    %concatenate3A_487 = tpu.concatenate %concatenate3A_484, %slice3A_417 in 1 : vector<65x32xf32>, vector<65x32xf32> -> vector<65x64xf32>
    %concatenate3A_488 = tpu.concatenate %slice3A_417, %slice3A_418 in 1 : vector<65x32xf32>, vector<65x32xf32> -> vector<65x64xf32>
    %concatenate3A_489 = tpu.concatenate %slice3A_418, %slice3A_419 in 1 : vector<65x32xf32>, vector<65x32xf32> -> vector<65x64xf32>
    %concatenate3A_490 = tpu.concatenate %slice3A_419, %slice3A_420 in 1 : vector<65x32xf32>, vector<65x32xf32> -> vector<65x64xf32>
    %concatenate3A_491 = tpu.concatenate %slice3A_420, %slice3A_421 in 1 : vector<65x32xf32>, vector<65x32xf32> -> vector<65x64xf32>
    %concatenate3A_492 = tpu.concatenate %slice3A_421, %slice3A_422 in 1 : vector<65x32xf32>, vector<65x32xf32> -> vector<65x64xf32>
    %concatenate3A_493 = tpu.concatenate %slice3A_422, %slice3A_423 in 1 : vector<65x32xf32>, vector<65x32xf32> -> vector<65x64xf32>
    %concatenate3A_494 = tpu.concatenate %slice3A_423, %slice3A_424 in 1 : vector<65x32xf32>, vector<65x32xf32> -> vector<65x64xf32>
    %concatenate3A_495 = tpu.concatenate %slice3A_417, %slice3A_418 in 1 : vector<65x32xf32>, vector<65x32xf32> -> vector<65x64xf32>
    %concatenate3A_496 = tpu.concatenate %slice3A_418, %slice3A_419 in 1 : vector<65x32xf32>, vector<65x32xf32> -> vector<65x64xf32>
    %concatenate3A_497 = tpu.concatenate %slice3A_419, %slice3A_420 in 1 : vector<65x32xf32>, vector<65x32xf32> -> vector<65x64xf32>
    %concatenate3A_498 = tpu.concatenate %slice3A_420, %slice3A_421 in 1 : vector<65x32xf32>, vector<65x32xf32> -> vector<65x64xf32>
    %concatenate3A_499 = tpu.concatenate %slice3A_421, %slice3A_422 in 1 : vector<65x32xf32>, vector<65x32xf32> -> vector<65x64xf32>
    %concatenate3A_500 = tpu.concatenate %slice3A_422, %slice3A_423 in 1 : vector<65x32xf32>, vector<65x32xf32> -> vector<65x64xf32>
    %concatenate3A_501 = tpu.concatenate %slice3A_423, %slice3A_424 in 1 : vector<65x32xf32>, vector<65x32xf32> -> vector<65x64xf32>
    %concatenate3A_502 = tpu.concatenate %slice3A_424, %concatenate3A_486 in 1 : vector<65x32xf32>, vector<65x32xf32> -> vector<65x64xf32>
    %concatenate3A_503 = tpu.concatenate %concatenate3A_487, %concatenate3A_495 in 1 : vector<65x64xf32>, vector<65x64xf32> -> vector<65x128xf32>
    %concatenate3A_504 = tpu.concatenate %concatenate3A_488, %concatenate3A_496 in 1 : vector<65x64xf32>, vector<65x64xf32> -> vector<65x128xf32>
    %concatenate3A_505 = tpu.concatenate %concatenate3A_489, %concatenate3A_497 in 1 : vector<65x64xf32>, vector<65x64xf32> -> vector<65x128xf32>
    %concatenate3A_506 = tpu.concatenate %concatenate3A_490, %concatenate3A_498 in 1 : vector<65x64xf32>, vector<65x64xf32> -> vector<65x128xf32>
    %concatenate3A_507 = tpu.concatenate %concatenate3A_491, %concatenate3A_499 in 1 : vector<65x64xf32>, vector<65x64xf32> -> vector<65x128xf32>
    %concatenate3A_508 = tpu.concatenate %concatenate3A_492, %concatenate3A_500 in 1 : vector<65x64xf32>, vector<65x64xf32> -> vector<65x128xf32>
    %concatenate3A_509 = tpu.concatenate %concatenate3A_493, %concatenate3A_501 in 1 : vector<65x64xf32>, vector<65x64xf32> -> vector<65x128xf32>
    %concatenate3A_510 = tpu.concatenate %concatenate3A_494, %concatenate3A_502 in 1 : vector<65x64xf32>, vector<65x64xf32> -> vector<65x128xf32>
    %broadcast_in_dim3A_511 = arith.constant 0.000000e+00 : f32
    %broadcast_in_dim3A_512 = vector.broadcast %broadcast_in_dim3A_511 : f32 to vector<1x32xf32>
    %slice3A_513 = vector.extract_strided_slice %slice3A_432 {offsets = [0, 0], sizes = [64, 32], strides = [1, 1]} : vector<65x32xf32> to vector<64x32xf32>
    %concatenate3A_514 = tpu.concatenate %broadcast_in_dim3A_512, %slice3A_513 in 0 : vector<1x32xf32>, vector<64x32xf32> -> vector<65x32xf32>
    %slice3A_515 = vector.extract_strided_slice %slice3A_425 {offsets = [1, 0], sizes = [64, 32], strides = [1, 1]} : vector<65x32xf32> to vector<64x32xf32>
    %concatenate3A_516 = tpu.concatenate %slice3A_515, %broadcast_in_dim3A_512 in 0 : vector<64x32xf32>, vector<1x32xf32> -> vector<65x32xf32>
    %concatenate3A_517 = tpu.concatenate %concatenate3A_514, %slice3A_425 in 1 : vector<65x32xf32>, vector<65x32xf32> -> vector<65x64xf32>
    %concatenate3A_518 = tpu.concatenate %slice3A_425, %slice3A_426 in 1 : vector<65x32xf32>, vector<65x32xf32> -> vector<65x64xf32>
    %concatenate3A_519 = tpu.concatenate %slice3A_426, %slice3A_427 in 1 : vector<65x32xf32>, vector<65x32xf32> -> vector<65x64xf32>
    %concatenate3A_520 = tpu.concatenate %slice3A_427, %slice3A_428 in 1 : vector<65x32xf32>, vector<65x32xf32> -> vector<65x64xf32>
    %concatenate3A_521 = tpu.concatenate %slice3A_428, %slice3A_429 in 1 : vector<65x32xf32>, vector<65x32xf32> -> vector<65x64xf32>
    %concatenate3A_522 = tpu.concatenate %slice3A_429, %slice3A_430 in 1 : vector<65x32xf32>, vector<65x32xf32> -> vector<65x64xf32>
    %concatenate3A_523 = tpu.concatenate %slice3A_430, %slice3A_431 in 1 : vector<65x32xf32>, vector<65x32xf32> -> vector<65x64xf32>
    %concatenate3A_524 = tpu.concatenate %slice3A_431, %slice3A_432 in 1 : vector<65x32xf32>, vector<65x32xf32> -> vector<65x64xf32>
    %concatenate3A_525 = tpu.concatenate %slice3A_425, %slice3A_426 in 1 : vector<65x32xf32>, vector<65x32xf32> -> vector<65x64xf32>
    %concatenate3A_526 = tpu.concatenate %slice3A_426, %slice3A_427 in 1 : vector<65x32xf32>, vector<65x32xf32> -> vector<65x64xf32>
    %concatenate3A_527 = tpu.concatenate %slice3A_427, %slice3A_428 in 1 : vector<65x32xf32>, vector<65x32xf32> -> vector<65x64xf32>
    %concatenate3A_528 = tpu.concatenate %slice3A_428, %slice3A_429 in 1 : vector<65x32xf32>, vector<65x32xf32> -> vector<65x64xf32>
    %concatenate3A_529 = tpu.concatenate %slice3A_429, %slice3A_430 in 1 : vector<65x32xf32>, vector<65x32xf32> -> vector<65x64xf32>
    %concatenate3A_530 = tpu.concatenate %slice3A_430, %slice3A_431 in 1 : vector<65x32xf32>, vector<65x32xf32> -> vector<65x64xf32>
    %concatenate3A_531 = tpu.concatenate %slice3A_431, %slice3A_432 in 1 : vector<65x32xf32>, vector<65x32xf32> -> vector<65x64xf32>
    %concatenate3A_532 = tpu.concatenate %slice3A_432, %concatenate3A_516 in 1 : vector<65x32xf32>, vector<65x32xf32> -> vector<65x64xf32>
    %concatenate3A_533 = tpu.concatenate %concatenate3A_517, %concatenate3A_525 in 1 : vector<65x64xf32>, vector<65x64xf32> -> vector<65x128xf32>
    %concatenate3A_534 = tpu.concatenate %concatenate3A_518, %concatenate3A_526 in 1 : vector<65x64xf32>, vector<65x64xf32> -> vector<65x128xf32>
    %concatenate3A_535 = tpu.concatenate %concatenate3A_519, %concatenate3A_527 in 1 : vector<65x64xf32>, vector<65x64xf32> -> vector<65x128xf32>
    %concatenate3A_536 = tpu.concatenate %concatenate3A_520, %concatenate3A_528 in 1 : vector<65x64xf32>, vector<65x64xf32> -> vector<65x128xf32>
    %concatenate3A_537 = tpu.concatenate %concatenate3A_521, %concatenate3A_529 in 1 : vector<65x64xf32>, vector<65x64xf32> -> vector<65x128xf32>
    %concatenate3A_538 = tpu.concatenate %concatenate3A_522, %concatenate3A_530 in 1 : vector<65x64xf32>, vector<65x64xf32> -> vector<65x128xf32>
    %concatenate3A_539 = tpu.concatenate %concatenate3A_523, %concatenate3A_531 in 1 : vector<65x64xf32>, vector<65x64xf32> -> vector<65x128xf32>
    %concatenate3A_540 = tpu.concatenate %concatenate3A_524, %concatenate3A_532 in 1 : vector<65x64xf32>, vector<65x64xf32> -> vector<65x128xf32>
    %broadcast_in_dim3A_541 = arith.constant 0.000000e+00 : f32
    %broadcast_in_dim3A_542 = vector.broadcast %broadcast_in_dim3A_541 : f32 to vector<1x32xf32>
    %slice3A_543 = vector.extract_strided_slice %slice3A_440 {offsets = [0, 0], sizes = [64, 32], strides = [1, 1]} : vector<65x32xf32> to vector<64x32xf32>
    %concatenate3A_544 = tpu.concatenate %broadcast_in_dim3A_542, %slice3A_543 in 0 : vector<1x32xf32>, vector<64x32xf32> -> vector<65x32xf32>
    %slice3A_545 = vector.extract_strided_slice %slice3A_433 {offsets = [1, 0], sizes = [64, 32], strides = [1, 1]} : vector<65x32xf32> to vector<64x32xf32>
    %concatenate3A_546 = tpu.concatenate %slice3A_545, %broadcast_in_dim3A_542 in 0 : vector<64x32xf32>, vector<1x32xf32> -> vector<65x32xf32>
    %concatenate3A_547 = tpu.concatenate %concatenate3A_544, %slice3A_433 in 1 : vector<65x32xf32>, vector<65x32xf32> -> vector<65x64xf32>
    %concatenate3A_548 = tpu.concatenate %slice3A_433, %slice3A_434 in 1 : vector<65x32xf32>, vector<65x32xf32> -> vector<65x64xf32>
    %concatenate3A_549 = tpu.concatenate %slice3A_434, %slice3A_435 in 1 : vector<65x32xf32>, vector<65x32xf32> -> vector<65x64xf32>
    %concatenate3A_550 = tpu.concatenate %slice3A_435, %slice3A_436 in 1 : vector<65x32xf32>, vector<65x32xf32> -> vector<65x64xf32>
    %concatenate3A_551 = tpu.concatenate %slice3A_436, %slice3A_437 in 1 : vector<65x32xf32>, vector<65x32xf32> -> vector<65x64xf32>
    %concatenate3A_552 = tpu.concatenate %slice3A_437, %slice3A_438 in 1 : vector<65x32xf32>, vector<65x32xf32> -> vector<65x64xf32>
    %concatenate3A_553 = tpu.concatenate %slice3A_438, %slice3A_439 in 1 : vector<65x32xf32>, vector<65x32xf32> -> vector<65x64xf32>
    %concatenate3A_554 = tpu.concatenate %slice3A_439, %slice3A_440 in 1 : vector<65x32xf32>, vector<65x32xf32> -> vector<65x64xf32>
    %concatenate3A_555 = tpu.concatenate %slice3A_433, %slice3A_434 in 1 : vector<65x32xf32>, vector<65x32xf32> -> vector<65x64xf32>
    %concatenate3A_556 = tpu.concatenate %slice3A_434, %slice3A_435 in 1 : vector<65x32xf32>, vector<65x32xf32> -> vector<65x64xf32>
    %concatenate3A_557 = tpu.concatenate %slice3A_435, %slice3A_436 in 1 : vector<65x32xf32>, vector<65x32xf32> -> vector<65x64xf32>
    %concatenate3A_558 = tpu.concatenate %slice3A_436, %slice3A_437 in 1 : vector<65x32xf32>, vector<65x32xf32> -> vector<65x64xf32>
    %concatenate3A_559 = tpu.concatenate %slice3A_437, %slice3A_438 in 1 : vector<65x32xf32>, vector<65x32xf32> -> vector<65x64xf32>
    %concatenate3A_560 = tpu.concatenate %slice3A_438, %slice3A_439 in 1 : vector<65x32xf32>, vector<65x32xf32> -> vector<65x64xf32>
    %concatenate3A_561 = tpu.concatenate %slice3A_439, %slice3A_440 in 1 : vector<65x32xf32>, vector<65x32xf32> -> vector<65x64xf32>
    %concatenate3A_562 = tpu.concatenate %slice3A_440, %concatenate3A_546 in 1 : vector<65x32xf32>, vector<65x32xf32> -> vector<65x64xf32>
    %concatenate3A_563 = tpu.concatenate %concatenate3A_547, %concatenate3A_555 in 1 : vector<65x64xf32>, vector<65x64xf32> -> vector<65x128xf32>
    %concatenate3A_564 = tpu.concatenate %concatenate3A_548, %concatenate3A_556 in 1 : vector<65x64xf32>, vector<65x64xf32> -> vector<65x128xf32>
    %concatenate3A_565 = tpu.concatenate %concatenate3A_549, %concatenate3A_557 in 1 : vector<65x64xf32>, vector<65x64xf32> -> vector<65x128xf32>
    %concatenate3A_566 = tpu.concatenate %concatenate3A_550, %concatenate3A_558 in 1 : vector<65x64xf32>, vector<65x64xf32> -> vector<65x128xf32>
    %concatenate3A_567 = tpu.concatenate %concatenate3A_551, %concatenate3A_559 in 1 : vector<65x64xf32>, vector<65x64xf32> -> vector<65x128xf32>
    %concatenate3A_568 = tpu.concatenate %concatenate3A_552, %concatenate3A_560 in 1 : vector<65x64xf32>, vector<65x64xf32> -> vector<65x128xf32>
    %concatenate3A_569 = tpu.concatenate %concatenate3A_553, %concatenate3A_561 in 1 : vector<65x64xf32>, vector<65x64xf32> -> vector<65x128xf32>
    %concatenate3A_570 = tpu.concatenate %concatenate3A_554, %concatenate3A_562 in 1 : vector<65x64xf32>, vector<65x64xf32> -> vector<65x128xf32>
    %broadcast_in_dim3A_571 = arith.constant 0.000000e+00 : f32
    %broadcast_in_dim3A_572 = vector.broadcast %broadcast_in_dim3A_571 : f32 to vector<1x32xf32>
    %slice3A_573 = vector.extract_strided_slice %slice3A_448 {offsets = [0, 0], sizes = [64, 32], strides = [1, 1]} : vector<65x32xf32> to vector<64x32xf32>
    %concatenate3A_574 = tpu.concatenate %broadcast_in_dim3A_572, %slice3A_573 in 0 : vector<1x32xf32>, vector<64x32xf32> -> vector<65x32xf32>
    %slice3A_575 = vector.extract_strided_slice %slice3A_441 {offsets = [1, 0], sizes = [64, 32], strides = [1, 1]} : vector<65x32xf32> to vector<64x32xf32>
    %concatenate3A_576 = tpu.concatenate %slice3A_575, %broadcast_in_dim3A_572 in 0 : vector<64x32xf32>, vector<1x32xf32> -> vector<65x32xf32>
    %concatenate3A_577 = tpu.concatenate %concatenate3A_574, %slice3A_441 in 1 : vector<65x32xf32>, vector<65x32xf32> -> vector<65x64xf32>
    %concatenate3A_578 = tpu.concatenate %slice3A_441, %slice3A_442 in 1 : vector<65x32xf32>, vector<65x32xf32> -> vector<65x64xf32>
    %concatenate3A_579 = tpu.concatenate %slice3A_442, %slice3A_443 in 1 : vector<65x32xf32>, vector<65x32xf32> -> vector<65x64xf32>
    %concatenate3A_580 = tpu.concatenate %slice3A_443, %slice3A_444 in 1 : vector<65x32xf32>, vector<65x32xf32> -> vector<65x64xf32>
    %concatenate3A_581 = tpu.concatenate %slice3A_444, %slice3A_445 in 1 : vector<65x32xf32>, vector<65x32xf32> -> vector<65x64xf32>
    %concatenate3A_582 = tpu.concatenate %slice3A_445, %slice3A_446 in 1 : vector<65x32xf32>, vector<65x32xf32> -> vector<65x64xf32>
    %concatenate3A_583 = tpu.concatenate %slice3A_446, %slice3A_447 in 1 : vector<65x32xf32>, vector<65x32xf32> -> vector<65x64xf32>
    %concatenate3A_584 = tpu.concatenate %slice3A_447, %slice3A_448 in 1 : vector<65x32xf32>, vector<65x32xf32> -> vector<65x64xf32>
    %concatenate3A_585 = tpu.concatenate %slice3A_441, %slice3A_442 in 1 : vector<65x32xf32>, vector<65x32xf32> -> vector<65x64xf32>
    %concatenate3A_586 = tpu.concatenate %slice3A_442, %slice3A_443 in 1 : vector<65x32xf32>, vector<65x32xf32> -> vector<65x64xf32>
    %concatenate3A_587 = tpu.concatenate %slice3A_443, %slice3A_444 in 1 : vector<65x32xf32>, vector<65x32xf32> -> vector<65x64xf32>
    %concatenate3A_588 = tpu.concatenate %slice3A_444, %slice3A_445 in 1 : vector<65x32xf32>, vector<65x32xf32> -> vector<65x64xf32>
    %concatenate3A_589 = tpu.concatenate %slice3A_445, %slice3A_446 in 1 : vector<65x32xf32>, vector<65x32xf32> -> vector<65x64xf32>
    %concatenate3A_590 = tpu.concatenate %slice3A_446, %slice3A_447 in 1 : vector<65x32xf32>, vector<65x32xf32> -> vector<65x64xf32>
    %concatenate3A_591 = tpu.concatenate %slice3A_447, %slice3A_448 in 1 : vector<65x32xf32>, vector<65x32xf32> -> vector<65x64xf32>
    %concatenate3A_592 = tpu.concatenate %slice3A_448, %concatenate3A_576 in 1 : vector<65x32xf32>, vector<65x32xf32> -> vector<65x64xf32>
    %concatenate3A_593 = tpu.concatenate %concatenate3A_577, %concatenate3A_585 in 1 : vector<65x64xf32>, vector<65x64xf32> -> vector<65x128xf32>
    %concatenate3A_594 = tpu.concatenate %concatenate3A_578, %concatenate3A_586 in 1 : vector<65x64xf32>, vector<65x64xf32> -> vector<65x128xf32>
    %concatenate3A_595 = tpu.concatenate %concatenate3A_579, %concatenate3A_587 in 1 : vector<65x64xf32>, vector<65x64xf32> -> vector<65x128xf32>
    %concatenate3A_596 = tpu.concatenate %concatenate3A_580, %concatenate3A_588 in 1 : vector<65x64xf32>, vector<65x64xf32> -> vector<65x128xf32>
    %concatenate3A_597 = tpu.concatenate %concatenate3A_581, %concatenate3A_589 in 1 : vector<65x64xf32>, vector<65x64xf32> -> vector<65x128xf32>
    %concatenate3A_598 = tpu.concatenate %concatenate3A_582, %concatenate3A_590 in 1 : vector<65x64xf32>, vector<65x64xf32> -> vector<65x128xf32>
    %concatenate3A_599 = tpu.concatenate %concatenate3A_583, %concatenate3A_591 in 1 : vector<65x64xf32>, vector<65x64xf32> -> vector<65x128xf32>
    %concatenate3A_600 = tpu.concatenate %concatenate3A_584, %concatenate3A_592 in 1 : vector<65x64xf32>, vector<65x64xf32> -> vector<65x128xf32>
    %broadcast_in_dim3A_601 = arith.constant 0.000000e+00 : f32
    %broadcast_in_dim3A_602 = vector.broadcast %broadcast_in_dim3A_601 : f32 to vector<1x32xf32>
    %slice3A_603 = vector.extract_strided_slice %slice3A_456 {offsets = [0, 0], sizes = [64, 32], strides = [1, 1]} : vector<65x32xf32> to vector<64x32xf32>
    %concatenate3A_604 = tpu.concatenate %broadcast_in_dim3A_602, %slice3A_603 in 0 : vector<1x32xf32>, vector<64x32xf32> -> vector<65x32xf32>
    %slice3A_605 = vector.extract_strided_slice %slice3A_449 {offsets = [1, 0], sizes = [64, 32], strides = [1, 1]} : vector<65x32xf32> to vector<64x32xf32>
    %concatenate3A_606 = tpu.concatenate %slice3A_605, %broadcast_in_dim3A_602 in 0 : vector<64x32xf32>, vector<1x32xf32> -> vector<65x32xf32>
    %concatenate3A_607 = tpu.concatenate %concatenate3A_604, %slice3A_449 in 1 : vector<65x32xf32>, vector<65x32xf32> -> vector<65x64xf32>
    %concatenate3A_608 = tpu.concatenate %slice3A_449, %slice3A_450 in 1 : vector<65x32xf32>, vector<65x32xf32> -> vector<65x64xf32>
    %concatenate3A_609 = tpu.concatenate %slice3A_450, %slice3A_451 in 1 : vector<65x32xf32>, vector<65x32xf32> -> vector<65x64xf32>
    %concatenate3A_610 = tpu.concatenate %slice3A_451, %slice3A_452 in 1 : vector<65x32xf32>, vector<65x32xf32> -> vector<65x64xf32>
    %concatenate3A_611 = tpu.concatenate %slice3A_452, %slice3A_453 in 1 : vector<65x32xf32>, vector<65x32xf32> -> vector<65x64xf32>
    %concatenate3A_612 = tpu.concatenate %slice3A_453, %slice3A_454 in 1 : vector<65x32xf32>, vector<65x32xf32> -> vector<65x64xf32>
    %concatenate3A_613 = tpu.concatenate %slice3A_454, %slice3A_455 in 1 : vector<65x32xf32>, vector<65x32xf32> -> vector<65x64xf32>
    %concatenate3A_614 = tpu.concatenate %slice3A_455, %slice3A_456 in 1 : vector<65x32xf32>, vector<65x32xf32> -> vector<65x64xf32>
    %concatenate3A_615 = tpu.concatenate %slice3A_449, %slice3A_450 in 1 : vector<65x32xf32>, vector<65x32xf32> -> vector<65x64xf32>
    %concatenate3A_616 = tpu.concatenate %slice3A_450, %slice3A_451 in 1 : vector<65x32xf32>, vector<65x32xf32> -> vector<65x64xf32>
    %concatenate3A_617 = tpu.concatenate %slice3A_451, %slice3A_452 in 1 : vector<65x32xf32>, vector<65x32xf32> -> vector<65x64xf32>
    %concatenate3A_618 = tpu.concatenate %slice3A_452, %slice3A_453 in 1 : vector<65x32xf32>, vector<65x32xf32> -> vector<65x64xf32>
    %concatenate3A_619 = tpu.concatenate %slice3A_453, %slice3A_454 in 1 : vector<65x32xf32>, vector<65x32xf32> -> vector<65x64xf32>
    %concatenate3A_620 = tpu.concatenate %slice3A_454, %slice3A_455 in 1 : vector<65x32xf32>, vector<65x32xf32> -> vector<65x64xf32>
    %concatenate3A_621 = tpu.concatenate %slice3A_455, %slice3A_456 in 1 : vector<65x32xf32>, vector<65x32xf32> -> vector<65x64xf32>
    %concatenate3A_622 = tpu.concatenate %slice3A_456, %concatenate3A_606 in 1 : vector<65x32xf32>, vector<65x32xf32> -> vector<65x64xf32>
    %concatenate3A_623 = tpu.concatenate %concatenate3A_607, %concatenate3A_615 in 1 : vector<65x64xf32>, vector<65x64xf32> -> vector<65x128xf32>
    %concatenate3A_624 = tpu.concatenate %concatenate3A_608, %concatenate3A_616 in 1 : vector<65x64xf32>, vector<65x64xf32> -> vector<65x128xf32>
    %concatenate3A_625 = tpu.concatenate %concatenate3A_609, %concatenate3A_617 in 1 : vector<65x64xf32>, vector<65x64xf32> -> vector<65x128xf32>
    %concatenate3A_626 = tpu.concatenate %concatenate3A_610, %concatenate3A_618 in 1 : vector<65x64xf32>, vector<65x64xf32> -> vector<65x128xf32>
    %concatenate3A_627 = tpu.concatenate %concatenate3A_611, %concatenate3A_619 in 1 : vector<65x64xf32>, vector<65x64xf32> -> vector<65x128xf32>
    %concatenate3A_628 = tpu.concatenate %concatenate3A_612, %concatenate3A_620 in 1 : vector<65x64xf32>, vector<65x64xf32> -> vector<65x128xf32>
    %concatenate3A_629 = tpu.concatenate %concatenate3A_613, %concatenate3A_621 in 1 : vector<65x64xf32>, vector<65x64xf32> -> vector<65x128xf32>
    %concatenate3A_630 = tpu.concatenate %concatenate3A_614, %concatenate3A_622 in 1 : vector<65x64xf32>, vector<65x64xf32> -> vector<65x128xf32>
    %broadcast_in_dim3A_631 = arith.constant 0.000000e+00 : f32
    %broadcast_in_dim3A_632 = vector.broadcast %broadcast_in_dim3A_631 : f32 to vector<1x32xf32>
    %slice3A_633 = vector.extract_strided_slice %slice3A_464 {offsets = [0, 0], sizes = [64, 32], strides = [1, 1]} : vector<65x32xf32> to vector<64x32xf32>
    %concatenate3A_634 = tpu.concatenate %broadcast_in_dim3A_632, %slice3A_633 in 0 : vector<1x32xf32>, vector<64x32xf32> -> vector<65x32xf32>
    %slice3A_635 = vector.extract_strided_slice %slice3A_457 {offsets = [1, 0], sizes = [64, 32], strides = [1, 1]} : vector<65x32xf32> to vector<64x32xf32>
    %concatenate3A_636 = tpu.concatenate %slice3A_635, %broadcast_in_dim3A_632 in 0 : vector<64x32xf32>, vector<1x32xf32> -> vector<65x32xf32>
    %concatenate3A_637 = tpu.concatenate %concatenate3A_634, %slice3A_457 in 1 : vector<65x32xf32>, vector<65x32xf32> -> vector<65x64xf32>
    %concatenate3A_638 = tpu.concatenate %slice3A_457, %slice3A_458 in 1 : vector<65x32xf32>, vector<65x32xf32> -> vector<65x64xf32>
    %concatenate3A_639 = tpu.concatenate %slice3A_458, %slice3A_459 in 1 : vector<65x32xf32>, vector<65x32xf32> -> vector<65x64xf32>
    %concatenate3A_640 = tpu.concatenate %slice3A_459, %slice3A_460 in 1 : vector<65x32xf32>, vector<65x32xf32> -> vector<65x64xf32>
    %concatenate3A_641 = tpu.concatenate %slice3A_460, %slice3A_461 in 1 : vector<65x32xf32>, vector<65x32xf32> -> vector<65x64xf32>
    %concatenate3A_642 = tpu.concatenate %slice3A_461, %slice3A_462 in 1 : vector<65x32xf32>, vector<65x32xf32> -> vector<65x64xf32>
    %concatenate3A_643 = tpu.concatenate %slice3A_462, %slice3A_463 in 1 : vector<65x32xf32>, vector<65x32xf32> -> vector<65x64xf32>
    %concatenate3A_644 = tpu.concatenate %slice3A_463, %slice3A_464 in 1 : vector<65x32xf32>, vector<65x32xf32> -> vector<65x64xf32>
    %concatenate3A_645 = tpu.concatenate %slice3A_457, %slice3A_458 in 1 : vector<65x32xf32>, vector<65x32xf32> -> vector<65x64xf32>
    %concatenate3A_646 = tpu.concatenate %slice3A_458, %slice3A_459 in 1 : vector<65x32xf32>, vector<65x32xf32> -> vector<65x64xf32>
    %concatenate3A_647 = tpu.concatenate %slice3A_459, %slice3A_460 in 1 : vector<65x32xf32>, vector<65x32xf32> -> vector<65x64xf32>
    %concatenate3A_648 = tpu.concatenate %slice3A_460, %slice3A_461 in 1 : vector<65x32xf32>, vector<65x32xf32> -> vector<65x64xf32>
    %concatenate3A_649 = tpu.concatenate %slice3A_461, %slice3A_462 in 1 : vector<65x32xf32>, vector<65x32xf32> -> vector<65x64xf32>
    %concatenate3A_650 = tpu.concatenate %slice3A_462, %slice3A_463 in 1 : vector<65x32xf32>, vector<65x32xf32> -> vector<65x64xf32>
    %concatenate3A_651 = tpu.concatenate %slice3A_463, %slice3A_464 in 1 : vector<65x32xf32>, vector<65x32xf32> -> vector<65x64xf32>
    %concatenate3A_652 = tpu.concatenate %slice3A_464, %concatenate3A_636 in 1 : vector<65x32xf32>, vector<65x32xf32> -> vector<65x64xf32>
    %concatenate3A_653 = tpu.concatenate %concatenate3A_637, %concatenate3A_645 in 1 : vector<65x64xf32>, vector<65x64xf32> -> vector<65x128xf32>
    %concatenate3A_654 = tpu.concatenate %concatenate3A_638, %concatenate3A_646 in 1 : vector<65x64xf32>, vector<65x64xf32> -> vector<65x128xf32>
    %concatenate3A_655 = tpu.concatenate %concatenate3A_639, %concatenate3A_647 in 1 : vector<65x64xf32>, vector<65x64xf32> -> vector<65x128xf32>
    %concatenate3A_656 = tpu.concatenate %concatenate3A_640, %concatenate3A_648 in 1 : vector<65x64xf32>, vector<65x64xf32> -> vector<65x128xf32>
    %concatenate3A_657 = tpu.concatenate %concatenate3A_641, %concatenate3A_649 in 1 : vector<65x64xf32>, vector<65x64xf32> -> vector<65x128xf32>
    %concatenate3A_658 = tpu.concatenate %concatenate3A_642, %concatenate3A_650 in 1 : vector<65x64xf32>, vector<65x64xf32> -> vector<65x128xf32>
    %concatenate3A_659 = tpu.concatenate %concatenate3A_643, %concatenate3A_651 in 1 : vector<65x64xf32>, vector<65x64xf32> -> vector<65x128xf32>
    %concatenate3A_660 = tpu.concatenate %concatenate3A_644, %concatenate3A_652 in 1 : vector<65x64xf32>, vector<65x64xf32> -> vector<65x128xf32>
    %broadcast_in_dim3A_661 = arith.constant 0.000000e+00 : f32
    %broadcast_in_dim3A_662 = vector.broadcast %broadcast_in_dim3A_661 : f32 to vector<1x32xf32>
    %slice3A_663 = vector.extract_strided_slice %slice3A_472 {offsets = [0, 0], sizes = [64, 32], strides = [1, 1]} : vector<65x32xf32> to vector<64x32xf32>
    %concatenate3A_664 = tpu.concatenate %broadcast_in_dim3A_662, %slice3A_663 in 0 : vector<1x32xf32>, vector<64x32xf32> -> vector<65x32xf32>
    %slice3A_665 = vector.extract_strided_slice %slice3A_465 {offsets = [1, 0], sizes = [64, 32], strides = [1, 1]} : vector<65x32xf32> to vector<64x32xf32>
    %concatenate3A_666 = tpu.concatenate %slice3A_665, %broadcast_in_dim3A_662 in 0 : vector<64x32xf32>, vector<1x32xf32> -> vector<65x32xf32>
    %concatenate3A_667 = tpu.concatenate %concatenate3A_664, %slice3A_465 in 1 : vector<65x32xf32>, vector<65x32xf32> -> vector<65x64xf32>
    %concatenate3A_668 = tpu.concatenate %slice3A_465, %slice3A_466 in 1 : vector<65x32xf32>, vector<65x32xf32> -> vector<65x64xf32>
    %concatenate3A_669 = tpu.concatenate %slice3A_466, %slice3A_467 in 1 : vector<65x32xf32>, vector<65x32xf32> -> vector<65x64xf32>
    %concatenate3A_670 = tpu.concatenate %slice3A_467, %slice3A_468 in 1 : vector<65x32xf32>, vector<65x32xf32> -> vector<65x64xf32>
    %concatenate3A_671 = tpu.concatenate %slice3A_468, %slice3A_469 in 1 : vector<65x32xf32>, vector<65x32xf32> -> vector<65x64xf32>
    %concatenate3A_672 = tpu.concatenate %slice3A_469, %slice3A_470 in 1 : vector<65x32xf32>, vector<65x32xf32> -> vector<65x64xf32>
    %concatenate3A_673 = tpu.concatenate %slice3A_470, %slice3A_471 in 1 : vector<65x32xf32>, vector<65x32xf32> -> vector<65x64xf32>
    %concatenate3A_674 = tpu.concatenate %slice3A_471, %slice3A_472 in 1 : vector<65x32xf32>, vector<65x32xf32> -> vector<65x64xf32>
    %concatenate3A_675 = tpu.concatenate %slice3A_465, %slice3A_466 in 1 : vector<65x32xf32>, vector<65x32xf32> -> vector<65x64xf32>
    %concatenate3A_676 = tpu.concatenate %slice3A_466, %slice3A_467 in 1 : vector<65x32xf32>, vector<65x32xf32> -> vector<65x64xf32>
    %concatenate3A_677 = tpu.concatenate %slice3A_467, %slice3A_468 in 1 : vector<65x32xf32>, vector<65x32xf32> -> vector<65x64xf32>
    %concatenate3A_678 = tpu.concatenate %slice3A_468, %slice3A_469 in 1 : vector<65x32xf32>, vector<65x32xf32> -> vector<65x64xf32>
    %concatenate3A_679 = tpu.concatenate %slice3A_469, %slice3A_470 in 1 : vector<65x32xf32>, vector<65x32xf32> -> vector<65x64xf32>
    %concatenate3A_680 = tpu.concatenate %slice3A_470, %slice3A_471 in 1 : vector<65x32xf32>, vector<65x32xf32> -> vector<65x64xf32>
    %concatenate3A_681 = tpu.concatenate %slice3A_471, %slice3A_472 in 1 : vector<65x32xf32>, vector<65x32xf32> -> vector<65x64xf32>
    %concatenate3A_682 = tpu.concatenate %slice3A_472, %concatenate3A_666 in 1 : vector<65x32xf32>, vector<65x32xf32> -> vector<65x64xf32>
    %concatenate3A_683 = tpu.concatenate %concatenate3A_667, %concatenate3A_675 in 1 : vector<65x64xf32>, vector<65x64xf32> -> vector<65x128xf32>
    %concatenate3A_684 = tpu.concatenate %concatenate3A_668, %concatenate3A_676 in 1 : vector<65x64xf32>, vector<65x64xf32> -> vector<65x128xf32>
    %concatenate3A_685 = tpu.concatenate %concatenate3A_669, %concatenate3A_677 in 1 : vector<65x64xf32>, vector<65x64xf32> -> vector<65x128xf32>
    %concatenate3A_686 = tpu.concatenate %concatenate3A_670, %concatenate3A_678 in 1 : vector<65x64xf32>, vector<65x64xf32> -> vector<65x128xf32>
    %concatenate3A_687 = tpu.concatenate %concatenate3A_671, %concatenate3A_679 in 1 : vector<65x64xf32>, vector<65x64xf32> -> vector<65x128xf32>
    %concatenate3A_688 = tpu.concatenate %concatenate3A_672, %concatenate3A_680 in 1 : vector<65x64xf32>, vector<65x64xf32> -> vector<65x128xf32>
    %concatenate3A_689 = tpu.concatenate %concatenate3A_673, %concatenate3A_681 in 1 : vector<65x64xf32>, vector<65x64xf32> -> vector<65x128xf32>
    %concatenate3A_690 = tpu.concatenate %concatenate3A_674, %concatenate3A_682 in 1 : vector<65x64xf32>, vector<65x64xf32> -> vector<65x128xf32>
    %broadcast_in_dim3A_691 = arith.constant 0.000000e+00 : f32
    %broadcast_in_dim3A_692 = vector.broadcast %broadcast_in_dim3A_691 : f32 to vector<1x32xf32>
    %slice3A_693 = vector.extract_strided_slice %slice3A_480 {offsets = [0, 0], sizes = [64, 32], strides = [1, 1]} : vector<65x32xf32> to vector<64x32xf32>
    %concatenate3A_694 = tpu.concatenate %broadcast_in_dim3A_692, %slice3A_693 in 0 : vector<1x32xf32>, vector<64x32xf32> -> vector<65x32xf32>
    %slice3A_695 = vector.extract_strided_slice %slice3A_473 {offsets = [1, 0], sizes = [64, 32], strides = [1, 1]} : vector<65x32xf32> to vector<64x32xf32>
    %concatenate3A_696 = tpu.concatenate %slice3A_695, %broadcast_in_dim3A_692 in 0 : vector<64x32xf32>, vector<1x32xf32> -> vector<65x32xf32>
    %concatenate3A_697 = tpu.concatenate %concatenate3A_694, %slice3A_473 in 1 : vector<65x32xf32>, vector<65x32xf32> -> vector<65x64xf32>
    %concatenate3A_698 = tpu.concatenate %slice3A_473, %slice3A_474 in 1 : vector<65x32xf32>, vector<65x32xf32> -> vector<65x64xf32>
    %concatenate3A_699 = tpu.concatenate %slice3A_474, %slice3A_475 in 1 : vector<65x32xf32>, vector<65x32xf32> -> vector<65x64xf32>
    %concatenate3A_700 = tpu.concatenate %slice3A_475, %slice3A_476 in 1 : vector<65x32xf32>, vector<65x32xf32> -> vector<65x64xf32>
    %concatenate3A_701 = tpu.concatenate %slice3A_476, %slice3A_477 in 1 : vector<65x32xf32>, vector<65x32xf32> -> vector<65x64xf32>
    %concatenate3A_702 = tpu.concatenate %slice3A_477, %slice3A_478 in 1 : vector<65x32xf32>, vector<65x32xf32> -> vector<65x64xf32>
    %concatenate3A_703 = tpu.concatenate %slice3A_478, %slice3A_479 in 1 : vector<65x32xf32>, vector<65x32xf32> -> vector<65x64xf32>
    %concatenate3A_704 = tpu.concatenate %slice3A_479, %slice3A_480 in 1 : vector<65x32xf32>, vector<65x32xf32> -> vector<65x64xf32>
    %concatenate3A_705 = tpu.concatenate %slice3A_473, %slice3A_474 in 1 : vector<65x32xf32>, vector<65x32xf32> -> vector<65x64xf32>
    %concatenate3A_706 = tpu.concatenate %slice3A_474, %slice3A_475 in 1 : vector<65x32xf32>, vector<65x32xf32> -> vector<65x64xf32>
    %concatenate3A_707 = tpu.concatenate %slice3A_475, %slice3A_476 in 1 : vector<65x32xf32>, vector<65x32xf32> -> vector<65x64xf32>
    %concatenate3A_708 = tpu.concatenate %slice3A_476, %slice3A_477 in 1 : vector<65x32xf32>, vector<65x32xf32> -> vector<65x64xf32>
    %concatenate3A_709 = tpu.concatenate %slice3A_477, %slice3A_478 in 1 : vector<65x32xf32>, vector<65x32xf32> -> vector<65x64xf32>
    %concatenate3A_710 = tpu.concatenate %slice3A_478, %slice3A_479 in 1 : vector<65x32xf32>, vector<65x32xf32> -> vector<65x64xf32>
    %concatenate3A_711 = tpu.concatenate %slice3A_479, %slice3A_480 in 1 : vector<65x32xf32>, vector<65x32xf32> -> vector<65x64xf32>
    %concatenate3A_712 = tpu.concatenate %slice3A_480, %concatenate3A_696 in 1 : vector<65x32xf32>, vector<65x32xf32> -> vector<65x64xf32>
    %concatenate3A_713 = tpu.concatenate %concatenate3A_697, %concatenate3A_705 in 1 : vector<65x64xf32>, vector<65x64xf32> -> vector<65x128xf32>
    %concatenate3A_714 = tpu.concatenate %concatenate3A_698, %concatenate3A_706 in 1 : vector<65x64xf32>, vector<65x64xf32> -> vector<65x128xf32>
    %concatenate3A_715 = tpu.concatenate %concatenate3A_699, %concatenate3A_707 in 1 : vector<65x64xf32>, vector<65x64xf32> -> vector<65x128xf32>
    %concatenate3A_716 = tpu.concatenate %concatenate3A_700, %concatenate3A_708 in 1 : vector<65x64xf32>, vector<65x64xf32> -> vector<65x128xf32>
    %concatenate3A_717 = tpu.concatenate %concatenate3A_701, %concatenate3A_709 in 1 : vector<65x64xf32>, vector<65x64xf32> -> vector<65x128xf32>
    %concatenate3A_718 = tpu.concatenate %concatenate3A_702, %concatenate3A_710 in 1 : vector<65x64xf32>, vector<65x64xf32> -> vector<65x128xf32>
    %concatenate3A_719 = tpu.concatenate %concatenate3A_703, %concatenate3A_711 in 1 : vector<65x64xf32>, vector<65x64xf32> -> vector<65x128xf32>
    %concatenate3A_720 = tpu.concatenate %concatenate3A_704, %concatenate3A_712 in 1 : vector<65x64xf32>, vector<65x64xf32> -> vector<65x128xf32>
    %concatenate3A_721 = tpu.concatenate %concatenate3A_503, %concatenate3A_504, %concatenate3A_505, %concatenate3A_506, %concatenate3A_507, %concatenate3A_508, %concatenate3A_509, %concatenate3A_510, %concatenate3A_533, %concatenate3A_534, %concatenate3A_535, %concatenate3A_536, %concatenate3A_537, %concatenate3A_538, %concatenate3A_539, %concatenate3A_540, %concatenate3A_563, %concatenate3A_564, %concatenate3A_565, %concatenate3A_566, %concatenate3A_567, %concatenate3A_568, %concatenate3A_569, %concatenate3A_570, %concatenate3A_593, %concatenate3A_594, %concatenate3A_595, %concatenate3A_596, %concatenate3A_597, %concatenate3A_598, %concatenate3A_599, %concatenate3A_600, %concatenate3A_623, %concatenate3A_624, %concatenate3A_625, %concatenate3A_626, %concatenate3A_627, %concatenate3A_628, %concatenate3A_629, %concatenate3A_630, %concatenate3A_653, %concatenate3A_654, %concatenate3A_655, %concatenate3A_656, %concatenate3A_657, %concatenate3A_658, %concatenate3A_659, %concatenate3A_660, %concatenate3A_683, %concatenate3A_684, %concatenate3A_685, %concatenate3A_686, %concatenate3A_687, %concatenate3A_688, %concatenate3A_689, %concatenate3A_690, %concatenate3A_713, %concatenate3A_714, %concatenate3A_715, %concatenate3A_716, %concatenate3A_717, %concatenate3A_718, %concatenate3A_719, %concatenate3A_720 in 0 : vector<65x128xf32>, vector<65x128xf32>, vector<65x128xf32>, vector<65x128xf32>, vector<65x128xf32>, vector<65x128xf32>, vector<65x128xf32>, vector<65x128xf32>, vector<65x128xf32>, vector<65x128xf32>, vector<65x128xf32>, vector<65x128xf32>, vector<65x128xf32>, vector<65x128xf32>, vector<65x128xf32>, vector<65x128xf32>, vector<65x128xf32>, vector<65x128xf32>, vector<65x128xf32>, vector<65x128xf32>, vector<65x128xf32>, vector<65x128xf32>, vector<65x128xf32>, vector<65x128xf32>, vector<65x128xf32>, vector<65x128xf32>, vector<65x128xf32>, vector<65x128xf32>, vector<65x128xf32>, vector<65x128xf32>, vector<65x128xf32>, vector<65x128xf32>, vector<65x128xf32>, vector<65x128xf32>, vector<65x128xf32>, vector<65x128xf32>, vector<65x128xf32>, vector<65x128xf32>, vector<65x128xf32>, vector<65x128xf32>, vector<65x128xf32>, vector<65x128xf32>, vector<65x128xf32>, vector<65x128xf32>, vector<65x128xf32>, vector<65x128xf32>, vector<65x128xf32>, vector<65x128xf32>, vector<65x128xf32>, vector<65x128xf32>, vector<65x128xf32>, vector<65x128xf32>, vector<65x128xf32>, vector<65x128xf32>, vector<65x128xf32>, vector<65x128xf32>, vector<65x128xf32>, vector<65x128xf32>, vector<65x128xf32>, vector<65x128xf32>, vector<65x128xf32>, vector<65x128xf32>, vector<65x128xf32>, vector<65x128xf32> -> vector<4160x128xf32>
    %get3A_722 = arith.constant 0 : index
    %get3A_723 = arith.constant 0 : index
    %get3A_724 = vector.load %arg9[%get3A_722, %get3A_723] : memref<128x2xf32, #tpu.memory_space<vmem>>, vector<128x2xf32>
    %dot_general3A_725 = arith.constant dense<0.000000e+00> : vector<4160x2xf32>
    %dot_general3A_726 = tpu.matmul %concatenate3A_721, %get3A_724, %dot_general3A_725 {dimension_numbers = #tpu.dot_dimension_numbers<[1], [0], [0], [1], [0, 0, 1, 1], [], []>, transpose_lhs_hint = false} : vector<4160x128xf32>, vector<128x2xf32>, vector<4160x2xf32> -> vector<4160x2xf32>
    %slice3A_727 = vector.extract_strided_slice %dot_general3A_726 {offsets = [0, 0], sizes = [65, 2], strides = [1, 1]} : vector<4160x2xf32> to vector<65x2xf32>
    %slice3A_728 = vector.extract_strided_slice %dot_general3A_726 {offsets = [65, 0], sizes = [65, 2], strides = [1, 1]} : vector<4160x2xf32> to vector<65x2xf32>
    %slice3A_729 = vector.extract_strided_slice %dot_general3A_726 {offsets = [130, 0], sizes = [65, 2], strides = [1, 1]} : vector<4160x2xf32> to vector<65x2xf32>
    %slice3A_730 = vector.extract_strided_slice %dot_general3A_726 {offsets = [195, 0], sizes = [65, 2], strides = [1, 1]} : vector<4160x2xf32> to vector<65x2xf32>
    %slice3A_731 = vector.extract_strided_slice %dot_general3A_726 {offsets = [260, 0], sizes = [65, 2], strides = [1, 1]} : vector<4160x2xf32> to vector<65x2xf32>
    %slice3A_732 = vector.extract_strided_slice %dot_general3A_726 {offsets = [325, 0], sizes = [65, 2], strides = [1, 1]} : vector<4160x2xf32> to vector<65x2xf32>
    %slice3A_733 = vector.extract_strided_slice %dot_general3A_726 {offsets = [390, 0], sizes = [65, 2], strides = [1, 1]} : vector<4160x2xf32> to vector<65x2xf32>
    %slice3A_734 = vector.extract_strided_slice %dot_general3A_726 {offsets = [455, 0], sizes = [65, 2], strides = [1, 1]} : vector<4160x2xf32> to vector<65x2xf32>
    %concatenate3A_735 = tpu.concatenate %slice3A_727, %slice3A_728, %slice3A_729, %slice3A_730, %slice3A_731, %slice3A_732, %slice3A_733, %slice3A_734 in 1 : vector<65x2xf32>, vector<65x2xf32>, vector<65x2xf32>, vector<65x2xf32>, vector<65x2xf32>, vector<65x2xf32>, vector<65x2xf32>, vector<65x2xf32> -> vector<65x16xf32>
    %swap3A = arith.constant 0 : index
    %swap3A_736 = arith.constant 0 : index
    %swap3A_737 = arith.constant 0 : index
    %swap3A_738 = vector.load %arg10[%swap3A, %swap3A_736, %swap3A_737] : memref<8x65x16xf32, #tpu.memory_space<vmem>>, vector<1x65x16xf32>
    %swap3A_739 = vector.shape_cast %swap3A_738 : vector<1x65x16xf32> to vector<65x16xf32>
    %swap3A_740 = vector.shape_cast %concatenate3A_735 : vector<65x16xf32> to vector<1x65x16xf32>
    tpu.vector_store %arg10[%swap3A, %swap3A_736, %swap3A_737], %swap3A_740 {strides = array<i32>} : memref<8x65x16xf32, #tpu.memory_space<vmem>>, vector<1x65x16xf32>,
    %slice3A_741 = vector.extract_strided_slice %dot_general3A_726 {offsets = [520, 0], sizes = [65, 2], strides = [1, 1]} : vector<4160x2xf32> to vector<65x2xf32>
    %slice3A_742 = vector.extract_strided_slice %dot_general3A_726 {offsets = [585, 0], sizes = [65, 2], strides = [1, 1]} : vector<4160x2xf32> to vector<65x2xf32>
    %slice3A_743 = vector.extract_strided_slice %dot_general3A_726 {offsets = [650, 0], sizes = [65, 2], strides = [1, 1]} : vector<4160x2xf32> to vector<65x2xf32>
    %slice3A_744 = vector.extract_strided_slice %dot_general3A_726 {offsets = [715, 0], sizes = [65, 2], strides = [1, 1]} : vector<4160x2xf32> to vector<65x2xf32>
    %slice3A_745 = vector.extract_strided_slice %dot_general3A_726 {offsets = [780, 0], sizes = [65, 2], strides = [1, 1]} : vector<4160x2xf32> to vector<65x2xf32>
    %slice3A_746 = vector.extract_strided_slice %dot_general3A_726 {offsets = [845, 0], sizes = [65, 2], strides = [1, 1]} : vector<4160x2xf32> to vector<65x2xf32>
    %slice3A_747 = vector.extract_strided_slice %dot_general3A_726 {offsets = [910, 0], sizes = [65, 2], strides = [1, 1]} : vector<4160x2xf32> to vector<65x2xf32>
    %slice3A_748 = vector.extract_strided_slice %dot_general3A_726 {offsets = [975, 0], sizes = [65, 2], strides = [1, 1]} : vector<4160x2xf32> to vector<65x2xf32>
    %concatenate3A_749 = tpu.concatenate %slice3A_741, %slice3A_742, %slice3A_743, %slice3A_744, %slice3A_745, %slice3A_746, %slice3A_747, %slice3A_748 in 1 : vector<65x2xf32>, vector<65x2xf32>, vector<65x2xf32>, vector<65x2xf32>, vector<65x2xf32>, vector<65x2xf32>, vector<65x2xf32>, vector<65x2xf32> -> vector<65x16xf32>
    %swap3A_750 = arith.constant 1 : index
    %swap3A_751 = arith.constant 0 : index
    %swap3A_752 = arith.constant 0 : index
    %swap3A_753 = vector.load %arg10[%swap3A_750, %swap3A_751, %swap3A_752] : memref<8x65x16xf32, #tpu.memory_space<vmem>>, vector<1x65x16xf32>
    %swap3A_754 = vector.shape_cast %swap3A_753 : vector<1x65x16xf32> to vector<65x16xf32>
    %swap3A_755 = vector.shape_cast %concatenate3A_749 : vector<65x16xf32> to vector<1x65x16xf32>
    tpu.vector_store %arg10[%swap3A_750, %swap3A_751, %swap3A_752], %swap3A_755 {strides = array<i32>} : memref<8x65x16xf32, #tpu.memory_space<vmem>>, vector<1x65x16xf32>,
    %slice3A_756 = vector.extract_strided_slice %dot_general3A_726 {offsets = [1040, 0], sizes = [65, 2], strides = [1, 1]} : vector<4160x2xf32> to vector<65x2xf32>
    %slice3A_757 = vector.extract_strided_slice %dot_general3A_726 {offsets = [1105, 0], sizes = [65, 2], strides = [1, 1]} : vector<4160x2xf32> to vector<65x2xf32>
    %slice3A_758 = vector.extract_strided_slice %dot_general3A_726 {offsets = [1170, 0], sizes = [65, 2], strides = [1, 1]} : vector<4160x2xf32> to vector<65x2xf32>
    %slice3A_759 = vector.extract_strided_slice %dot_general3A_726 {offsets = [1235, 0], sizes = [65, 2], strides = [1, 1]} : vector<4160x2xf32> to vector<65x2xf32>
    %slice3A_760 = vector.extract_strided_slice %dot_general3A_726 {offsets = [1300, 0], sizes = [65, 2], strides = [1, 1]} : vector<4160x2xf32> to vector<65x2xf32>
    %slice3A_761 = vector.extract_strided_slice %dot_general3A_726 {offsets = [1365, 0], sizes = [65, 2], strides = [1, 1]} : vector<4160x2xf32> to vector<65x2xf32>
    %slice3A_762 = vector.extract_strided_slice %dot_general3A_726 {offsets = [1430, 0], sizes = [65, 2], strides = [1, 1]} : vector<4160x2xf32> to vector<65x2xf32>
    %slice3A_763 = vector.extract_strided_slice %dot_general3A_726 {offsets = [1495, 0], sizes = [65, 2], strides = [1, 1]} : vector<4160x2xf32> to vector<65x2xf32>
    %concatenate3A_764 = tpu.concatenate %slice3A_756, %slice3A_757, %slice3A_758, %slice3A_759, %slice3A_760, %slice3A_761, %slice3A_762, %slice3A_763 in 1 : vector<65x2xf32>, vector<65x2xf32>, vector<65x2xf32>, vector<65x2xf32>, vector<65x2xf32>, vector<65x2xf32>, vector<65x2xf32>, vector<65x2xf32> -> vector<65x16xf32>
    %swap3A_765 = arith.constant 2 : index
    %swap3A_766 = arith.constant 0 : index
    %swap3A_767 = arith.constant 0 : index
    %swap3A_768 = vector.load %arg10[%swap3A_765, %swap3A_766, %swap3A_767] : memref<8x65x16xf32, #tpu.memory_space<vmem>>, vector<1x65x16xf32>
    %swap3A_769 = vector.shape_cast %swap3A_768 : vector<1x65x16xf32> to vector<65x16xf32>
    %swap3A_770 = vector.shape_cast %concatenate3A_764 : vector<65x16xf32> to vector<1x65x16xf32>
    tpu.vector_store %arg10[%swap3A_765, %swap3A_766, %swap3A_767], %swap3A_770 {strides = array<i32>} : memref<8x65x16xf32, #tpu.memory_space<vmem>>, vector<1x65x16xf32>,
    %slice3A_771 = vector.extract_strided_slice %dot_general3A_726 {offsets = [1560, 0], sizes = [65, 2], strides = [1, 1]} : vector<4160x2xf32> to vector<65x2xf32>
    %slice3A_772 = vector.extract_strided_slice %dot_general3A_726 {offsets = [1625, 0], sizes = [65, 2], strides = [1, 1]} : vector<4160x2xf32> to vector<65x2xf32>
    %slice3A_773 = vector.extract_strided_slice %dot_general3A_726 {offsets = [1690, 0], sizes = [65, 2], strides = [1, 1]} : vector<4160x2xf32> to vector<65x2xf32>
    %slice3A_774 = vector.extract_strided_slice %dot_general3A_726 {offsets = [1755, 0], sizes = [65, 2], strides = [1, 1]} : vector<4160x2xf32> to vector<65x2xf32>
    %slice3A_775 = vector.extract_strided_slice %dot_general3A_726 {offsets = [1820, 0], sizes = [65, 2], strides = [1, 1]} : vector<4160x2xf32> to vector<65x2xf32>
    %slice3A_776 = vector.extract_strided_slice %dot_general3A_726 {offsets = [1885, 0], sizes = [65, 2], strides = [1, 1]} : vector<4160x2xf32> to vector<65x2xf32>
    %slice3A_777 = vector.extract_strided_slice %dot_general3A_726 {offsets = [1950, 0], sizes = [65, 2], strides = [1, 1]} : vector<4160x2xf32> to vector<65x2xf32>
    %slice3A_778 = vector.extract_strided_slice %dot_general3A_726 {offsets = [2015, 0], sizes = [65, 2], strides = [1, 1]} : vector<4160x2xf32> to vector<65x2xf32>
    %concatenate3A_779 = tpu.concatenate %slice3A_771, %slice3A_772, %slice3A_773, %slice3A_774, %slice3A_775, %slice3A_776, %slice3A_777, %slice3A_778 in 1 : vector<65x2xf32>, vector<65x2xf32>, vector<65x2xf32>, vector<65x2xf32>, vector<65x2xf32>, vector<65x2xf32>, vector<65x2xf32>, vector<65x2xf32> -> vector<65x16xf32>
    %swap3A_780 = arith.constant 3 : index
    %swap3A_781 = arith.constant 0 : index
    %swap3A_782 = arith.constant 0 : index
    %swap3A_783 = vector.load %arg10[%swap3A_780, %swap3A_781, %swap3A_782] : memref<8x65x16xf32, #tpu.memory_space<vmem>>, vector<1x65x16xf32>
    %swap3A_784 = vector.shape_cast %swap3A_783 : vector<1x65x16xf32> to vector<65x16xf32>
    %swap3A_785 = vector.shape_cast %concatenate3A_779 : vector<65x16xf32> to vector<1x65x16xf32>
    tpu.vector_store %arg10[%swap3A_780, %swap3A_781, %swap3A_782], %swap3A_785 {strides = array<i32>} : memref<8x65x16xf32, #tpu.memory_space<vmem>>, vector<1x65x16xf32>,
    %slice3A_786 = vector.extract_strided_slice %dot_general3A_726 {offsets = [2080, 0], sizes = [65, 2], strides = [1, 1]} : vector<4160x2xf32> to vector<65x2xf32>
    %slice3A_787 = vector.extract_strided_slice %dot_general3A_726 {offsets = [2145, 0], sizes = [65, 2], strides = [1, 1]} : vector<4160x2xf32> to vector<65x2xf32>
    %slice3A_788 = vector.extract_strided_slice %dot_general3A_726 {offsets = [2210, 0], sizes = [65, 2], strides = [1, 1]} : vector<4160x2xf32> to vector<65x2xf32>
    %slice3A_789 = vector.extract_strided_slice %dot_general3A_726 {offsets = [2275, 0], sizes = [65, 2], strides = [1, 1]} : vector<4160x2xf32> to vector<65x2xf32>
    %slice3A_790 = vector.extract_strided_slice %dot_general3A_726 {offsets = [2340, 0], sizes = [65, 2], strides = [1, 1]} : vector<4160x2xf32> to vector<65x2xf32>
    %slice3A_791 = vector.extract_strided_slice %dot_general3A_726 {offsets = [2405, 0], sizes = [65, 2], strides = [1, 1]} : vector<4160x2xf32> to vector<65x2xf32>
    %slice3A_792 = vector.extract_strided_slice %dot_general3A_726 {offsets = [2470, 0], sizes = [65, 2], strides = [1, 1]} : vector<4160x2xf32> to vector<65x2xf32>
    %slice3A_793 = vector.extract_strided_slice %dot_general3A_726 {offsets = [2535, 0], sizes = [65, 2], strides = [1, 1]} : vector<4160x2xf32> to vector<65x2xf32>
    %concatenate3A_794 = tpu.concatenate %slice3A_786, %slice3A_787, %slice3A_788, %slice3A_789, %slice3A_790, %slice3A_791, %slice3A_792, %slice3A_793 in 1 : vector<65x2xf32>, vector<65x2xf32>, vector<65x2xf32>, vector<65x2xf32>, vector<65x2xf32>, vector<65x2xf32>, vector<65x2xf32>, vector<65x2xf32> -> vector<65x16xf32>
    %swap3A_795 = arith.constant 4 : index
    %swap3A_796 = arith.constant 0 : index
    %swap3A_797 = arith.constant 0 : index
    %swap3A_798 = vector.load %arg10[%swap3A_795, %swap3A_796, %swap3A_797] : memref<8x65x16xf32, #tpu.memory_space<vmem>>, vector<1x65x16xf32>
    %swap3A_799 = vector.shape_cast %swap3A_798 : vector<1x65x16xf32> to vector<65x16xf32>
    %swap3A_800 = vector.shape_cast %concatenate3A_794 : vector<65x16xf32> to vector<1x65x16xf32>
    tpu.vector_store %arg10[%swap3A_795, %swap3A_796, %swap3A_797], %swap3A_800 {strides = array<i32>} : memref<8x65x16xf32, #tpu.memory_space<vmem>>, vector<1x65x16xf32>,
    %slice3A_801 = vector.extract_strided_slice %dot_general3A_726 {offsets = [2600, 0], sizes = [65, 2], strides = [1, 1]} : vector<4160x2xf32> to vector<65x2xf32>
    %slice3A_802 = vector.extract_strided_slice %dot_general3A_726 {offsets = [2665, 0], sizes = [65, 2], strides = [1, 1]} : vector<4160x2xf32> to vector<65x2xf32>
    %slice3A_803 = vector.extract_strided_slice %dot_general3A_726 {offsets = [2730, 0], sizes = [65, 2], strides = [1, 1]} : vector<4160x2xf32> to vector<65x2xf32>
    %slice3A_804 = vector.extract_strided_slice %dot_general3A_726 {offsets = [2795, 0], sizes = [65, 2], strides = [1, 1]} : vector<4160x2xf32> to vector<65x2xf32>
    %slice3A_805 = vector.extract_strided_slice %dot_general3A_726 {offsets = [2860, 0], sizes = [65, 2], strides = [1, 1]} : vector<4160x2xf32> to vector<65x2xf32>
    %slice3A_806 = vector.extract_strided_slice %dot_general3A_726 {offsets = [2925, 0], sizes = [65, 2], strides = [1, 1]} : vector<4160x2xf32> to vector<65x2xf32>
    %slice3A_807 = vector.extract_strided_slice %dot_general3A_726 {offsets = [2990, 0], sizes = [65, 2], strides = [1, 1]} : vector<4160x2xf32> to vector<65x2xf32>
    %slice3A_808 = vector.extract_strided_slice %dot_general3A_726 {offsets = [3055, 0], sizes = [65, 2], strides = [1, 1]} : vector<4160x2xf32> to vector<65x2xf32>
    %concatenate3A_809 = tpu.concatenate %slice3A_801, %slice3A_802, %slice3A_803, %slice3A_804, %slice3A_805, %slice3A_806, %slice3A_807, %slice3A_808 in 1 : vector<65x2xf32>, vector<65x2xf32>, vector<65x2xf32>, vector<65x2xf32>, vector<65x2xf32>, vector<65x2xf32>, vector<65x2xf32>, vector<65x2xf32> -> vector<65x16xf32>
    %swap3A_810 = arith.constant 5 : index
    %swap3A_811 = arith.constant 0 : index
    %swap3A_812 = arith.constant 0 : index
    %swap3A_813 = vector.load %arg10[%swap3A_810, %swap3A_811, %swap3A_812] : memref<8x65x16xf32, #tpu.memory_space<vmem>>, vector<1x65x16xf32>
    %swap3A_814 = vector.shape_cast %swap3A_813 : vector<1x65x16xf32> to vector<65x16xf32>
    %swap3A_815 = vector.shape_cast %concatenate3A_809 : vector<65x16xf32> to vector<1x65x16xf32>
    tpu.vector_store %arg10[%swap3A_810, %swap3A_811, %swap3A_812], %swap3A_815 {strides = array<i32>} : memref<8x65x16xf32, #tpu.memory_space<vmem>>, vector<1x65x16xf32>,
    %slice3A_816 = vector.extract_strided_slice %dot_general3A_726 {offsets = [3120, 0], sizes = [65, 2], strides = [1, 1]} : vector<4160x2xf32> to vector<65x2xf32>
    %slice3A_817 = vector.extract_strided_slice %dot_general3A_726 {offsets = [3185, 0], sizes = [65, 2], strides = [1, 1]} : vector<4160x2xf32> to vector<65x2xf32>
    %slice3A_818 = vector.extract_strided_slice %dot_general3A_726 {offsets = [3250, 0], sizes = [65, 2], strides = [1, 1]} : vector<4160x2xf32> to vector<65x2xf32>
    %slice3A_819 = vector.extract_strided_slice %dot_general3A_726 {offsets = [3315, 0], sizes = [65, 2], strides = [1, 1]} : vector<4160x2xf32> to vector<65x2xf32>
    %slice3A_820 = vector.extract_strided_slice %dot_general3A_726 {offsets = [3380, 0], sizes = [65, 2], strides = [1, 1]} : vector<4160x2xf32> to vector<65x2xf32>
    %slice3A_821 = vector.extract_strided_slice %dot_general3A_726 {offsets = [3445, 0], sizes = [65, 2], strides = [1, 1]} : vector<4160x2xf32> to vector<65x2xf32>
    %slice3A_822 = vector.extract_strided_slice %dot_general3A_726 {offsets = [3510, 0], sizes = [65, 2], strides = [1, 1]} : vector<4160x2xf32> to vector<65x2xf32>
    %slice3A_823 = vector.extract_strided_slice %dot_general3A_726 {offsets = [3575, 0], sizes = [65, 2], strides = [1, 1]} : vector<4160x2xf32> to vector<65x2xf32>
    %concatenate3A_824 = tpu.concatenate %slice3A_816, %slice3A_817, %slice3A_818, %slice3A_819, %slice3A_820, %slice3A_821, %slice3A_822, %slice3A_823 in 1 : vector<65x2xf32>, vector<65x2xf32>, vector<65x2xf32>, vector<65x2xf32>, vector<65x2xf32>, vector<65x2xf32>, vector<65x2xf32>, vector<65x2xf32> -> vector<65x16xf32>
    %swap3A_825 = arith.constant 6 : index
    %swap3A_826 = arith.constant 0 : index
    %swap3A_827 = arith.constant 0 : index
    %swap3A_828 = vector.load %arg10[%swap3A_825, %swap3A_826, %swap3A_827] : memref<8x65x16xf32, #tpu.memory_space<vmem>>, vector<1x65x16xf32>
    %swap3A_829 = vector.shape_cast %swap3A_828 : vector<1x65x16xf32> to vector<65x16xf32>
    %swap3A_830 = vector.shape_cast %concatenate3A_824 : vector<65x16xf32> to vector<1x65x16xf32>
    tpu.vector_store %arg10[%swap3A_825, %swap3A_826, %swap3A_827], %swap3A_830 {strides = array<i32>} : memref<8x65x16xf32, #tpu.memory_space<vmem>>, vector<1x65x16xf32>,
    %slice3A_831 = vector.extract_strided_slice %dot_general3A_726 {offsets = [3640, 0], sizes = [65, 2], strides = [1, 1]} : vector<4160x2xf32> to vector<65x2xf32>
    %slice3A_832 = vector.extract_strided_slice %dot_general3A_726 {offsets = [3705, 0], sizes = [65, 2], strides = [1, 1]} : vector<4160x2xf32> to vector<65x2xf32>
    %slice3A_833 = vector.extract_strided_slice %dot_general3A_726 {offsets = [3770, 0], sizes = [65, 2], strides = [1, 1]} : vector<4160x2xf32> to vector<65x2xf32>
    %slice3A_834 = vector.extract_strided_slice %dot_general3A_726 {offsets = [3835, 0], sizes = [65, 2], strides = [1, 1]} : vector<4160x2xf32> to vector<65x2xf32>
    %slice3A_835 = vector.extract_strided_slice %dot_general3A_726 {offsets = [3900, 0], sizes = [65, 2], strides = [1, 1]} : vector<4160x2xf32> to vector<65x2xf32>
    %slice3A_836 = vector.extract_strided_slice %dot_general3A_726 {offsets = [3965, 0], sizes = [65, 2], strides = [1, 1]} : vector<4160x2xf32> to vector<65x2xf32>
    %slice3A_837 = vector.extract_strided_slice %dot_general3A_726 {offsets = [4030, 0], sizes = [65, 2], strides = [1, 1]} : vector<4160x2xf32> to vector<65x2xf32>
    %slice3A_838 = vector.extract_strided_slice %dot_general3A_726 {offsets = [4095, 0], sizes = [65, 2], strides = [1, 1]} : vector<4160x2xf32> to vector<65x2xf32>
    %concatenate3A_839 = tpu.concatenate %slice3A_831, %slice3A_832, %slice3A_833, %slice3A_834, %slice3A_835, %slice3A_836, %slice3A_837, %slice3A_838 in 1 : vector<65x2xf32>, vector<65x2xf32>, vector<65x2xf32>, vector<65x2xf32>, vector<65x2xf32>, vector<65x2xf32>, vector<65x2xf32>, vector<65x2xf32> -> vector<65x16xf32>
    %swap3A_840 = arith.constant 7 : index
    %swap3A_841 = arith.constant 0 : index
    %swap3A_842 = arith.constant 0 : index
    %swap3A_843 = vector.load %arg10[%swap3A_840, %swap3A_841, %swap3A_842] : memref<8x65x16xf32, #tpu.memory_space<vmem>>, vector<1x65x16xf32>
    %swap3A_844 = vector.shape_cast %swap3A_843 : vector<1x65x16xf32> to vector<65x16xf32>
    %swap3A_845 = vector.shape_cast %concatenate3A_839 : vector<65x16xf32> to vector<1x65x16xf32>
    tpu.vector_store %arg10[%swap3A_840, %swap3A_841, %swap3A_842], %swap3A_845 {strides = array<i32>} : memref<8x65x16xf32, #tpu.memory_space<vmem>>, vector<1x65x16xf32>,
    return
  }
  func.func @transform_0(%arg0: i32) -> (i32, i32, i32) {
    %c0_i32 = arith.constant 0 : i32
    %c0_i32_0 = arith.constant 0 : i32
    %c0_i32_1 = arith.constant 0 : i32
    return %arg0, %c0_i32, %c0_i32_0 : i32, i32, i32
  }
  func.func @transform_1(%arg0: i32) -> (i32, i32, i32) {
    %c0_i32 = arith.constant 0 : i32
    %c0_i32_0 = arith.constant 0 : i32
    %c0_i32_1 = arith.constant 0 : i32
    return %arg0, %c0_i32, %c0_i32_0 : i32, i32, i32
  }
  func.func @transform_2(%arg0: i32) -> (i32, i32) {
    %c0_i32 = arith.constant 0 : i32
    %c0_i32_0 = arith.constant 0 : i32
    %c0_i32_1 = arith.constant 0 : i32
    return %c0_i32, %c0_i32_0 : i32, i32
  }
  func.func @transform_3(%arg0: i32) -> (i32, i32) {
    %c0_i32 = arith.constant 0 : i32
    %c0_i32_0 = arith.constant 0 : i32
    %c0_i32_1 = arith.constant 0 : i32
    return %c0_i32, %c0_i32_0 : i32, i32
  }
  func.func @transform_4(%arg0: i32) -> (i32, i32) {
    %c0_i32 = arith.constant 0 : i32
    %c0_i32_0 = arith.constant 0 : i32
    %c0_i32_1 = arith.constant 0 : i32
    return %c0_i32, %c0_i32_0 : i32, i32
  }
  func.func @transform_5(%arg0: i32) -> (i32, i32) {
    %c0_i32 = arith.constant 0 : i32
    %c0_i32_0 = arith.constant 0 : i32
    %c0_i32_1 = arith.constant 0 : i32
    return %c0_i32, %c0_i32_0 : i32, i32
  }
  func.func @transform_6(%arg0: i32) -> (i32, i32) {
    %c0_i32 = arith.constant 0 : i32
    %c0_i32_0 = arith.constant 0 : i32
    %c0_i32_1 = arith.constant 0 : i32
    return %c0_i32, %c0_i32_0 : i32, i32
  }
  func.func @transform_7(%arg0: i32) -> (i32, i32) {
    %c0_i32 = arith.constant 0 : i32
    %c0_i32_0 = arith.constant 0 : i32
    %c0_i32_1 = arith.constant 0 : i32
    return %c0_i32, %c0_i32_0 : i32, i32
  }
  func.func @transform_8(%arg0: i32) -> (i32, i32) {
    %c0_i32 = arith.constant 0 : i32
    %c0_i32_0 = arith.constant 0 : i32
    %c0_i32_1 = arith.constant 0 : i32
    return %c0_i32, %c0_i32_0 : i32, i32
  }
  func.func @transform_9(%arg0: i32) -> (i32, i32, i32) {
    %c0_i32 = arith.constant 0 : i32
    %c0_i32_0 = arith.constant 0 : i32
    %c0_i32_1 = arith.constant 0 : i32
    return %arg0, %c0_i32, %c0_i32_0 : i32, i32, i32
  }
  func.func @transform_10(%arg0: i32) -> (i32, i32) {
    %c0_i32 = arith.constant 0 : i32
    %c0_i32_0 = arith.constant 0 : i32
    %c0_i32_1 = arith.constant 0 : i32
    return %c0_i32, %c0_i32_0 : i32, i32
  }
}

</mosaic_0001>

<sc_bundles>
// kernel: kernel.7.cloned.1.call-start
scs
__scs_entry_jumppad:
0x0: {  	(pc) =	sbr.rel $0x88, $3  }
0x1: {  	(tag) =	ssettag $0x0;
	lr =	simm.s32 $0x1  }
0x2: {  	[smem:$0x3F8F] =	sst lr;
	_ =	strace $0xD0000000  }
0x3: {  	_ = 	snop  }
0x4: {  	_ = 	snop  }
0x5: {  	_ = 	snop  }
0x6: {  	_ = 	snop  }
0x7: {  	_ = 	snop  }
__scs_overlays_trampoline_lowered:
0x8: {  	[smem:$0x3F9E] =	sst s0  }
0x9: {  	[smem:$0x3F9F] =	sst s1  }
0xa: {  	[smem:$0x3FA0] =	sst s2  }
0xb: {  	[smem:$0x3FA1] =	sst s3  }
0xc: {  	[smem:$0x3FA2] =	sst s4  }
0xd: {  	[smem:$0x3FA3] =	sst s5  }
0xe: {  	[smem:$0x3FA4] =	sst s6  }
0xf: {  	[smem:$0x3FA5] =	sst s7  }
0x10: {  	[smem:$0x3FA6] =	sst s8  }
0x11: {  	[smem:$0x3FA7] =	sst s9;
	s0 =	simm.s32 @!p0 $0x0  }
0x12: {  	s1 =	sld [smem:$0x3F8D];
	s0 =	simm.s32 @p0 $0x1  }
0x13: {  	[smem:$0x3FA8] =	sst s0;
	s0 =	simm.s32 @!p1 $0x0  }
0x14: {  	s2 =	sld [smem:$0x3F8C];
	s0 =	simm.s32 @p1 $0x1  }
0x15: {  	[smem:$0x3FA9] =	sst s0;
	s0 =	simm.s32 @!p2 $0x0  }
0x16: {  	s3 =	sld [smem:$0x3FDB];
	s0 =	simm.s32 @p2 $0x1  }
0x17: {  	s4 =	simm.s32 $0x1BF5;
	[smem:$0x3FAB] =	sst s0  }
0x18: {  	s0 =	sld [smem:$0x3F8E];
	_ =	swait.ge [sflag:s4], $0x0  }
0x19: {  	s7 =	sld [smem:$0x3F8F]  }
0x1a: {  	s8 =	sadd.s32 $0xFFFFE003, lr  }
0x1b: {  	s9 =	sadd.s32 $0xFFFFFEF7, lr;
	s5 =	simm.s32 $0xFFFFFFFF;
	p2 =	slt.u32 s8, $0xFFFFF086  }
0x1c: {  	p1 =	slt.u32 s9, $0xF7A;
	s5 =	simm.s32 @!p2 $0x0  }
0x1d: {  	s5 =	simm.s32 @p1 $0x1;
	p0 =	seq.s32 s7, s2  }
0x1e: {  	s7 =	smul.u32 @!p0 $0xF7A, s2;
	p2 =	seq.s32 @!p0 s5, $0x0  }
0x1f: {  	s9 =	smul.u32 $0xF7A, s1;
	s8 =	simm.s32 @!p0 $0x1BF5;
	p2 =	por !p2, p0  }
0x20: {  	[sflag:s8] =	ssyncset.s32 @!p0 $0xFFFFF086;
	s6 =	sadd.s32 @!p0 s3, s7;
	s7 =	simm.s32 @!p0 $0x108  }
0x21: {  	s3 =	sadd.s32 s3, s9;
	s6 =	sadd.s32 @!p0 $0x88, s6;
	s7 =	simm.s32 @p2 $0x1082  }
0x22: {  	[simem:s7], [sflag:s8] =	dma.local @!p0 [hbm:s6], $0xF7A  }
0x23: {  	s9 =	sor.u32 $0xD0000000, s2;
	s6 =	simm.s32 $0x108;
	_ =	swait.ge @!p0 [sflag:s8], $0x0  }
0x24: {  	s3 =	sadd.s32 $0x88, s3;
	s6 =	simm.s32 @!p1 $0x1082;
	[sflag:s4] =	ssyncset.s32 $0xFFFFF086  }
0x25: {  	[simem:s6], [sflag:s4] =	dma.local [hbm:s3], $0xF7A  }
0x26: {  	[smem:$0x3F8F] =	sst s1;
	(tag) =	ssettag s2;
	_ =	strace s9  }
0x27: {  	s1 =	sld [smem:$0x3F9F]  }
0x28: {  	s2 =	sld [smem:$0x3FA0]  }
0x29: {  	s4 =	sld [smem:$0x3FA2]  }
0x2a: {  	p0 =	seq.s32 s5, $0x0;
	s5 =	sld [smem:$0x3FA3]  }
0x2b: {  	s6 =	sld [smem:$0x3FA4]  }
0x2c: {  	s7 =	sld [smem:$0x3FA5]  }
0x2d: {  	s3 =	simm.s32 $0x108;
	s8 =	sld [smem:$0x3FA6]  }
0x2e: {  	s3 =	simm.s32 @!p0 $0x1082;
	s9 =	sld [smem:$0x3FA7]  }
0x2f: {  	lr =	sadd.s32 s0, s3;
	s0 =	sld [smem:$0x3F9E]  }
0x30: {  	s3 =	sld [smem:$0x3FA1]  }
0x31: {  	[smem:$0x3FAA] =	sst s10  }
0x32: {  	s10 =	sld [smem:$0x3FA8];
	_ =	sdelay $0x3  }
0x33: {  	p0 =	seq.s32 s10, $0x1;
	s10 =	sld [smem:$0x3FAA];
	_ =	sdelay $0x3  }
0x34: {  	[smem:$0x3FAA] =	sst s10  }
0x35: {  	s10 =	sld [smem:$0x3FA9];
	_ =	sdelay $0x3  }
0x36: {  	p1 =	seq.s32 s10, $0x1;
	s10 =	sld [smem:$0x3FAA];
	_ =	sdelay $0x3  }
0x37: {  	[smem:$0x3FAA] =	sst s10  }
0x38: {  	s10 =	sld [smem:$0x3FAB]  }
0x39: {  	_ = 	snop;
	(pc) =	sbr.ind lr, $3  }
0x3a: {  	_ = 	snop  }
0x3b: {  	_ = 	snop  }
0x3c: {  	p2 =	seq.s32 s10, $0x1;
	s10 =	sld [smem:$0x3FAA]  }
0x3d: {  	_ =	shalt  }
0x3e: {  	_ =	shalt  }
0x3f: {  	_ =	shalt  }
0x40: {  	_ =	shalt  }
0x41: {  	_ =	shalt  }
0x42: {  	_ =	shalt  }
0x43: {  	_ =	shalt  }
0x44: {  	_ =	shalt  }
0x45: {  	_ =	shalt  }
0x46: {  	_ =	shalt  }
0x47: {  	_ =	shalt  }
0x48: {  	_ =	shalt  }
0x49: {  	_ =	shalt  }
0x4a: {  	_ =	shalt  }
0x4b: {  	_ =	shalt  }
0x4c: {  	_ =	shalt  }
0x4d: {  	_ =	shalt  }
0x4e: {  	_ =	shalt  }
0x4f: {  	_ =	shalt  }
0x50: {  	_ =	shalt  }
0x51: {  	_ =	shalt  }
0x52: {  	_ =	shalt  }
0x53: {  	_ =	shalt  }
0x54: {  	_ =	shalt  }
0x55: {  	_ =	shalt  }
0x56: {  	_ =	shalt  }
0x57: {  	_ =	shalt  }
0x58: {  	_ =	shalt  }
0x59: {  	_ =	shalt  }
0x5a: {  	_ =	shalt  }
0x5b: {  	_ =	shalt  }
0x5c: {  	_ =	shalt  }
0x5d: {  	_ =	shalt  }
0x5e: {  	_ =	shalt  }
0x5f: {  	_ =	shalt  }
0x60: {  	_ =	shalt  }
0x61: {  	_ =	shalt  }
0x62: {  	_ =	shalt  }
0x63: {  	_ =	shalt  }
0x64: {  	_ =	shalt  }
0x65: {  	_ =	shalt  }
0x66: {  	_ =	shalt  }
0x67: {  	_ =	shalt  }
0x68: {  	_ =	shalt  }
0x69: {  	_ =	shalt  }
0x6a: {  	_ =	shalt  }
0x6b: {  	_ =	shalt  }
0x6c: {  	_ =	shalt  }
0x6d: {  	_ =	shalt  }
0x6e: {  	_ =	shalt  }
0x6f: {  	_ =	shalt  }
0x70: {  	_ =	shalt  }
0x71: {  	_ =	shalt  }
0x72: {  	_ =	shalt  }
0x73: {  	_ =	shalt  }
0x74: {  	_ =	shalt  }
0x75: {  	_ =	shalt  }
0x76: {  	_ =	shalt  }
0x77: {  	_ =	shalt  }
0x78: {  	_ =	shalt  }
0x79: {  	_ =	shalt  }
0x7a: {  	_ =	shalt  }
0x7b: {  	_ =	shalt  }
0x7c: {  	_ =	shalt  }
0x7d: {  	_ =	shalt  }
0x7e: {  	_ =	shalt  }
0x7f: {  	_ =	shalt  }
0x80: {  	_ =	shalt  }
0x81: {  	_ =	shalt  }
0x82: {  	_ =	shalt  }
0x83: {  	_ =	shalt  }
0x84: {  	_ =	shalt  }
0x85: {  	_ =	shalt  }
0x86: {  	_ =	shalt  }
0x87: {  	_ =	shalt  }
.Lfunc_end0:
.L_simem_size_0:
called_computation_lowered:
.L_overlay_start_0:
0x88: {  	s2 =	sld [smem:$0x3FD9]  }
0x89: {  	s3 =	sld [smem:$0x3FFE];
	_ =	sdelay $0x1  }
0x8a: {  	s1 =	srdreg.scid  }
0x8b: {  	s0 =	sand.u32 $0x1, s1  }
0x8c: {  	s14 =	sshll.u32 s0, $0xA;
	s2 =	sadd.s32 s3, s2  }
0x8d: {  	s2 =	sadd.s32 s2, s14  }
0x8e: {  	[smem:$0x3FB6] =	sst s2  }
0x8f: {  	_ = 	snop  }
0x90: {  	s2 =	sld [smem:$0x3FD0];
	_ =	sdelay $0x2  }
0x91: {  	s4 =	simm.s32 $0xA;
	s5 =	simm.s32 $0x10;
	s15 =	sld [smem:$0x3FC4]  }
0x92: {  	[smem:s5], [sflag:s4] =	dma.local [hbm:s2], $0x1  }
0x93: {  	_ =	swait.eq [sflag:s4], $0x1  }
0x94: {  	[sflag:s4] =	ssyncset.done $0x0  }
0x95: {  	[sflag:s4] =	ssyncadd.s32 $0xFFFFFFFF  }
0x96: {  	s16 =	sld [smem:$0x10];
	(tm) =	ssettm $0x1  }
0x97: {  	s17 =	sld [smem:$0x3FFB];
	_ =	sdelay $0x3  }
0x98: {  	_ =	strace s17  }
0x99: {  	s4 =	sld [smem:$0x3FFC];
	_ =	sdelay $0x3  }
0x9a: {  	_ =	strace s4  }
0x9b: {  	s4 =	sld [smem:$0x3FFD];
	_ =	sdelay $0x3  }
0x9c: {  	_ =	strace s4  }
0x9d: {  	_ =	strace $0x8FFFFFFF  }
0x9e: {  	s18 =	sld [smem:$0x3FDB];
	_ =	sdelay $0x1  }
0x9f: {  	s19 =	simm.s32 $_scs_section_size  }
0xa0: {  	s6 =	simm.s32 $_size__tile_overlayer_lowered;
	s7 =	simm.s32 $_tile_overlayer_lowered  }
0xa1: {  	s22 =	simm.s32 $0x1BFF;
	s21 =	sshll.u32 s7, $0x1;
	s4 =	sadd.s32 s19, s18  }
0xa2: {  	s8 =	simm.s32 $0x0;
	s20 =	sshll.u32 s6, $0x1;
	s6 =	sadd.s32 s21, s4  }
0xa3: {  	[timem:s8], [sflag:s22] =	dma.local [hbm:s6], s20  }
0xa4: {  	_ =	swait.ge [sflag:s22], s20  }
0xa5: {  	s5 =	ssub.s32 $0x0, s20;
	[sflag:s22] =	ssyncset.done $0x0  }
0xa6: {  	[sflag:s22] =	ssyncadd.s32 s5;
	_ =	sdelay $0x1  }
0xa7: {  	s23 =	simm.s32 $0x1B8B  }
0xa8: {  	_ =	swait.ge [sflag:s23], $0x1  }
0xa9: {  	[sflag:s23] =	ssyncset.done $0x0  }
0xaa: {  	s25 =	simm.s32 $0x1B8E;
	s24 =	sld [smem:$0x3FFE];
	[sflag:s23] =	ssyncadd.s32 $0xFFFFFFFF  }
0xab: {  	s26 =	simm.s32 $execute0_lowered;
	[smem:$0x3FD2] =	sst s25  }
0xac: {  	s6 =	sshll.u32 s26, $0x1;
	_ =	strace $0x80000046;
	[dreg:$0x1] =	wrdreg $0xFFFFFFFF  }
0xad: {  	s28 =	simm.s32 $_size_execute0_lowered;
	s4 =	sadd.s32 s4, s6;
	[dreg:$0x0] =	wrdreg $0x0  }
0xae: {  	s6 =	sshll.u32 s28, $0x1;
	[dreg:$0x2] =	wrdreg s4  }
0xaf: {  	[dreg:$0x3] =	wrdreg s6  }
0xb0: {  	[dreg:$0x4] =	wrdreg $0xC0  }
0xb1: {  	_ =	task [dreg:s8], $0x5FFFF  }
0xb2: {  	[dreg:$0x1] =	wrdreg $0xFFFFFFFF  }
0xb3: {  	[dreg:$0x0] =	wrdreg $0x60  }
0xb4: {  	[dreg:$0x2] =	wrdreg s16  }
0xb5: {  	[dreg:$0x3] =	wrdreg s15  }
0xb6: {  	[dreg:$0x4] =	wrdreg s24  }
0xb7: {  	[dreg:$0x5] =	wrdreg $0x9  }
0xb8: {  	_ =	task.clear_ibuf [dreg:s8], $0x6FFFF;
	_ =	strace $0x90000046  }
0xb9: {  	s29 =	simm.s32 $0x9;
	_ =	strace $0x80000048  }
0xba: {  	_ =	swait.ge [sflag:s29], $0x1  }
0xbb: {  	[sflag:s29] =	ssyncadd.s32 $0xFFFFFFFF  }
0xbc: {  	_ =	strace $0x90000048  }
0xbd: {  	_ =	sfence  }
0xbe: {  	s30 =	sld [smem:$0x0];
	_ =	sdelay $0x2  }
0xbf: {  	s31 =	sshll.u32 s1, $0xD;
	s1 =	sshrl.u32 s1, $0x2  }
0xc0: {  	s3 =	sand.u32 $0x4000, s31;
	s1 =	sadd.s32 s1, s30  }
0xc1: {  	s0 =	sor.u32 s3, s0;
	s1 =	sshll.u32 s1, $0x11  }
0xc2: {  	s0 =	sor.u32 s1, s0  }
0xc3: {  	s0 =	sadd.s32 $0x8F2B, s0  }
0xc4: {  	[sflag:s0] =	ssyncadd.remote.s32 $0x1  }
0xc5: {  	_ =	sfence.sel $0xFFFF  }
0xc6: {  	[dreg:$0x0] =	wrdreg $0xFFFFFFFF;
	(pc) =	sbr.abs _section_cstart, $3  }
0xc7: {  	[dreg:$0x1] =	wrdreg $0xFFFFFFFF  }
0xc8: {  	_ =	task.clear_ibuf [dreg:s8], $0x2FFFF;
	_ =	strace $0x9FFFFFFF  }
0xc9: {  	(tm) =	ssettm $0x7FFFFFFF  }
tec
execute0_lowered:
.L_overlay_start_1:
0x0: {  	(tag) =	ssettag $0x1  }
0x1: {  	s1 =	stileid.u32  }
0x2: {  	p0 =	sgt.u32 s1, $0x9  }
.Ltmp0:
0x3: {  	s3 =	rddreg [dreg:$0x0];
	(pc) =	sbr.rel @p0 .LBB2_4-.Ltmp0, $4  }
0x4: {  	s5 =	rddreg [dreg:$0x1]  }
0x5: {  	s28 =	rddreg [dreg:$0x2];
	s2 =	simm.s32 $0x0  }
0x6: {  	[smem:$0x7FF] =	sst s2  }
0x7: {  	s0 =	rddreg [dreg:$0x3];
	_ =	strace $0x80000047  }
0x8: {  	s4 =	srdreg.scid  }
0x9: {  	s26 =	sshll.u32 s1, $0x1;
	s25 =	sand.u32 $0x1, s4  }
0xa: {  	s6 =	sor.u32 s25, s26  }
0xb: {  	s4 =	smul.u32 $0x34, s6;
	_ =	sdelay $0x1  }
0xc: {  	s24 =	sshrl.u32 s4, $0x8  }
0xd: {  	s4 =	sshll.u32 s24, $0x1  }
0xe: {  	s4 =	sadd.s32 s3, s4;
	s3 =	simm.s32 $0x2  }
0xf: {  	[tilespmem:s2], [sflag:$0x2] =	stream.linear.gather [hbm4b:s4+s2], $0x10, $0x38;
	[tilespmem:$0x6880] =	vst v63  }
0x10: {  	_ =	swait.ge [sflag:s3], $0x10  }
0x11: {  	[sflag:s3] =	ssyncset.done $0x0  }
0x12: {  	[sflag:s3] =	ssyncadd.s32 $0xFFFFFFF0  }
0x13: {  	v0 =	vld [tilespmem:$0x0];
	_ =	sdelay $0x4  }
0x14: {  	v1 =	vshrl.u32 v0, $0x3  }
0x15: {  	v1 =	vmul.u32 $0x208, v1  }
0x16: {  	v2 =	vlaneseq.u32;
	v3 =	vand.u32 $0x7, v0  }
0x17: {  	v4 =	vshrl.u32 v2, $0x3;
	s7 =	smul.u32 $0x5, s24;
	v0 =	vand.u32 $0x7, v2;
	v3 =	vor.u32 v3, v1  }
0x18: {  	v1 =	vmul.u32 $0x8, v4;
	v63 =	vperm.xlane v3, v0  }
0x19: {  	s6 =	ssub.s32 s6, s7  }
0x1a: {  	s6 =	sand.u32 $0xFF, s6;
	v4 =	vadd.s32 v1, v63  }
0x1b: {  	s26 =	smul.u32 $0x3400, s6;
	_ =	sdelay $0x1  }
0x1c: {  	s6 =	sshrl.u32 s26, $0x3  }
0x1d: {  	vm0 =	vmmov $0xffff;
	s5 =	sadd.s32 s5, s6;
	s6 =	simm.s32 $0x80  }
0x1e: {  	[tilespmem:s6], [sflag:$0x1] =	stream.indirect_vreg.gather [hbm4b:s5+s2], $0x80, v4, vm0, $0xb8;
	[tilespmem:$0x6880] =	vst v63  }
0x1f: {  	s8 =	simm.s32 $0x880;
	s7 =	sadd.s32 $0x100, s5  }
0x20: {  	[tilespmem:s8], [sflag:$0x1] =	stream.indirect_vreg.gather [hbm4b:s7+s2], $0x80, v4, vm0, $0xb8;
	[tilespmem:$0x6880] =	vst v63  }
0x21: {  	s10 =	simm.s32 $0x1080;
	s9 =	sadd.s32 $0x200, s5  }
0x22: {  	[tilespmem:s10], [sflag:$0x1] =	stream.indirect_vreg.gather [hbm4b:s9+s2], $0x80, v4, vm0, $0xb8;
	[tilespmem:$0x6880] =	vst v63  }
0x23: {  	s12 =	simm.s32 $0x1880;
	s11 =	sadd.s32 $0x300, s5  }
0x24: {  	v2 =	vor.u32 $0x8, v2;
	[tilespmem:s12], [sflag:$0x1] =	stream.indirect_vreg.gather [hbm4b:s11+s2], $0x80, v4, vm0, $0xb8;
	[tilespmem:$0x6880] =	vst v63  }
0x25: {  	s14 =	simm.s32 $0x2080;
	s13 =	sadd.s32 $0x400, s5;
	v3 =	vperm.xlane v3, v2  }
0x26: {  	[tilespmem:s14], [sflag:$0x1] =	stream.indirect_vreg.gather [hbm4b:s13+s2], $0x80, v4, vm0, $0xb8;
	[tilespmem:$0x6880] =	vst v63  }
0x27: {  	s16 =	simm.s32 $0x2880;
	s15 =	sadd.s32 $0x500, s5;
	v3 =	vadd.s32 v1, v3  }
0x28: {  	[tilespmem:s16], [sflag:$0x1] =	stream.indirect_vreg.gather [hbm4b:s15+s2], $0x80, v4, vm0, $0xb8;
	[tilespmem:$0x6880] =	vst v63  }
0x29: {  	vm1 =	vmmov $0xff;
	s18 =	simm.s32 $0x3080;
	s17 =	sadd.s32 $0x600, s5  }
0x2a: {  	[tilespmem:s18], [sflag:$0x1] =	stream.indirect_vreg.gather [hbm4b:s17+s2], $0x80, v4, vm1, $0xb8;
	[tilespmem:$0x6880] =	vst v63  }
0x2b: {  	s19 =	simm.s32 $0x3480  }
0x2c: {  	[tilespmem:s19], [sflag:$0x1] =	stream.indirect_vreg.gather [hbm4b:s5+s2], $0x80, v3, vm0, $0xb8;
	[tilespmem:$0x6880] =	vst v63  }
0x2d: {  	s20 =	simm.s32 $0x3C80  }
0x2e: {  	[tilespmem:s20], [sflag:$0x1] =	stream.indirect_vreg.gather [hbm4b:s7+s2], $0x80, v3, vm0, $0xb8;
	[tilespmem:$0x6880] =	vst v63  }
0x2f: {  	s21 =	simm.s32 $0x4480;
	s29 =	smul.u32 $0x20800, s24  }
0x30: {  	[tilespmem:s21], [sflag:$0x1] =	stream.indirect_vreg.gather [hbm4b:s9+s2], $0x80, v3, vm0, $0xb8;
	[tilespmem:$0x6880] =	vst v63  }
0x31: {  	s22 =	simm.s32 $0x4C80;
	s26 =	sadd.s32 s26, s29;
	s29 =	ssub.s32 $0x2, s25  }
0x32: {  	[tilespmem:s22], [sflag:$0x1] =	stream.indirect_vreg.gather [hbm4b:s11+s2], $0x80, v3, vm0, $0xb8;
	[tilespmem:$0x6880] =	vst v63  }
0x33: {  	s23 =	simm.s32 $0x5480;
	s31 =	sshrl.u32 s29, $0x1  }
0x34: {  	[tilespmem:s23], [sflag:$0x1] =	stream.indirect_vreg.gather [hbm4b:s13+s2], $0x80, v3, vm0, $0xb8;
	[tilespmem:$0x6880] =	vst v63  }
0x35: {  	s24 =	simm.s32 $0x5C80;
	s25 =	simm.s32 $0x6480;
	s29 =	ssub.s32 s29, s31  }
0x36: {  	[tilespmem:s24], [sflag:$0x1] =	stream.indirect_vreg.gather [hbm4b:s15+s2], $0x80, v3, vm0, $0xb8;
	[tilespmem:$0x6880] =	vst v63  }
0x37: {  	s30 =	sshrl.u32 s26, $0x3;
	s26 =	simm.s32 $0x1;
	s31 =	smax.u32 s29, $0x1  }
0x38: {  	[tilespmem:s25], [sflag:$0x1] =	stream.indirect_vreg.gather [hbm4b:s17+s2], $0x80, v3, vm1, $0xb8;
	[tilespmem:$0x6880] =	vst v63  }
0x39: {  	s28 =	sadd.s32 s30, s28;
	p0 =	sne.s32 s31, $0x1;
	_ =	swait.ge [sflag:s26], $0x6800  }
.Ltmp1:
0x3a: {  	s30 =	simm.s32 $0x10400;
	[sflag:s26] =	ssyncset.done $0x0;
	(pc) =	sbr.rel @!p0 .LBB2_3-.Ltmp1, $4  }
0x3b: {  	s28 =	sadd.s32 $0x3A00, s28;
	s29 =	simm.s32 $0x3400;
	[sflag:s26] =	ssyncadd.s32 $0xFFFF9800  }
0x3c: {  	[hbm4b:s28+s29] =	stream.strided.scatter [tilespmem:s6], [sflag:$0x2], $0x6800, s30, s29, $0x38;
	[tilespmem:$0x6880] =	vst v63  }
0x3d: {  	_ =	swait.ge [sflag:s3], $0x6800  }
0x3e: {  	s31 =	sadd.s32 $0xFFFFFFFF, s31;
	[sflag:s3] =	ssyncset.done $0x0  }
.LBB2_2:
0x3f: {  	p0 =	sne.s32 s31, $0x1;
	s31 =	sadd.s32 $0xFFFFFFFF, s31;
	[sflag:s3] =	ssyncadd.s32 $0xFFFF9800  }
0x40: {  	[tilespmem:s2], [sflag:$0x2] =	stream.linear.gather [hbm4b:s4+s2], $0x10, $0x38;
	[tilespmem:$0x6880] =	vst v63  }
0x41: {  	_ =	swait.ge [sflag:s3], $0x10  }
0x42: {  	[sflag:s3] =	ssyncset.done $0x0  }
0x43: {  	[sflag:s3] =	ssyncadd.s32 $0xFFFFFFF0  }
0x44: {  	v3 =	vld [tilespmem:$0x0];
	_ =	sdelay $0x4  }
0x45: {  	v4 =	vshrl.u32 v3, $0x3  }
0x46: {  	v4 =	vmul.u32 $0x208, v4  }
0x47: {  	v3 =	vand.u32 $0x7, v3  }
0x48: {  	v3 =	vor.u32 v3, v4  }
0x49: {  	v4 =	vperm.xlane v3, v0;
	v3 =	vperm.xlane v3, v2;
	_ =	sdelay $0x1  }
0x4a: {  	v4 =	vadd.s32 v1, v4;
	_ =	sdelay $0x4  }
0x4b: {  	[tilespmem:s6], [sflag:$0x1] =	stream.indirect_vreg.gather [hbm4b:s5+s2], $0x80, v4, vm0, $0xb8;
	[tilespmem:$0x6880] =	vst v63  }
0x4c: {  	_ = 	snop  }
0x4d: {  	[tilespmem:s8], [sflag:$0x1] =	stream.indirect_vreg.gather [hbm4b:s7+s2], $0x80, v4, vm0, $0xb8;
	[tilespmem:$0x6880] =	vst v63  }
0x4e: {  	_ = 	snop  }
0x4f: {  	[tilespmem:s10], [sflag:$0x1] =	stream.indirect_vreg.gather [hbm4b:s9+s2], $0x80, v4, vm0, $0xb8;
	[tilespmem:$0x6880] =	vst v63  }
0x50: {  	_ = 	snop  }
0x51: {  	[tilespmem:s12], [sflag:$0x1] =	stream.indirect_vreg.gather [hbm4b:s11+s2], $0x80, v4, vm0, $0xb8;
	[tilespmem:$0x6880] =	vst v63  }
0x52: {  	_ = 	snop  }
0x53: {  	[tilespmem:s14], [sflag:$0x1] =	stream.indirect_vreg.gather [hbm4b:s13+s2], $0x80, v4, vm0, $0xb8;
	[tilespmem:$0x6880] =	vst v63  }
0x54: {  	v3 =	vadd.s32 v1, v3  }
0x55: {  	[tilespmem:s16], [sflag:$0x1] =	stream.indirect_vreg.gather [hbm4b:s15+s2], $0x80, v4, vm0, $0xb8;
	[tilespmem:$0x6880] =	vst v63  }
0x56: {  	_ = 	snop  }
0x57: {  	[tilespmem:s18], [sflag:$0x1] =	stream.indirect_vreg.gather [hbm4b:s17+s2], $0x80, v4, vm1, $0xb8;
	[tilespmem:$0x6880] =	vst v63  }
0x58: {  	_ = 	snop  }
0x59: {  	[tilespmem:s19], [sflag:$0x1] =	stream.indirect_vreg.gather [hbm4b:s5+s2], $0x80, v3, vm0, $0xb8;
	[tilespmem:$0x6880] =	vst v63  }
0x5a: {  	_ = 	snop  }
0x5b: {  	[tilespmem:s20], [sflag:$0x1] =	stream.indirect_vreg.gather [hbm4b:s7+s2], $0x80, v3, vm0, $0xb8;
	[tilespmem:$0x6880] =	vst v63  }
0x5c: {  	_ = 	snop  }
0x5d: {  	[tilespmem:s21], [sflag:$0x1] =	stream.indirect_vreg.gather [hbm4b:s9+s2], $0x80, v3, vm0, $0xb8;
	[tilespmem:$0x6880] =	vst v63  }
0x5e: {  	_ = 	snop  }
0x5f: {  	[tilespmem:s22], [sflag:$0x1] =	stream.indirect_vreg.gather [hbm4b:s11+s2], $0x80, v3, vm0, $0xb8;
	[tilespmem:$0x6880] =	vst v63  }
0x60: {  	_ = 	snop  }
0x61: {  	[tilespmem:s23], [sflag:$0x1] =	stream.indirect_vreg.gather [hbm4b:s13+s2], $0x80, v3, vm0, $0xb8;
	[tilespmem:$0x6880] =	vst v63  }
0x62: {  	_ = 	snop  }
0x63: {  	[tilespmem:s24], [sflag:$0x1] =	stream.indirect_vreg.gather [hbm4b:s15+s2], $0x80, v3, vm0, $0xb8;
	[tilespmem:$0x6880] =	vst v63  }
0x64: {  	_ = 	snop  }
0x65: {  	[tilespmem:s25], [sflag:$0x1] =	stream.indirect_vreg.gather [hbm4b:s17+s2], $0x80, v3, vm1, $0xb8;
	[tilespmem:$0x6880] =	vst v63  }
0x66: {  	_ =	swait.ge [sflag:s26], $0x6800  }
.Ltmp2:
0x67: {  	[sflag:s26] =	ssyncset.done $0x0;
	(pc) =	sbr.rel @p0 .LBB2_2-.Ltmp2, $4  }
0x68: {  	[sflag:s26] =	ssyncadd.s32 $0xFFFF9800  }
0x69: {  	[hbm4b:s28+s29] =	stream.strided.scatter [tilespmem:s6], [sflag:$0x2], $0x6800, s30, s29, $0x38;
	[tilespmem:$0x6880] =	vst v63  }
0x6a: {  	_ =	swait.ge [sflag:s3], $0x6800  }
0x6b: {  	[sflag:s3] =	ssyncset.done $0x0  }
.LBB2_3:
0x6c: {  	[sflag:s3] =	ssyncadd.s32 $0xFFFF9800  }
.LBB2_4:
0x6d: {  	_ =	sfence.sel $0x180000  }
0x6e: {  	[bflag:$0x0] =	sbarrier.arrive $0xFFFF  }
0x6f: {  	p0 =	sne.s32 s1, $0x0;
	_ =	strace $0x90000047  }
0x70: {  	s0 =	sadd.s32 @!p0 $0x100000, s0;
	[bflag:$0x2] =	sbarrier.arrive $0xFFFF  }
0x71: {  	[sflag:s0] =	ssyncadd.tile.s32 @!p0 $0x1;
	_ =	shalt  }
.Lfunc_end2:
_tile_overlayer_lowered:
.L_overlay_start_2:
0x72: {  	(tag) =	ssettag $0x2  }
0x73: {  	s0 =	rddreg [dreg:$0x0];
	s2 =	stileid.u32  }
0x74: {  	s1 =	rddreg [dreg:$0x1];
	p0 =	sne.s32 s2, $0x0  }
0x75: {  	s3 =	rddreg [dreg:$0x2];
	[bflag:$0x3] =	sbarrier.arrive $0xFFFF;
	s2 =	simm.s32 @!p0 $0x1C02  }
0x76: {  	[timem:s3], [sflag:s2] =	dma.local @!p0 [hbm:s0], s1  }
0x77: {  	s0 =	simm.s32 @!p0 $0x2  }
0x78: {  	_ =	swait.ge @!p0 [sflag:s0], s1  }
0x79: {  	s1 =	ssub.s32 @!p0 $0x0, s1;
	[sflag:s0] =	ssyncset.done @!p0 $0x0  }
0x7a: {  	[sflag:s0] =	ssyncadd.s32 @!p0 s1  }
0x7b: {  	[bflag:$0x3] =	sbarrier.arrive $0xFFFF  }
0x7c: {  	_ =	shalt  }

</sc_bundles>
